<compile_context>
chip_gen: v7x
topology: tpu7x:2x2x1
jax: 0.10.2.dev20260603
libtpu: 0.0.44.dev20260713+nightly
codegen_flags: <defaults>
</compile_context>

<pallas_src>
import functools

import jax
import jax.numpy as jnp
from jax import lax
from jax.experimental import pallas as pl
from jax.experimental.pallas import tpu as pltpu
from jax.experimental.pallas import tpu_sc as plsc

NUM_CORES = 2
NUM_SUBCORES = 16
NUM_WORKERS = NUM_CORES * NUM_SUBCORES


NBUF = 4


@functools.partial(jax.jit, static_argnums=(2, 3, 4))
def _sc_gather(idx, weight, fields, chunk, nchunk):
    total = idx.shape[0]
    dim = weight.shape[1]
    batch = total // fields
    b_per_w = total // NUM_WORKERS
    xrows_per_chunk = chunk // fields
    mesh = plsc.VectorSubcoreMesh(core_axis_name="c", subcore_axis_name="s")

    @functools.partial(
        pl.kernel,
        mesh=mesh,
        out_type=jax.ShapeDtypeStruct((batch, 32, 128), jnp.float32),
        scratch_types=[
            pltpu.VMEM((b_per_w,), jnp.int32),
            [pltpu.VMEM((chunk, dim), jnp.float32) for _ in range(NBUF)],
            [pltpu.SemaphoreType.DMA for _ in range(NBUF)],
            [pltpu.SemaphoreType.DMA for _ in range(NBUF)],
        ],
        compiler_params=pltpu.CompilerParams(use_tc_tiling_on_sc=False),
    )
    def body(idx_hbm, table_hbm, out_hbm, idx_v, rows_v, gsem, ssem):
        wid = lax.axis_index("s") * NUM_CORES + lax.axis_index("c")
        base = wid * b_per_w
        xrow0 = wid * (b_per_w // fields)

        def gather(c, b):
            return pltpu.async_copy(
                table_hbm.at[idx_v.at[pl.ds(c * chunk, chunk)]], rows_v[b], gsem[b]
            )

        def store(c, b):
            @pl.loop(0, xrows_per_chunk)
            def _(r):
                gi = xrow0 + c * xrows_per_chunk + r
                pltpu.async_copy(
                    rows_v[b].at[pl.ds(r * fields, fields), :],
                    out_hbm.at[gi, pl.ds(0, fields), pl.ds(0, dim)],
                    ssem[b],
                )

        def drain_store(b):
            @pl.loop(0, xrows_per_chunk)
            def _(r):
                pltpu.make_async_copy(
                    out_hbm.at[0, pl.ds(0, fields), pl.ds(0, dim)],
                    rows_v[b].at[pl.ds(0, fields), :],
                    ssem[b],
                ).wait()

        pltpu.sync_copy(idx_hbm.at[pl.ds(base, b_per_w)], idx_v)
        g = [None] * NBUF
        for b in range(min(NBUF, nchunk)):
            g[b] = gather(b, b)
        for c in range(nchunk):
            b = c % NBUF
            g[b].wait()
            store(c, b)
            nxt = c + NBUF
            if nxt < nchunk:
                drain_store(b)
                g[b] = gather(nxt, b)
            else:
                drain_store(b)

    return body(idx, weight)


def kernel(x, weight):
    batch, fields = x.shape
    rows, dim = weight.shape
    total = batch * fields
    flat = x.reshape(total).astype(jnp.int32)
    b_per_w = total // NUM_WORKERS
    nchunk = 16
    chunk = b_per_w // nchunk
    out = _sc_gather(flat, weight, fields, chunk, nchunk)
    return out[:, :fields, :dim]

# --- scband reference (transcript-rebuilt; emitter-appended) ---
"""Pipeline reference for scband-embedding-89936615178246 (READ-ONLY COPY).

The authoritative reference and input builder live on the scoring server;
editing this copy changes nothing except your own understanding.
"""

import jax, jax.numpy as jnp
import numpy as np

NUM_EMBEDDINGS = 1000000
EMBEDDING_DIM = 32
BATCH = 16384
FIELDS = 26


def setup_inputs(seed: int = 0) -> dict:
    key = jax.random.key(seed)
    k_idx, k_w = jax.random.split(key)
    x = jax.random.randint(k_idx, (BATCH, FIELDS), 0, NUM_EMBEDDINGS, dtype=jnp.int64 if jax.config.jax_enable_x64 else jnp.int32)
    weight = jax.random.normal(k_w, (NUM_EMBEDDINGS, EMBEDDING_DIM), dtype=jnp.float32)
    return {"x": x, "weight": weight}


def reference(x, weight):
    # F.embedding(x, weight) -> gather rows of weight at indices x
    output = jnp.take(weight, x, axis=0)
    return output

if __name__ == "__main__":
    import jax
    _d = setup_inputs()
    print(jax.jit(kernel)(*tuple(_d.values())))

</pallas_src>

<mosaic_0001>
#map = affine_map<(d0, d1) -> (0)>
#map1 = affine_map<(d0, d1) -> (0, 0)>
#map2 = affine_map<(d0, d1) -> (0, 0, 0)>
module attributes {stable_mosaic.version = 14 : i64} {
  func.func @body(%arg0: i32, %arg1: i32, %arg2: memref<425984xi32, #tpu.memory_space<hbm>>, %arg3: memref<1000000x32xf32, #tpu.memory_space<hbm>>, %arg4: memref<16384x32x128xf32, #tpu.memory_space<hbm>>, %arg5: memref<13312xi32, #tpu.memory_space<vmem>>, %arg6: memref<832x32xf32, #tpu.memory_space<vmem>>, %arg7: memref<832x32xf32, #tpu.memory_space<vmem>>, %arg8: memref<832x32xf32, #tpu.memory_space<vmem>>, %arg9: memref<832x32xf32, #tpu.memory_space<vmem>>, %arg10: memref<!tpu.dma_semaphore, #tpu.memory_space<semaphore_mem>>, %arg11: memref<!tpu.dma_semaphore, #tpu.memory_space<semaphore_mem>>, %arg12: memref<!tpu.dma_semaphore, #tpu.memory_space<semaphore_mem>>, %arg13: memref<!tpu.dma_semaphore, #tpu.memory_space<semaphore_mem>>, %arg14: memref<!tpu.dma_semaphore, #tpu.memory_space<semaphore_mem>>, %arg15: memref<!tpu.dma_semaphore, #tpu.memory_space<semaphore_mem>>, %arg16: memref<!tpu.dma_semaphore, #tpu.memory_space<semaphore_mem>>, %arg17: memref<!tpu.dma_semaphore, #tpu.memory_space<semaphore_mem>>) attributes {dimension_semantics = [#tpu.dimension_semantics<core_parallel>, #tpu.dimension_semantics<subcore_parallel>], iteration_bounds = array<i64: 2, 16>, scalar_prefetch = 0 : i64, scratch_operands = 13 : i64, tpu.core_type = #tpu.core_type<sc_vector_subcore>, window_params = [{transform_indices = #map}, {transform_indices = #map1}, {transform_indices = #map2}]} {
    %mul3A = arith.constant 2 : i32
    %mul3A_0 = arith.muli %arg1, %mul3A : i32
    %add3A = arith.addi %mul3A_0, %arg0 : i32
    %mul3A_1 = arith.constant 13312 : i32
    %mul3A_2 = arith.muli %add3A, %mul3A_1 : i32
    %mul3A_3 = arith.constant 512 : i32
    %mul3A_4 = arith.muli %add3A, %mul3A_3 : i32
    "tpu.region"() ({
      %run_scoped3A = tpu.sem_alloc : memref<!tpu.dma_semaphore, #tpu.memory_space<semaphore_mem>>
      %dma_start3A_322 = tpu.memref_slice %arg2[%mul3A_2] : memref<425984xi32, #tpu.memory_space<hbm>> -> memref<13312xi32, #tpu.memory_space<hbm>>
      %dma_start3A_323 = tpu.memref_slice %arg2[%mul3A_2] : memref<425984xi32, #tpu.memory_space<hbm>> -> memref<13312xi32, #tpu.memory_space<hbm>>
      tpu.enqueue_dma source(%dma_start3A_323 : memref<13312xi32, #tpu.memory_space<hbm>>) target(%arg5 : memref<13312xi32, #tpu.memory_space<vmem>>) target_semaphore(%run_scoped3A : memref<!tpu.dma_semaphore, #tpu.memory_space<semaphore_mem>>)
      %dma_wait3A_324 = tpu.memref_slice %arg2[%mul3A_2] : memref<425984xi32, #tpu.memory_space<hbm>> -> memref<13312xi32, #tpu.memory_space<hbm>>
      %dma_wait3A_325 = tpu.memref_slice %arg2[%mul3A_2] : memref<425984xi32, #tpu.memory_space<hbm>> -> memref<13312xi32, #tpu.memory_space<hbm>>
      tpu.wait_dma2 semaphore(%run_scoped3A : memref<!tpu.dma_semaphore, #tpu.memory_space<semaphore_mem>>) src(%dma_wait3A_325 : memref<13312xi32, #tpu.memory_space<hbm>>) dst(%arg5 : memref<13312xi32, #tpu.memory_space<vmem>>)
      tpu.yield
    }) : () -> ()
    %dma_start3A = arith.constant 0 : i32
    %dma_start3A_5 = tpu.memref_slice %arg5[%dma_start3A] : memref<13312xi32, #tpu.memory_space<vmem>> -> memref<832xi32, #tpu.memory_space<vmem>>
    %dma_start3A_6 = arith.constant 0 : i32
    %dma_start3A_7 = arith.constant 0 : i32
    %dma_start3A_8 = tpu.memref_slice %arg3[%dma_start3A_6, %dma_start3A_7] : memref<1000000x32xf32, #tpu.memory_space<hbm>> -> memref<1000000x32xf32, #tpu.memory_space<hbm>>
    tpu.enqueue_indirect_dma source(%dma_start3A_8 : memref<1000000x32xf32, #tpu.memory_space<hbm>>) target(%arg6 : memref<832x32xf32, #tpu.memory_space<vmem>>) offsets(%dma_start3A_5 : memref<832xi32, #tpu.memory_space<vmem>>) semaphore(%arg10 : memref<!tpu.dma_semaphore, #tpu.memory_space<semaphore_mem>>)
    %dma_start3A_9 = arith.constant 832 : i32
    %dma_start3A_10 = tpu.memref_slice %arg5[%dma_start3A_9] : memref<13312xi32, #tpu.memory_space<vmem>> -> memref<832xi32, #tpu.memory_space<vmem>>
    %dma_start3A_11 = arith.constant 0 : i32
    %dma_start3A_12 = arith.constant 0 : i32
    %dma_start3A_13 = tpu.memref_slice %arg3[%dma_start3A_11, %dma_start3A_12] : memref<1000000x32xf32, #tpu.memory_space<hbm>> -> memref<1000000x32xf32, #tpu.memory_space<hbm>>
    tpu.enqueue_indirect_dma source(%dma_start3A_13 : memref<1000000x32xf32, #tpu.memory_space<hbm>>) target(%arg7 : memref<832x32xf32, #tpu.memory_space<vmem>>) offsets(%dma_start3A_10 : memref<832xi32, #tpu.memory_space<vmem>>) semaphore(%arg11 : memref<!tpu.dma_semaphore, #tpu.memory_space<semaphore_mem>>)
    %dma_start3A_14 = arith.constant 1664 : i32
    %dma_start3A_15 = tpu.memref_slice %arg5[%dma_start3A_14] : memref<13312xi32, #tpu.memory_space<vmem>> -> memref<832xi32, #tpu.memory_space<vmem>>
    %dma_start3A_16 = arith.constant 0 : i32
    %dma_start3A_17 = arith.constant 0 : i32
    %dma_start3A_18 = tpu.memref_slice %arg3[%dma_start3A_16, %dma_start3A_17] : memref<1000000x32xf32, #tpu.memory_space<hbm>> -> memref<1000000x32xf32, #tpu.memory_space<hbm>>
    tpu.enqueue_indirect_dma source(%dma_start3A_18 : memref<1000000x32xf32, #tpu.memory_space<hbm>>) target(%arg8 : memref<832x32xf32, #tpu.memory_space<vmem>>) offsets(%dma_start3A_15 : memref<832xi32, #tpu.memory_space<vmem>>) semaphore(%arg12 : memref<!tpu.dma_semaphore, #tpu.memory_space<semaphore_mem>>)
    %dma_start3A_19 = arith.constant 2496 : i32
    %dma_start3A_20 = tpu.memref_slice %arg5[%dma_start3A_19] : memref<13312xi32, #tpu.memory_space<vmem>> -> memref<832xi32, #tpu.memory_space<vmem>>
    %dma_start3A_21 = arith.constant 0 : i32
    %dma_start3A_22 = arith.constant 0 : i32
    %dma_start3A_23 = tpu.memref_slice %arg3[%dma_start3A_21, %dma_start3A_22] : memref<1000000x32xf32, #tpu.memory_space<hbm>> -> memref<1000000x32xf32, #tpu.memory_space<hbm>>
    tpu.enqueue_indirect_dma source(%dma_start3A_23 : memref<1000000x32xf32, #tpu.memory_space<hbm>>) target(%arg9 : memref<832x32xf32, #tpu.memory_space<vmem>>) offsets(%dma_start3A_20 : memref<832xi32, #tpu.memory_space<vmem>>) semaphore(%arg13 : memref<!tpu.dma_semaphore, #tpu.memory_space<semaphore_mem>>)
    %dma_wait3A = arith.constant 0 : i32
    %dma_wait3A_24 = tpu.memref_slice %arg5[%dma_wait3A] : memref<13312xi32, #tpu.memory_space<vmem>> -> memref<832xi32, #tpu.memory_space<vmem>>
    %dma_wait3A_25 = arith.constant 0 : i32
    %dma_wait3A_26 = arith.constant 0 : i32
    %dma_wait3A_27 = tpu.memref_slice %arg3[%dma_wait3A_25, %dma_wait3A_26] : memref<1000000x32xf32, #tpu.memory_space<hbm>> -> memref<1000000x32xf32, #tpu.memory_space<hbm>>
    tpu.wait_indirect_dma semaphore(%arg10 : memref<!tpu.dma_semaphore, #tpu.memory_space<semaphore_mem>>) src(%dma_wait3A_27 : memref<1000000x32xf32, #tpu.memory_space<hbm>>) dst(%arg6 : memref<832x32xf32, #tpu.memory_space<vmem>>)
    %scan3A = arith.constant 0 : i32
    %scan3A_28 = arith.constant 32 : i32
    %scan3A_29 = arith.addi %scan3A, %scan3A_28 : i32
    %scan3A_30 = arith.constant 1 : i32
    scf.for %scan3A_322 = %scan3A to %scan3A_29 step %scan3A_30  : i32 {
      %mul3A_323 = arith.constant 1 : i32
      %mul3A_324 = arith.muli %scan3A_322, %mul3A_323 : i32
      %add3A_325 = arith.constant 0 : i32
      %add3A_326 = arith.addi %add3A_325, %mul3A_324 : i32
      %add3A_327 = arith.constant 0 : i32
      %add3A_328 = arith.addi %mul3A_4, %add3A_327 : i32
      %add3A_329 = arith.addi %add3A_328, %add3A_326 : i32
      %mul3A_330 = arith.constant 26 : i32
      %mul3A_331 = arith.muli %add3A_326, %mul3A_330 : i32
      %dma_start3A_332 = arith.constant 0 : i32
      %dma_start3A_333 = tpu.memref_slice %arg6[%mul3A_331, %dma_start3A_332] : memref<832x32xf32, #tpu.memory_space<vmem>> -> memref<26x32xf32, #tpu.memory_space<vmem>>
      %dma_start3A_334 = arith.constant 0 : i32
      %dma_start3A_335 = arith.constant 0 : i32
      %dma_start3A_336 = tpu.memref_slice %arg4[%add3A_329, %dma_start3A_334, %dma_start3A_335] : memref<16384x32x128xf32, #tpu.memory_space<hbm>> -> memref<1x26x32xf32, #tpu.memory_space<hbm>>
      %dma_start3A_337 = tpu.memref_squeeze %dma_start3A_336 : memref<1x26x32xf32, #tpu.memory_space<hbm>> -> memref<26x32xf32, #tpu.memory_space<hbm>>
      %dma_start3A_338 = arith.constant 0 : i32
      %dma_start3A_339 = arith.constant 0 : i32
      %dma_start3A_340 = tpu.memref_slice %arg4[%add3A_329, %dma_start3A_338, %dma_start3A_339] : memref<16384x32x128xf32, #tpu.memory_space<hbm>> -> memref<1x26x32xf32, #tpu.memory_space<hbm>>
      %dma_start3A_341 = tpu.memref_squeeze %dma_start3A_340 : memref<1x26x32xf32, #tpu.memory_space<hbm>> -> memref<26x32xf32, #tpu.memory_space<hbm>>
      %dma_start3A_342 = arith.constant 0 : i32
      %dma_start3A_343 = tpu.memref_slice %arg6[%mul3A_331, %dma_start3A_342] : memref<832x32xf32, #tpu.memory_space<vmem>> -> memref<26x32xf32, #tpu.memory_space<vmem>>
      tpu.enqueue_dma source(%dma_start3A_343 : memref<26x32xf32, #tpu.memory_space<vmem>>) target(%dma_start3A_341 : memref<26x32xf32, #tpu.memory_space<hbm>>) target_semaphore(%arg14 : memref<!tpu.dma_semaphore, #tpu.memory_space<semaphore_mem>>)
    }
    %scan3A_31 = arith.constant 32 : i32
    %scan3A_32 = arith.constant 0 : i32
    %scan3A_33 = arith.constant 32 : i32
    %scan3A_34 = arith.addi %scan3A_32, %scan3A_33 : i32
    %scan3A_35 = arith.constant 1 : i32
    scf.for %scan3A_322 = %scan3A_32 to %scan3A_34 step %scan3A_35  : i32 {
      %mul3A_323 = arith.constant 1 : i32
      %mul3A_324 = arith.muli %scan3A_322, %mul3A_323 : i32
      %add3A_325 = arith.constant 0 : i32
      %add3A_326 = arith.addi %add3A_325, %mul3A_324 : i32
      %dma_wait3A_327 = arith.constant 0 : i32
      %dma_wait3A_328 = arith.constant 0 : i32
      %dma_wait3A_329 = arith.constant 0 : i32
      %dma_wait3A_330 = tpu.memref_slice %arg6[%dma_wait3A_328, %dma_wait3A_329] : memref<832x32xf32, #tpu.memory_space<vmem>> -> memref<26x32xf32, #tpu.memory_space<vmem>>
      %dma_wait3A_331 = arith.constant 0 : i32
      %dma_wait3A_332 = arith.constant 0 : i32
      %dma_wait3A_333 = tpu.memref_slice %arg4[%dma_wait3A_327, %dma_wait3A_331, %dma_wait3A_332] : memref<16384x32x128xf32, #tpu.memory_space<hbm>> -> memref<1x26x32xf32, #tpu.memory_space<hbm>>
      %dma_wait3A_334 = tpu.memref_squeeze %dma_wait3A_333 : memref<1x26x32xf32, #tpu.memory_space<hbm>> -> memref<26x32xf32, #tpu.memory_space<hbm>>
      %dma_wait3A_335 = arith.constant 0 : i32
      %dma_wait3A_336 = arith.constant 0 : i32
      %dma_wait3A_337 = tpu.memref_slice %arg6[%dma_wait3A_335, %dma_wait3A_336] : memref<832x32xf32, #tpu.memory_space<vmem>> -> memref<26x32xf32, #tpu.memory_space<vmem>>
      %dma_wait3A_338 = arith.constant 0 : i32
      %dma_wait3A_339 = arith.constant 0 : i32
      %dma_wait3A_340 = tpu.memref_slice %arg4[%dma_wait3A_327, %dma_wait3A_338, %dma_wait3A_339] : memref<16384x32x128xf32, #tpu.memory_space<hbm>> -> memref<1x26x32xf32, #tpu.memory_space<hbm>>
      %dma_wait3A_341 = tpu.memref_squeeze %dma_wait3A_340 : memref<1x26x32xf32, #tpu.memory_space<hbm>> -> memref<26x32xf32, #tpu.memory_space<hbm>>
      tpu.wait_dma2 semaphore(%arg14 : memref<!tpu.dma_semaphore, #tpu.memory_space<semaphore_mem>>) src(%dma_wait3A_341 : memref<26x32xf32, #tpu.memory_space<hbm>>) dst(%dma_wait3A_337 : memref<26x32xf32, #tpu.memory_space<vmem>>)
    }
    %scan3A_36 = arith.constant 32 : i32
    %dma_start3A_37 = arith.constant 3328 : i32
    %dma_start3A_38 = tpu.memref_slice %arg5[%dma_start3A_37] : memref<13312xi32, #tpu.memory_space<vmem>> -> memref<832xi32, #tpu.memory_space<vmem>>
    %dma_start3A_39 = arith.constant 0 : i32
    %dma_start3A_40 = arith.constant 0 : i32
    %dma_start3A_41 = tpu.memref_slice %arg3[%dma_start3A_39, %dma_start3A_40] : memref<1000000x32xf32, #tpu.memory_space<hbm>> -> memref<1000000x32xf32, #tpu.memory_space<hbm>>
    tpu.enqueue_indirect_dma source(%dma_start3A_41 : memref<1000000x32xf32, #tpu.memory_space<hbm>>) target(%arg6 : memref<832x32xf32, #tpu.memory_space<vmem>>) offsets(%dma_start3A_38 : memref<832xi32, #tpu.memory_space<vmem>>) semaphore(%arg10 : memref<!tpu.dma_semaphore, #tpu.memory_space<semaphore_mem>>)
    %dma_wait3A_42 = arith.constant 832 : i32
    %dma_wait3A_43 = tpu.memref_slice %arg5[%dma_wait3A_42] : memref<13312xi32, #tpu.memory_space<vmem>> -> memref<832xi32, #tpu.memory_space<vmem>>
    %dma_wait3A_44 = arith.constant 0 : i32
    %dma_wait3A_45 = arith.constant 0 : i32
    %dma_wait3A_46 = tpu.memref_slice %arg3[%dma_wait3A_44, %dma_wait3A_45] : memref<1000000x32xf32, #tpu.memory_space<hbm>> -> memref<1000000x32xf32, #tpu.memory_space<hbm>>
    tpu.wait_indirect_dma semaphore(%arg11 : memref<!tpu.dma_semaphore, #tpu.memory_space<semaphore_mem>>) src(%dma_wait3A_46 : memref<1000000x32xf32, #tpu.memory_space<hbm>>) dst(%arg7 : memref<832x32xf32, #tpu.memory_space<vmem>>)
    %scan3A_47 = arith.constant 0 : i32
    %scan3A_48 = arith.constant 32 : i32
    %scan3A_49 = arith.addi %scan3A_47, %scan3A_48 : i32
    %scan3A_50 = arith.constant 1 : i32
    scf.for %scan3A_322 = %scan3A_47 to %scan3A_49 step %scan3A_50  : i32 {
      %mul3A_323 = arith.constant 1 : i32
      %mul3A_324 = arith.muli %scan3A_322, %mul3A_323 : i32
      %add3A_325 = arith.constant 0 : i32
      %add3A_326 = arith.addi %add3A_325, %mul3A_324 : i32
      %add3A_327 = arith.constant 32 : i32
      %add3A_328 = arith.addi %mul3A_4, %add3A_327 : i32
      %add3A_329 = arith.addi %add3A_328, %add3A_326 : i32
      %mul3A_330 = arith.constant 26 : i32
      %mul3A_331 = arith.muli %add3A_326, %mul3A_330 : i32
      %dma_start3A_332 = arith.constant 0 : i32
      %dma_start3A_333 = tpu.memref_slice %arg7[%mul3A_331, %dma_start3A_332] : memref<832x32xf32, #tpu.memory_space<vmem>> -> memref<26x32xf32, #tpu.memory_space<vmem>>
      %dma_start3A_334 = arith.constant 0 : i32
      %dma_start3A_335 = arith.constant 0 : i32
      %dma_start3A_336 = tpu.memref_slice %arg4[%add3A_329, %dma_start3A_334, %dma_start3A_335] : memref<16384x32x128xf32, #tpu.memory_space<hbm>> -> memref<1x26x32xf32, #tpu.memory_space<hbm>>
      %dma_start3A_337 = tpu.memref_squeeze %dma_start3A_336 : memref<1x26x32xf32, #tpu.memory_space<hbm>> -> memref<26x32xf32, #tpu.memory_space<hbm>>
      %dma_start3A_338 = arith.constant 0 : i32
      %dma_start3A_339 = arith.constant 0 : i32
      %dma_start3A_340 = tpu.memref_slice %arg4[%add3A_329, %dma_start3A_338, %dma_start3A_339] : memref<16384x32x128xf32, #tpu.memory_space<hbm>> -> memref<1x26x32xf32, #tpu.memory_space<hbm>>
      %dma_start3A_341 = tpu.memref_squeeze %dma_start3A_340 : memref<1x26x32xf32, #tpu.memory_space<hbm>> -> memref<26x32xf32, #tpu.memory_space<hbm>>
      %dma_start3A_342 = arith.constant 0 : i32
      %dma_start3A_343 = tpu.memref_slice %arg7[%mul3A_331, %dma_start3A_342] : memref<832x32xf32, #tpu.memory_space<vmem>> -> memref<26x32xf32, #tpu.memory_space<vmem>>
      tpu.enqueue_dma source(%dma_start3A_343 : memref<26x32xf32, #tpu.memory_space<vmem>>) target(%dma_start3A_341 : memref<26x32xf32, #tpu.memory_space<hbm>>) target_semaphore(%arg15 : memref<!tpu.dma_semaphore, #tpu.memory_space<semaphore_mem>>)
    }
    %scan3A_51 = arith.constant 32 : i32
    %scan3A_52 = arith.constant 0 : i32
    %scan3A_53 = arith.constant 32 : i32
    %scan3A_54 = arith.addi %scan3A_52, %scan3A_53 : i32
    %scan3A_55 = arith.constant 1 : i32
    scf.for %scan3A_322 = %scan3A_52 to %scan3A_54 step %scan3A_55  : i32 {
      %mul3A_323 = arith.constant 1 : i32
      %mul3A_324 = arith.muli %scan3A_322, %mul3A_323 : i32
      %add3A_325 = arith.constant 0 : i32
      %add3A_326 = arith.addi %add3A_325, %mul3A_324 : i32
      %dma_wait3A_327 = arith.constant 0 : i32
      %dma_wait3A_328 = arith.constant 0 : i32
      %dma_wait3A_329 = arith.constant 0 : i32
      %dma_wait3A_330 = tpu.memref_slice %arg7[%dma_wait3A_328, %dma_wait3A_329] : memref<832x32xf32, #tpu.memory_space<vmem>> -> memref<26x32xf32, #tpu.memory_space<vmem>>
      %dma_wait3A_331 = arith.constant 0 : i32
      %dma_wait3A_332 = arith.constant 0 : i32
      %dma_wait3A_333 = tpu.memref_slice %arg4[%dma_wait3A_327, %dma_wait3A_331, %dma_wait3A_332] : memref<16384x32x128xf32, #tpu.memory_space<hbm>> -> memref<1x26x32xf32, #tpu.memory_space<hbm>>
      %dma_wait3A_334 = tpu.memref_squeeze %dma_wait3A_333 : memref<1x26x32xf32, #tpu.memory_space<hbm>> -> memref<26x32xf32, #tpu.memory_space<hbm>>
      %dma_wait3A_335 = arith.constant 0 : i32
      %dma_wait3A_336 = arith.constant 0 : i32
      %dma_wait3A_337 = tpu.memref_slice %arg7[%dma_wait3A_335, %dma_wait3A_336] : memref<832x32xf32, #tpu.memory_space<vmem>> -> memref<26x32xf32, #tpu.memory_space<vmem>>
      %dma_wait3A_338 = arith.constant 0 : i32
      %dma_wait3A_339 = arith.constant 0 : i32
      %dma_wait3A_340 = tpu.memref_slice %arg4[%dma_wait3A_327, %dma_wait3A_338, %dma_wait3A_339] : memref<16384x32x128xf32, #tpu.memory_space<hbm>> -> memref<1x26x32xf32, #tpu.memory_space<hbm>>
      %dma_wait3A_341 = tpu.memref_squeeze %dma_wait3A_340 : memref<1x26x32xf32, #tpu.memory_space<hbm>> -> memref<26x32xf32, #tpu.memory_space<hbm>>
      tpu.wait_dma2 semaphore(%arg15 : memref<!tpu.dma_semaphore, #tpu.memory_space<semaphore_mem>>) src(%dma_wait3A_341 : memref<26x32xf32, #tpu.memory_space<hbm>>) dst(%dma_wait3A_337 : memref<26x32xf32, #tpu.memory_space<vmem>>)
    }
    %scan3A_56 = arith.constant 32 : i32
    %dma_start3A_57 = arith.constant 4160 : i32
    %dma_start3A_58 = tpu.memref_slice %arg5[%dma_start3A_57] : memref<13312xi32, #tpu.memory_space<vmem>> -> memref<832xi32, #tpu.memory_space<vmem>>
    %dma_start3A_59 = arith.constant 0 : i32
    %dma_start3A_60 = arith.constant 0 : i32
    %dma_start3A_61 = tpu.memref_slice %arg3[%dma_start3A_59, %dma_start3A_60] : memref<1000000x32xf32, #tpu.memory_space<hbm>> -> memref<1000000x32xf32, #tpu.memory_space<hbm>>
    tpu.enqueue_indirect_dma source(%dma_start3A_61 : memref<1000000x32xf32, #tpu.memory_space<hbm>>) target(%arg7 : memref<832x32xf32, #tpu.memory_space<vmem>>) offsets(%dma_start3A_58 : memref<832xi32, #tpu.memory_space<vmem>>) semaphore(%arg11 : memref<!tpu.dma_semaphore, #tpu.memory_space<semaphore_mem>>)
    %dma_wait3A_62 = arith.constant 1664 : i32
    %dma_wait3A_63 = tpu.memref_slice %arg5[%dma_wait3A_62] : memref<13312xi32, #tpu.memory_space<vmem>> -> memref<832xi32, #tpu.memory_space<vmem>>
    %dma_wait3A_64 = arith.constant 0 : i32
    %dma_wait3A_65 = arith.constant 0 : i32
    %dma_wait3A_66 = tpu.memref_slice %arg3[%dma_wait3A_64, %dma_wait3A_65] : memref<1000000x32xf32, #tpu.memory_space<hbm>> -> memref<1000000x32xf32, #tpu.memory_space<hbm>>
    tpu.wait_indirect_dma semaphore(%arg12 : memref<!tpu.dma_semaphore, #tpu.memory_space<semaphore_mem>>) src(%dma_wait3A_66 : memref<1000000x32xf32, #tpu.memory_space<hbm>>) dst(%arg8 : memref<832x32xf32, #tpu.memory_space<vmem>>)
    %scan3A_67 = arith.constant 0 : i32
    %scan3A_68 = arith.constant 32 : i32
    %scan3A_69 = arith.addi %scan3A_67, %scan3A_68 : i32
    %scan3A_70 = arith.constant 1 : i32
    scf.for %scan3A_322 = %scan3A_67 to %scan3A_69 step %scan3A_70  : i32 {
      %mul3A_323 = arith.constant 1 : i32
      %mul3A_324 = arith.muli %scan3A_322, %mul3A_323 : i32
      %add3A_325 = arith.constant 0 : i32
      %add3A_326 = arith.addi %add3A_325, %mul3A_324 : i32
      %add3A_327 = arith.constant 64 : i32
      %add3A_328 = arith.addi %mul3A_4, %add3A_327 : i32
      %add3A_329 = arith.addi %add3A_328, %add3A_326 : i32
      %mul3A_330 = arith.constant 26 : i32
      %mul3A_331 = arith.muli %add3A_326, %mul3A_330 : i32
      %dma_start3A_332 = arith.constant 0 : i32
      %dma_start3A_333 = tpu.memref_slice %arg8[%mul3A_331, %dma_start3A_332] : memref<832x32xf32, #tpu.memory_space<vmem>> -> memref<26x32xf32, #tpu.memory_space<vmem>>
      %dma_start3A_334 = arith.constant 0 : i32
      %dma_start3A_335 = arith.constant 0 : i32
      %dma_start3A_336 = tpu.memref_slice %arg4[%add3A_329, %dma_start3A_334, %dma_start3A_335] : memref<16384x32x128xf32, #tpu.memory_space<hbm>> -> memref<1x26x32xf32, #tpu.memory_space<hbm>>
      %dma_start3A_337 = tpu.memref_squeeze %dma_start3A_336 : memref<1x26x32xf32, #tpu.memory_space<hbm>> -> memref<26x32xf32, #tpu.memory_space<hbm>>
      %dma_start3A_338 = arith.constant 0 : i32
      %dma_start3A_339 = arith.constant 0 : i32
      %dma_start3A_340 = tpu.memref_slice %arg4[%add3A_329, %dma_start3A_338, %dma_start3A_339] : memref<16384x32x128xf32, #tpu.memory_space<hbm>> -> memref<1x26x32xf32, #tpu.memory_space<hbm>>
      %dma_start3A_341 = tpu.memref_squeeze %dma_start3A_340 : memref<1x26x32xf32, #tpu.memory_space<hbm>> -> memref<26x32xf32, #tpu.memory_space<hbm>>
      %dma_start3A_342 = arith.constant 0 : i32
      %dma_start3A_343 = tpu.memref_slice %arg8[%mul3A_331, %dma_start3A_342] : memref<832x32xf32, #tpu.memory_space<vmem>> -> memref<26x32xf32, #tpu.memory_space<vmem>>
      tpu.enqueue_dma source(%dma_start3A_343 : memref<26x32xf32, #tpu.memory_space<vmem>>) target(%dma_start3A_341 : memref<26x32xf32, #tpu.memory_space<hbm>>) target_semaphore(%arg16 : memref<!tpu.dma_semaphore, #tpu.memory_space<semaphore_mem>>)
    }
    %scan3A_71 = arith.constant 32 : i32
    %scan3A_72 = arith.constant 0 : i32
    %scan3A_73 = arith.constant 32 : i32
    %scan3A_74 = arith.addi %scan3A_72, %scan3A_73 : i32
    %scan3A_75 = arith.constant 1 : i32
    scf.for %scan3A_322 = %scan3A_72 to %scan3A_74 step %scan3A_75  : i32 {
      %mul3A_323 = arith.constant 1 : i32
      %mul3A_324 = arith.muli %scan3A_322, %mul3A_323 : i32
      %add3A_325 = arith.constant 0 : i32
      %add3A_326 = arith.addi %add3A_325, %mul3A_324 : i32
      %dma_wait3A_327 = arith.constant 0 : i32
      %dma_wait3A_328 = arith.constant 0 : i32
      %dma_wait3A_329 = arith.constant 0 : i32
      %dma_wait3A_330 = tpu.memref_slice %arg8[%dma_wait3A_328, %dma_wait3A_329] : memref<832x32xf32, #tpu.memory_space<vmem>> -> memref<26x32xf32, #tpu.memory_space<vmem>>
      %dma_wait3A_331 = arith.constant 0 : i32
      %dma_wait3A_332 = arith.constant 0 : i32
      %dma_wait3A_333 = tpu.memref_slice %arg4[%dma_wait3A_327, %dma_wait3A_331, %dma_wait3A_332] : memref<16384x32x128xf32, #tpu.memory_space<hbm>> -> memref<1x26x32xf32, #tpu.memory_space<hbm>>
      %dma_wait3A_334 = tpu.memref_squeeze %dma_wait3A_333 : memref<1x26x32xf32, #tpu.memory_space<hbm>> -> memref<26x32xf32, #tpu.memory_space<hbm>>
      %dma_wait3A_335 = arith.constant 0 : i32
      %dma_wait3A_336 = arith.constant 0 : i32
      %dma_wait3A_337 = tpu.memref_slice %arg8[%dma_wait3A_335, %dma_wait3A_336] : memref<832x32xf32, #tpu.memory_space<vmem>> -> memref<26x32xf32, #tpu.memory_space<vmem>>
      %dma_wait3A_338 = arith.constant 0 : i32
      %dma_wait3A_339 = arith.constant 0 : i32
      %dma_wait3A_340 = tpu.memref_slice %arg4[%dma_wait3A_327, %dma_wait3A_338, %dma_wait3A_339] : memref<16384x32x128xf32, #tpu.memory_space<hbm>> -> memref<1x26x32xf32, #tpu.memory_space<hbm>>
      %dma_wait3A_341 = tpu.memref_squeeze %dma_wait3A_340 : memref<1x26x32xf32, #tpu.memory_space<hbm>> -> memref<26x32xf32, #tpu.memory_space<hbm>>
      tpu.wait_dma2 semaphore(%arg16 : memref<!tpu.dma_semaphore, #tpu.memory_space<semaphore_mem>>) src(%dma_wait3A_341 : memref<26x32xf32, #tpu.memory_space<hbm>>) dst(%dma_wait3A_337 : memref<26x32xf32, #tpu.memory_space<vmem>>)
    }
    %scan3A_76 = arith.constant 32 : i32
    %dma_start3A_77 = arith.constant 4992 : i32
    %dma_start3A_78 = tpu.memref_slice %arg5[%dma_start3A_77] : memref<13312xi32, #tpu.memory_space<vmem>> -> memref<832xi32, #tpu.memory_space<vmem>>
    %dma_start3A_79 = arith.constant 0 : i32
    %dma_start3A_80 = arith.constant 0 : i32
    %dma_start3A_81 = tpu.memref_slice %arg3[%dma_start3A_79, %dma_start3A_80] : memref<1000000x32xf32, #tpu.memory_space<hbm>> -> memref<1000000x32xf32, #tpu.memory_space<hbm>>
    tpu.enqueue_indirect_dma source(%dma_start3A_81 : memref<1000000x32xf32, #tpu.memory_space<hbm>>) target(%arg8 : memref<832x32xf32, #tpu.memory_space<vmem>>) offsets(%dma_start3A_78 : memref<832xi32, #tpu.memory_space<vmem>>) semaphore(%arg12 : memref<!tpu.dma_semaphore, #tpu.memory_space<semaphore_mem>>)
    %dma_wait3A_82 = arith.constant 2496 : i32
    %dma_wait3A_83 = tpu.memref_slice %arg5[%dma_wait3A_82] : memref<13312xi32, #tpu.memory_space<vmem>> -> memref<832xi32, #tpu.memory_space<vmem>>
    %dma_wait3A_84 = arith.constant 0 : i32
    %dma_wait3A_85 = arith.constant 0 : i32
    %dma_wait3A_86 = tpu.memref_slice %arg3[%dma_wait3A_84, %dma_wait3A_85] : memref<1000000x32xf32, #tpu.memory_space<hbm>> -> memref<1000000x32xf32, #tpu.memory_space<hbm>>
    tpu.wait_indirect_dma semaphore(%arg13 : memref<!tpu.dma_semaphore, #tpu.memory_space<semaphore_mem>>) src(%dma_wait3A_86 : memref<1000000x32xf32, #tpu.memory_space<hbm>>) dst(%arg9 : memref<832x32xf32, #tpu.memory_space<vmem>>)
    %scan3A_87 = arith.constant 0 : i32
    %scan3A_88 = arith.constant 32 : i32
    %scan3A_89 = arith.addi %scan3A_87, %scan3A_88 : i32
    %scan3A_90 = arith.constant 1 : i32
    scf.for %scan3A_322 = %scan3A_87 to %scan3A_89 step %scan3A_90  : i32 {
      %mul3A_323 = arith.constant 1 : i32
      %mul3A_324 = arith.muli %scan3A_322, %mul3A_323 : i32
      %add3A_325 = arith.constant 0 : i32
      %add3A_326 = arith.addi %add3A_325, %mul3A_324 : i32
      %add3A_327 = arith.constant 96 : i32
      %add3A_328 = arith.addi %mul3A_4, %add3A_327 : i32
      %add3A_329 = arith.addi %add3A_328, %add3A_326 : i32
      %mul3A_330 = arith.constant 26 : i32
      %mul3A_331 = arith.muli %add3A_326, %mul3A_330 : i32
      %dma_start3A_332 = arith.constant 0 : i32
      %dma_start3A_333 = tpu.memref_slice %arg9[%mul3A_331, %dma_start3A_332] : memref<832x32xf32, #tpu.memory_space<vmem>> -> memref<26x32xf32, #tpu.memory_space<vmem>>
      %dma_start3A_334 = arith.constant 0 : i32
      %dma_start3A_335 = arith.constant 0 : i32
      %dma_start3A_336 = tpu.memref_slice %arg4[%add3A_329, %dma_start3A_334, %dma_start3A_335] : memref<16384x32x128xf32, #tpu.memory_space<hbm>> -> memref<1x26x32xf32, #tpu.memory_space<hbm>>
      %dma_start3A_337 = tpu.memref_squeeze %dma_start3A_336 : memref<1x26x32xf32, #tpu.memory_space<hbm>> -> memref<26x32xf32, #tpu.memory_space<hbm>>
      %dma_start3A_338 = arith.constant 0 : i32
      %dma_start3A_339 = arith.constant 0 : i32
      %dma_start3A_340 = tpu.memref_slice %arg4[%add3A_329, %dma_start3A_338, %dma_start3A_339] : memref<16384x32x128xf32, #tpu.memory_space<hbm>> -> memref<1x26x32xf32, #tpu.memory_space<hbm>>
      %dma_start3A_341 = tpu.memref_squeeze %dma_start3A_340 : memref<1x26x32xf32, #tpu.memory_space<hbm>> -> memref<26x32xf32, #tpu.memory_space<hbm>>
      %dma_start3A_342 = arith.constant 0 : i32
      %dma_start3A_343 = tpu.memref_slice %arg9[%mul3A_331, %dma_start3A_342] : memref<832x32xf32, #tpu.memory_space<vmem>> -> memref<26x32xf32, #tpu.memory_space<vmem>>
      tpu.enqueue_dma source(%dma_start3A_343 : memref<26x32xf32, #tpu.memory_space<vmem>>) target(%dma_start3A_341 : memref<26x32xf32, #tpu.memory_space<hbm>>) target_semaphore(%arg17 : memref<!tpu.dma_semaphore, #tpu.memory_space<semaphore_mem>>)
    }
    %scan3A_91 = arith.constant 32 : i32
    %scan3A_92 = arith.constant 0 : i32
    %scan3A_93 = arith.constant 32 : i32
    %scan3A_94 = arith.addi %scan3A_92, %scan3A_93 : i32
    %scan3A_95 = arith.constant 1 : i32
    scf.for %scan3A_322 = %scan3A_92 to %scan3A_94 step %scan3A_95  : i32 {
      %mul3A_323 = arith.constant 1 : i32
      %mul3A_324 = arith.muli %scan3A_322, %mul3A_323 : i32
      %add3A_325 = arith.constant 0 : i32
      %add3A_326 = arith.addi %add3A_325, %mul3A_324 : i32
      %dma_wait3A_327 = arith.constant 0 : i32
      %dma_wait3A_328 = arith.constant 0 : i32
      %dma_wait3A_329 = arith.constant 0 : i32
      %dma_wait3A_330 = tpu.memref_slice %arg9[%dma_wait3A_328, %dma_wait3A_329] : memref<832x32xf32, #tpu.memory_space<vmem>> -> memref<26x32xf32, #tpu.memory_space<vmem>>
      %dma_wait3A_331 = arith.constant 0 : i32
      %dma_wait3A_332 = arith.constant 0 : i32
      %dma_wait3A_333 = tpu.memref_slice %arg4[%dma_wait3A_327, %dma_wait3A_331, %dma_wait3A_332] : memref<16384x32x128xf32, #tpu.memory_space<hbm>> -> memref<1x26x32xf32, #tpu.memory_space<hbm>>
      %dma_wait3A_334 = tpu.memref_squeeze %dma_wait3A_333 : memref<1x26x32xf32, #tpu.memory_space<hbm>> -> memref<26x32xf32, #tpu.memory_space<hbm>>
      %dma_wait3A_335 = arith.constant 0 : i32
      %dma_wait3A_336 = arith.constant 0 : i32
      %dma_wait3A_337 = tpu.memref_slice %arg9[%dma_wait3A_335, %dma_wait3A_336] : memref<832x32xf32, #tpu.memory_space<vmem>> -> memref<26x32xf32, #tpu.memory_space<vmem>>
      %dma_wait3A_338 = arith.constant 0 : i32
      %dma_wait3A_339 = arith.constant 0 : i32
      %dma_wait3A_340 = tpu.memref_slice %arg4[%dma_wait3A_327, %dma_wait3A_338, %dma_wait3A_339] : memref<16384x32x128xf32, #tpu.memory_space<hbm>> -> memref<1x26x32xf32, #tpu.memory_space<hbm>>
      %dma_wait3A_341 = tpu.memref_squeeze %dma_wait3A_340 : memref<1x26x32xf32, #tpu.memory_space<hbm>> -> memref<26x32xf32, #tpu.memory_space<hbm>>
      tpu.wait_dma2 semaphore(%arg17 : memref<!tpu.dma_semaphore, #tpu.memory_space<semaphore_mem>>) src(%dma_wait3A_341 : memref<26x32xf32, #tpu.memory_space<hbm>>) dst(%dma_wait3A_337 : memref<26x32xf32, #tpu.memory_space<vmem>>)
    }
    %scan3A_96 = arith.constant 32 : i32
    %dma_start3A_97 = arith.constant 5824 : i32
    %dma_start3A_98 = tpu.memref_slice %arg5[%dma_start3A_97] : memref<13312xi32, #tpu.memory_space<vmem>> -> memref<832xi32, #tpu.memory_space<vmem>>
    %dma_start3A_99 = arith.constant 0 : i32
    %dma_start3A_100 = arith.constant 0 : i32
    %dma_start3A_101 = tpu.memref_slice %arg3[%dma_start3A_99, %dma_start3A_100] : memref<1000000x32xf32, #tpu.memory_space<hbm>> -> memref<1000000x32xf32, #tpu.memory_space<hbm>>
    tpu.enqueue_indirect_dma source(%dma_start3A_101 : memref<1000000x32xf32, #tpu.memory_space<hbm>>) target(%arg9 : memref<832x32xf32, #tpu.memory_space<vmem>>) offsets(%dma_start3A_98 : memref<832xi32, #tpu.memory_space<vmem>>) semaphore(%arg13 : memref<!tpu.dma_semaphore, #tpu.memory_space<semaphore_mem>>)
    %dma_wait3A_102 = arith.constant 3328 : i32
    %dma_wait3A_103 = tpu.memref_slice %arg5[%dma_wait3A_102] : memref<13312xi32, #tpu.memory_space<vmem>> -> memref<832xi32, #tpu.memory_space<vmem>>
    %dma_wait3A_104 = arith.constant 0 : i32
    %dma_wait3A_105 = arith.constant 0 : i32
    %dma_wait3A_106 = tpu.memref_slice %arg3[%dma_wait3A_104, %dma_wait3A_105] : memref<1000000x32xf32, #tpu.memory_space<hbm>> -> memref<1000000x32xf32, #tpu.memory_space<hbm>>
    tpu.wait_indirect_dma semaphore(%arg10 : memref<!tpu.dma_semaphore, #tpu.memory_space<semaphore_mem>>) src(%dma_wait3A_106 : memref<1000000x32xf32, #tpu.memory_space<hbm>>) dst(%arg6 : memref<832x32xf32, #tpu.memory_space<vmem>>)
    %scan3A_107 = arith.constant 0 : i32
    %scan3A_108 = arith.constant 32 : i32
    %scan3A_109 = arith.addi %scan3A_107, %scan3A_108 : i32
    %scan3A_110 = arith.constant 1 : i32
    scf.for %scan3A_322 = %scan3A_107 to %scan3A_109 step %scan3A_110  : i32 {
      %mul3A_323 = arith.constant 1 : i32
      %mul3A_324 = arith.muli %scan3A_322, %mul3A_323 : i32
      %add3A_325 = arith.constant 0 : i32
      %add3A_326 = arith.addi %add3A_325, %mul3A_324 : i32
      %add3A_327 = arith.constant 128 : i32
      %add3A_328 = arith.addi %mul3A_4, %add3A_327 : i32
      %add3A_329 = arith.addi %add3A_328, %add3A_326 : i32
      %mul3A_330 = arith.constant 26 : i32
      %mul3A_331 = arith.muli %add3A_326, %mul3A_330 : i32
      %dma_start3A_332 = arith.constant 0 : i32
      %dma_start3A_333 = tpu.memref_slice %arg6[%mul3A_331, %dma_start3A_332] : memref<832x32xf32, #tpu.memory_space<vmem>> -> memref<26x32xf32, #tpu.memory_space<vmem>>
      %dma_start3A_334 = arith.constant 0 : i32
      %dma_start3A_335 = arith.constant 0 : i32
      %dma_start3A_336 = tpu.memref_slice %arg4[%add3A_329, %dma_start3A_334, %dma_start3A_335] : memref<16384x32x128xf32, #tpu.memory_space<hbm>> -> memref<1x26x32xf32, #tpu.memory_space<hbm>>
      %dma_start3A_337 = tpu.memref_squeeze %dma_start3A_336 : memref<1x26x32xf32, #tpu.memory_space<hbm>> -> memref<26x32xf32, #tpu.memory_space<hbm>>
      %dma_start3A_338 = arith.constant 0 : i32
      %dma_start3A_339 = arith.constant 0 : i32
      %dma_start3A_340 = tpu.memref_slice %arg4[%add3A_329, %dma_start3A_338, %dma_start3A_339] : memref<16384x32x128xf32, #tpu.memory_space<hbm>> -> memref<1x26x32xf32, #tpu.memory_space<hbm>>
      %dma_start3A_341 = tpu.memref_squeeze %dma_start3A_340 : memref<1x26x32xf32, #tpu.memory_space<hbm>> -> memref<26x32xf32, #tpu.memory_space<hbm>>
      %dma_start3A_342 = arith.constant 0 : i32
      %dma_start3A_343 = tpu.memref_slice %arg6[%mul3A_331, %dma_start3A_342] : memref<832x32xf32, #tpu.memory_space<vmem>> -> memref<26x32xf32, #tpu.memory_space<vmem>>
      tpu.enqueue_dma source(%dma_start3A_343 : memref<26x32xf32, #tpu.memory_space<vmem>>) target(%dma_start3A_341 : memref<26x32xf32, #tpu.memory_space<hbm>>) target_semaphore(%arg14 : memref<!tpu.dma_semaphore, #tpu.memory_space<semaphore_mem>>)
    }
    %scan3A_111 = arith.constant 32 : i32
    %scan3A_112 = arith.constant 0 : i32
    %scan3A_113 = arith.constant 32 : i32
    %scan3A_114 = arith.addi %scan3A_112, %scan3A_113 : i32
    %scan3A_115 = arith.constant 1 : i32
    scf.for %scan3A_322 = %scan3A_112 to %scan3A_114 step %scan3A_115  : i32 {
      %mul3A_323 = arith.constant 1 : i32
      %mul3A_324 = arith.muli %scan3A_322, %mul3A_323 : i32
      %add3A_325 = arith.constant 0 : i32
      %add3A_326 = arith.addi %add3A_325, %mul3A_324 : i32
      %dma_wait3A_327 = arith.constant 0 : i32
      %dma_wait3A_328 = arith.constant 0 : i32
      %dma_wait3A_329 = arith.constant 0 : i32
      %dma_wait3A_330 = tpu.memref_slice %arg6[%dma_wait3A_328, %dma_wait3A_329] : memref<832x32xf32, #tpu.memory_space<vmem>> -> memref<26x32xf32, #tpu.memory_space<vmem>>
      %dma_wait3A_331 = arith.constant 0 : i32
      %dma_wait3A_332 = arith.constant 0 : i32
      %dma_wait3A_333 = tpu.memref_slice %arg4[%dma_wait3A_327, %dma_wait3A_331, %dma_wait3A_332] : memref<16384x32x128xf32, #tpu.memory_space<hbm>> -> memref<1x26x32xf32, #tpu.memory_space<hbm>>
      %dma_wait3A_334 = tpu.memref_squeeze %dma_wait3A_333 : memref<1x26x32xf32, #tpu.memory_space<hbm>> -> memref<26x32xf32, #tpu.memory_space<hbm>>
      %dma_wait3A_335 = arith.constant 0 : i32
      %dma_wait3A_336 = arith.constant 0 : i32
      %dma_wait3A_337 = tpu.memref_slice %arg6[%dma_wait3A_335, %dma_wait3A_336] : memref<832x32xf32, #tpu.memory_space<vmem>> -> memref<26x32xf32, #tpu.memory_space<vmem>>
      %dma_wait3A_338 = arith.constant 0 : i32
      %dma_wait3A_339 = arith.constant 0 : i32
      %dma_wait3A_340 = tpu.memref_slice %arg4[%dma_wait3A_327, %dma_wait3A_338, %dma_wait3A_339] : memref<16384x32x128xf32, #tpu.memory_space<hbm>> -> memref<1x26x32xf32, #tpu.memory_space<hbm>>
      %dma_wait3A_341 = tpu.memref_squeeze %dma_wait3A_340 : memref<1x26x32xf32, #tpu.memory_space<hbm>> -> memref<26x32xf32, #tpu.memory_space<hbm>>
      tpu.wait_dma2 semaphore(%arg14 : memref<!tpu.dma_semaphore, #tpu.memory_space<semaphore_mem>>) src(%dma_wait3A_341 : memref<26x32xf32, #tpu.memory_space<hbm>>) dst(%dma_wait3A_337 : memref<26x32xf32, #tpu.memory_space<vmem>>)
    }
    %scan3A_116 = arith.constant 32 : i32
    %dma_start3A_117 = arith.constant 6656 : i32
    %dma_start3A_118 = tpu.memref_slice %arg5[%dma_start3A_117] : memref<13312xi32, #tpu.memory_space<vmem>> -> memref<832xi32, #tpu.memory_space<vmem>>
    %dma_start3A_119 = arith.constant 0 : i32
    %dma_start3A_120 = arith.constant 0 : i32
    %dma_start3A_121 = tpu.memref_slice %arg3[%dma_start3A_119, %dma_start3A_120] : memref<1000000x32xf32, #tpu.memory_space<hbm>> -> memref<1000000x32xf32, #tpu.memory_space<hbm>>
    tpu.enqueue_indirect_dma source(%dma_start3A_121 : memref<1000000x32xf32, #tpu.memory_space<hbm>>) target(%arg6 : memref<832x32xf32, #tpu.memory_space<vmem>>) offsets(%dma_start3A_118 : memref<832xi32, #tpu.memory_space<vmem>>) semaphore(%arg10 : memref<!tpu.dma_semaphore, #tpu.memory_space<semaphore_mem>>)
    %dma_wait3A_122 = arith.constant 4160 : i32
    %dma_wait3A_123 = tpu.memref_slice %arg5[%dma_wait3A_122] : memref<13312xi32, #tpu.memory_space<vmem>> -> memref<832xi32, #tpu.memory_space<vmem>>
    %dma_wait3A_124 = arith.constant 0 : i32
    %dma_wait3A_125 = arith.constant 0 : i32
    %dma_wait3A_126 = tpu.memref_slice %arg3[%dma_wait3A_124, %dma_wait3A_125] : memref<1000000x32xf32, #tpu.memory_space<hbm>> -> memref<1000000x32xf32, #tpu.memory_space<hbm>>
    tpu.wait_indirect_dma semaphore(%arg11 : memref<!tpu.dma_semaphore, #tpu.memory_space<semaphore_mem>>) src(%dma_wait3A_126 : memref<1000000x32xf32, #tpu.memory_space<hbm>>) dst(%arg7 : memref<832x32xf32, #tpu.memory_space<vmem>>)
    %scan3A_127 = arith.constant 0 : i32
    %scan3A_128 = arith.constant 32 : i32
    %scan3A_129 = arith.addi %scan3A_127, %scan3A_128 : i32
    %scan3A_130 = arith.constant 1 : i32
    scf.for %scan3A_322 = %scan3A_127 to %scan3A_129 step %scan3A_130  : i32 {
      %mul3A_323 = arith.constant 1 : i32
      %mul3A_324 = arith.muli %scan3A_322, %mul3A_323 : i32
      %add3A_325 = arith.constant 0 : i32
      %add3A_326 = arith.addi %add3A_325, %mul3A_324 : i32
      %add3A_327 = arith.constant 160 : i32
      %add3A_328 = arith.addi %mul3A_4, %add3A_327 : i32
      %add3A_329 = arith.addi %add3A_328, %add3A_326 : i32
      %mul3A_330 = arith.constant 26 : i32
      %mul3A_331 = arith.muli %add3A_326, %mul3A_330 : i32
      %dma_start3A_332 = arith.constant 0 : i32
      %dma_start3A_333 = tpu.memref_slice %arg7[%mul3A_331, %dma_start3A_332] : memref<832x32xf32, #tpu.memory_space<vmem>> -> memref<26x32xf32, #tpu.memory_space<vmem>>
      %dma_start3A_334 = arith.constant 0 : i32
      %dma_start3A_335 = arith.constant 0 : i32
      %dma_start3A_336 = tpu.memref_slice %arg4[%add3A_329, %dma_start3A_334, %dma_start3A_335] : memref<16384x32x128xf32, #tpu.memory_space<hbm>> -> memref<1x26x32xf32, #tpu.memory_space<hbm>>
      %dma_start3A_337 = tpu.memref_squeeze %dma_start3A_336 : memref<1x26x32xf32, #tpu.memory_space<hbm>> -> memref<26x32xf32, #tpu.memory_space<hbm>>
      %dma_start3A_338 = arith.constant 0 : i32
      %dma_start3A_339 = arith.constant 0 : i32
      %dma_start3A_340 = tpu.memref_slice %arg4[%add3A_329, %dma_start3A_338, %dma_start3A_339] : memref<16384x32x128xf32, #tpu.memory_space<hbm>> -> memref<1x26x32xf32, #tpu.memory_space<hbm>>
      %dma_start3A_341 = tpu.memref_squeeze %dma_start3A_340 : memref<1x26x32xf32, #tpu.memory_space<hbm>> -> memref<26x32xf32, #tpu.memory_space<hbm>>
      %dma_start3A_342 = arith.constant 0 : i32
      %dma_start3A_343 = tpu.memref_slice %arg7[%mul3A_331, %dma_start3A_342] : memref<832x32xf32, #tpu.memory_space<vmem>> -> memref<26x32xf32, #tpu.memory_space<vmem>>
      tpu.enqueue_dma source(%dma_start3A_343 : memref<26x32xf32, #tpu.memory_space<vmem>>) target(%dma_start3A_341 : memref<26x32xf32, #tpu.memory_space<hbm>>) target_semaphore(%arg15 : memref<!tpu.dma_semaphore, #tpu.memory_space<semaphore_mem>>)
    }
    %scan3A_131 = arith.constant 32 : i32
    %scan3A_132 = arith.constant 0 : i32
    %scan3A_133 = arith.constant 32 : i32
    %scan3A_134 = arith.addi %scan3A_132, %scan3A_133 : i32
    %scan3A_135 = arith.constant 1 : i32
    scf.for %scan3A_322 = %scan3A_132 to %scan3A_134 step %scan3A_135  : i32 {
      %mul3A_323 = arith.constant 1 : i32
      %mul3A_324 = arith.muli %scan3A_322, %mul3A_323 : i32
      %add3A_325 = arith.constant 0 : i32
      %add3A_326 = arith.addi %add3A_325, %mul3A_324 : i32
      %dma_wait3A_327 = arith.constant 0 : i32
      %dma_wait3A_328 = arith.constant 0 : i32
      %dma_wait3A_329 = arith.constant 0 : i32
      %dma_wait3A_330 = tpu.memref_slice %arg7[%dma_wait3A_328, %dma_wait3A_329] : memref<832x32xf32, #tpu.memory_space<vmem>> -> memref<26x32xf32, #tpu.memory_space<vmem>>
      %dma_wait3A_331 = arith.constant 0 : i32
      %dma_wait3A_332 = arith.constant 0 : i32
      %dma_wait3A_333 = tpu.memref_slice %arg4[%dma_wait3A_327, %dma_wait3A_331, %dma_wait3A_332] : memref<16384x32x128xf32, #tpu.memory_space<hbm>> -> memref<1x26x32xf32, #tpu.memory_space<hbm>>
      %dma_wait3A_334 = tpu.memref_squeeze %dma_wait3A_333 : memref<1x26x32xf32, #tpu.memory_space<hbm>> -> memref<26x32xf32, #tpu.memory_space<hbm>>
      %dma_wait3A_335 = arith.constant 0 : i32
      %dma_wait3A_336 = arith.constant 0 : i32
      %dma_wait3A_337 = tpu.memref_slice %arg7[%dma_wait3A_335, %dma_wait3A_336] : memref<832x32xf32, #tpu.memory_space<vmem>> -> memref<26x32xf32, #tpu.memory_space<vmem>>
      %dma_wait3A_338 = arith.constant 0 : i32
      %dma_wait3A_339 = arith.constant 0 : i32
      %dma_wait3A_340 = tpu.memref_slice %arg4[%dma_wait3A_327, %dma_wait3A_338, %dma_wait3A_339] : memref<16384x32x128xf32, #tpu.memory_space<hbm>> -> memref<1x26x32xf32, #tpu.memory_space<hbm>>
      %dma_wait3A_341 = tpu.memref_squeeze %dma_wait3A_340 : memref<1x26x32xf32, #tpu.memory_space<hbm>> -> memref<26x32xf32, #tpu.memory_space<hbm>>
      tpu.wait_dma2 semaphore(%arg15 : memref<!tpu.dma_semaphore, #tpu.memory_space<semaphore_mem>>) src(%dma_wait3A_341 : memref<26x32xf32, #tpu.memory_space<hbm>>) dst(%dma_wait3A_337 : memref<26x32xf32, #tpu.memory_space<vmem>>)
    }
    %scan3A_136 = arith.constant 32 : i32
    %dma_start3A_137 = arith.constant 7488 : i32
    %dma_start3A_138 = tpu.memref_slice %arg5[%dma_start3A_137] : memref<13312xi32, #tpu.memory_space<vmem>> -> memref<832xi32, #tpu.memory_space<vmem>>
    %dma_start3A_139 = arith.constant 0 : i32
    %dma_start3A_140 = arith.constant 0 : i32
    %dma_start3A_141 = tpu.memref_slice %arg3[%dma_start3A_139, %dma_start3A_140] : memref<1000000x32xf32, #tpu.memory_space<hbm>> -> memref<1000000x32xf32, #tpu.memory_space<hbm>>
    tpu.enqueue_indirect_dma source(%dma_start3A_141 : memref<1000000x32xf32, #tpu.memory_space<hbm>>) target(%arg7 : memref<832x32xf32, #tpu.memory_space<vmem>>) offsets(%dma_start3A_138 : memref<832xi32, #tpu.memory_space<vmem>>) semaphore(%arg11 : memref<!tpu.dma_semaphore, #tpu.memory_space<semaphore_mem>>)
    %dma_wait3A_142 = arith.constant 4992 : i32
    %dma_wait3A_143 = tpu.memref_slice %arg5[%dma_wait3A_142] : memref<13312xi32, #tpu.memory_space<vmem>> -> memref<832xi32, #tpu.memory_space<vmem>>
    %dma_wait3A_144 = arith.constant 0 : i32
    %dma_wait3A_145 = arith.constant 0 : i32
    %dma_wait3A_146 = tpu.memref_slice %arg3[%dma_wait3A_144, %dma_wait3A_145] : memref<1000000x32xf32, #tpu.memory_space<hbm>> -> memref<1000000x32xf32, #tpu.memory_space<hbm>>
    tpu.wait_indirect_dma semaphore(%arg12 : memref<!tpu.dma_semaphore, #tpu.memory_space<semaphore_mem>>) src(%dma_wait3A_146 : memref<1000000x32xf32, #tpu.memory_space<hbm>>) dst(%arg8 : memref<832x32xf32, #tpu.memory_space<vmem>>)
    %scan3A_147 = arith.constant 0 : i32
    %scan3A_148 = arith.constant 32 : i32
    %scan3A_149 = arith.addi %scan3A_147, %scan3A_148 : i32
    %scan3A_150 = arith.constant 1 : i32
    scf.for %scan3A_322 = %scan3A_147 to %scan3A_149 step %scan3A_150  : i32 {
      %mul3A_323 = arith.constant 1 : i32
      %mul3A_324 = arith.muli %scan3A_322, %mul3A_323 : i32
      %add3A_325 = arith.constant 0 : i32
      %add3A_326 = arith.addi %add3A_325, %mul3A_324 : i32
      %add3A_327 = arith.constant 192 : i32
      %add3A_328 = arith.addi %mul3A_4, %add3A_327 : i32
      %add3A_329 = arith.addi %add3A_328, %add3A_326 : i32
      %mul3A_330 = arith.constant 26 : i32
      %mul3A_331 = arith.muli %add3A_326, %mul3A_330 : i32
      %dma_start3A_332 = arith.constant 0 : i32
      %dma_start3A_333 = tpu.memref_slice %arg8[%mul3A_331, %dma_start3A_332] : memref<832x32xf32, #tpu.memory_space<vmem>> -> memref<26x32xf32, #tpu.memory_space<vmem>>
      %dma_start3A_334 = arith.constant 0 : i32
      %dma_start3A_335 = arith.constant 0 : i32
      %dma_start3A_336 = tpu.memref_slice %arg4[%add3A_329, %dma_start3A_334, %dma_start3A_335] : memref<16384x32x128xf32, #tpu.memory_space<hbm>> -> memref<1x26x32xf32, #tpu.memory_space<hbm>>
      %dma_start3A_337 = tpu.memref_squeeze %dma_start3A_336 : memref<1x26x32xf32, #tpu.memory_space<hbm>> -> memref<26x32xf32, #tpu.memory_space<hbm>>
      %dma_start3A_338 = arith.constant 0 : i32
      %dma_start3A_339 = arith.constant 0 : i32
      %dma_start3A_340 = tpu.memref_slice %arg4[%add3A_329, %dma_start3A_338, %dma_start3A_339] : memref<16384x32x128xf32, #tpu.memory_space<hbm>> -> memref<1x26x32xf32, #tpu.memory_space<hbm>>
      %dma_start3A_341 = tpu.memref_squeeze %dma_start3A_340 : memref<1x26x32xf32, #tpu.memory_space<hbm>> -> memref<26x32xf32, #tpu.memory_space<hbm>>
      %dma_start3A_342 = arith.constant 0 : i32
      %dma_start3A_343 = tpu.memref_slice %arg8[%mul3A_331, %dma_start3A_342] : memref<832x32xf32, #tpu.memory_space<vmem>> -> memref<26x32xf32, #tpu.memory_space<vmem>>
      tpu.enqueue_dma source(%dma_start3A_343 : memref<26x32xf32, #tpu.memory_space<vmem>>) target(%dma_start3A_341 : memref<26x32xf32, #tpu.memory_space<hbm>>) target_semaphore(%arg16 : memref<!tpu.dma_semaphore, #tpu.memory_space<semaphore_mem>>)
    }
    %scan3A_151 = arith.constant 32 : i32
    %scan3A_152 = arith.constant 0 : i32
    %scan3A_153 = arith.constant 32 : i32
    %scan3A_154 = arith.addi %scan3A_152, %scan3A_153 : i32
    %scan3A_155 = arith.constant 1 : i32
    scf.for %scan3A_322 = %scan3A_152 to %scan3A_154 step %scan3A_155  : i32 {
      %mul3A_323 = arith.constant 1 : i32
      %mul3A_324 = arith.muli %scan3A_322, %mul3A_323 : i32
      %add3A_325 = arith.constant 0 : i32
      %add3A_326 = arith.addi %add3A_325, %mul3A_324 : i32
      %dma_wait3A_327 = arith.constant 0 : i32
      %dma_wait3A_328 = arith.constant 0 : i32
      %dma_wait3A_329 = arith.constant 0 : i32
      %dma_wait3A_330 = tpu.memref_slice %arg8[%dma_wait3A_328, %dma_wait3A_329] : memref<832x32xf32, #tpu.memory_space<vmem>> -> memref<26x32xf32, #tpu.memory_space<vmem>>
      %dma_wait3A_331 = arith.constant 0 : i32
      %dma_wait3A_332 = arith.constant 0 : i32
      %dma_wait3A_333 = tpu.memref_slice %arg4[%dma_wait3A_327, %dma_wait3A_331, %dma_wait3A_332] : memref<16384x32x128xf32, #tpu.memory_space<hbm>> -> memref<1x26x32xf32, #tpu.memory_space<hbm>>
      %dma_wait3A_334 = tpu.memref_squeeze %dma_wait3A_333 : memref<1x26x32xf32, #tpu.memory_space<hbm>> -> memref<26x32xf32, #tpu.memory_space<hbm>>
      %dma_wait3A_335 = arith.constant 0 : i32
      %dma_wait3A_336 = arith.constant 0 : i32
      %dma_wait3A_337 = tpu.memref_slice %arg8[%dma_wait3A_335, %dma_wait3A_336] : memref<832x32xf32, #tpu.memory_space<vmem>> -> memref<26x32xf32, #tpu.memory_space<vmem>>
      %dma_wait3A_338 = arith.constant 0 : i32
      %dma_wait3A_339 = arith.constant 0 : i32
      %dma_wait3A_340 = tpu.memref_slice %arg4[%dma_wait3A_327, %dma_wait3A_338, %dma_wait3A_339] : memref<16384x32x128xf32, #tpu.memory_space<hbm>> -> memref<1x26x32xf32, #tpu.memory_space<hbm>>
      %dma_wait3A_341 = tpu.memref_squeeze %dma_wait3A_340 : memref<1x26x32xf32, #tpu.memory_space<hbm>> -> memref<26x32xf32, #tpu.memory_space<hbm>>
      tpu.wait_dma2 semaphore(%arg16 : memref<!tpu.dma_semaphore, #tpu.memory_space<semaphore_mem>>) src(%dma_wait3A_341 : memref<26x32xf32, #tpu.memory_space<hbm>>) dst(%dma_wait3A_337 : memref<26x32xf32, #tpu.memory_space<vmem>>)
    }
    %scan3A_156 = arith.constant 32 : i32
    %dma_start3A_157 = arith.constant 8320 : i32
    %dma_start3A_158 = tpu.memref_slice %arg5[%dma_start3A_157] : memref<13312xi32, #tpu.memory_space<vmem>> -> memref<832xi32, #tpu.memory_space<vmem>>
    %dma_start3A_159 = arith.constant 0 : i32
    %dma_start3A_160 = arith.constant 0 : i32
    %dma_start3A_161 = tpu.memref_slice %arg3[%dma_start3A_159, %dma_start3A_160] : memref<1000000x32xf32, #tpu.memory_space<hbm>> -> memref<1000000x32xf32, #tpu.memory_space<hbm>>
    tpu.enqueue_indirect_dma source(%dma_start3A_161 : memref<1000000x32xf32, #tpu.memory_space<hbm>>) target(%arg8 : memref<832x32xf32, #tpu.memory_space<vmem>>) offsets(%dma_start3A_158 : memref<832xi32, #tpu.memory_space<vmem>>) semaphore(%arg12 : memref<!tpu.dma_semaphore, #tpu.memory_space<semaphore_mem>>)
    %dma_wait3A_162 = arith.constant 5824 : i32
    %dma_wait3A_163 = tpu.memref_slice %arg5[%dma_wait3A_162] : memref<13312xi32, #tpu.memory_space<vmem>> -> memref<832xi32, #tpu.memory_space<vmem>>
    %dma_wait3A_164 = arith.constant 0 : i32
    %dma_wait3A_165 = arith.constant 0 : i32
    %dma_wait3A_166 = tpu.memref_slice %arg3[%dma_wait3A_164, %dma_wait3A_165] : memref<1000000x32xf32, #tpu.memory_space<hbm>> -> memref<1000000x32xf32, #tpu.memory_space<hbm>>
    tpu.wait_indirect_dma semaphore(%arg13 : memref<!tpu.dma_semaphore, #tpu.memory_space<semaphore_mem>>) src(%dma_wait3A_166 : memref<1000000x32xf32, #tpu.memory_space<hbm>>) dst(%arg9 : memref<832x32xf32, #tpu.memory_space<vmem>>)
    %scan3A_167 = arith.constant 0 : i32
    %scan3A_168 = arith.constant 32 : i32
    %scan3A_169 = arith.addi %scan3A_167, %scan3A_168 : i32
    %scan3A_170 = arith.constant 1 : i32
    scf.for %scan3A_322 = %scan3A_167 to %scan3A_169 step %scan3A_170  : i32 {
      %mul3A_323 = arith.constant 1 : i32
      %mul3A_324 = arith.muli %scan3A_322, %mul3A_323 : i32
      %add3A_325 = arith.constant 0 : i32
      %add3A_326 = arith.addi %add3A_325, %mul3A_324 : i32
      %add3A_327 = arith.constant 224 : i32
      %add3A_328 = arith.addi %mul3A_4, %add3A_327 : i32
      %add3A_329 = arith.addi %add3A_328, %add3A_326 : i32
      %mul3A_330 = arith.constant 26 : i32
      %mul3A_331 = arith.muli %add3A_326, %mul3A_330 : i32
      %dma_start3A_332 = arith.constant 0 : i32
      %dma_start3A_333 = tpu.memref_slice %arg9[%mul3A_331, %dma_start3A_332] : memref<832x32xf32, #tpu.memory_space<vmem>> -> memref<26x32xf32, #tpu.memory_space<vmem>>
      %dma_start3A_334 = arith.constant 0 : i32
      %dma_start3A_335 = arith.constant 0 : i32
      %dma_start3A_336 = tpu.memref_slice %arg4[%add3A_329, %dma_start3A_334, %dma_start3A_335] : memref<16384x32x128xf32, #tpu.memory_space<hbm>> -> memref<1x26x32xf32, #tpu.memory_space<hbm>>
      %dma_start3A_337 = tpu.memref_squeeze %dma_start3A_336 : memref<1x26x32xf32, #tpu.memory_space<hbm>> -> memref<26x32xf32, #tpu.memory_space<hbm>>
      %dma_start3A_338 = arith.constant 0 : i32
      %dma_start3A_339 = arith.constant 0 : i32
      %dma_start3A_340 = tpu.memref_slice %arg4[%add3A_329, %dma_start3A_338, %dma_start3A_339] : memref<16384x32x128xf32, #tpu.memory_space<hbm>> -> memref<1x26x32xf32, #tpu.memory_space<hbm>>
      %dma_start3A_341 = tpu.memref_squeeze %dma_start3A_340 : memref<1x26x32xf32, #tpu.memory_space<hbm>> -> memref<26x32xf32, #tpu.memory_space<hbm>>
      %dma_start3A_342 = arith.constant 0 : i32
      %dma_start3A_343 = tpu.memref_slice %arg9[%mul3A_331, %dma_start3A_342] : memref<832x32xf32, #tpu.memory_space<vmem>> -> memref<26x32xf32, #tpu.memory_space<vmem>>
      tpu.enqueue_dma source(%dma_start3A_343 : memref<26x32xf32, #tpu.memory_space<vmem>>) target(%dma_start3A_341 : memref<26x32xf32, #tpu.memory_space<hbm>>) target_semaphore(%arg17 : memref<!tpu.dma_semaphore, #tpu.memory_space<semaphore_mem>>)
    }
    %scan3A_171 = arith.constant 32 : i32
    %scan3A_172 = arith.constant 0 : i32
    %scan3A_173 = arith.constant 32 : i32
    %scan3A_174 = arith.addi %scan3A_172, %scan3A_173 : i32
    %scan3A_175 = arith.constant 1 : i32
    scf.for %scan3A_322 = %scan3A_172 to %scan3A_174 step %scan3A_175  : i32 {
      %mul3A_323 = arith.constant 1 : i32
      %mul3A_324 = arith.muli %scan3A_322, %mul3A_323 : i32
      %add3A_325 = arith.constant 0 : i32
      %add3A_326 = arith.addi %add3A_325, %mul3A_324 : i32
      %dma_wait3A_327 = arith.constant 0 : i32
      %dma_wait3A_328 = arith.constant 0 : i32
      %dma_wait3A_329 = arith.constant 0 : i32
      %dma_wait3A_330 = tpu.memref_slice %arg9[%dma_wait3A_328, %dma_wait3A_329] : memref<832x32xf32, #tpu.memory_space<vmem>> -> memref<26x32xf32, #tpu.memory_space<vmem>>
      %dma_wait3A_331 = arith.constant 0 : i32
      %dma_wait3A_332 = arith.constant 0 : i32
      %dma_wait3A_333 = tpu.memref_slice %arg4[%dma_wait3A_327, %dma_wait3A_331, %dma_wait3A_332] : memref<16384x32x128xf32, #tpu.memory_space<hbm>> -> memref<1x26x32xf32, #tpu.memory_space<hbm>>
      %dma_wait3A_334 = tpu.memref_squeeze %dma_wait3A_333 : memref<1x26x32xf32, #tpu.memory_space<hbm>> -> memref<26x32xf32, #tpu.memory_space<hbm>>
      %dma_wait3A_335 = arith.constant 0 : i32
      %dma_wait3A_336 = arith.constant 0 : i32
      %dma_wait3A_337 = tpu.memref_slice %arg9[%dma_wait3A_335, %dma_wait3A_336] : memref<832x32xf32, #tpu.memory_space<vmem>> -> memref<26x32xf32, #tpu.memory_space<vmem>>
      %dma_wait3A_338 = arith.constant 0 : i32
      %dma_wait3A_339 = arith.constant 0 : i32
      %dma_wait3A_340 = tpu.memref_slice %arg4[%dma_wait3A_327, %dma_wait3A_338, %dma_wait3A_339] : memref<16384x32x128xf32, #tpu.memory_space<hbm>> -> memref<1x26x32xf32, #tpu.memory_space<hbm>>
      %dma_wait3A_341 = tpu.memref_squeeze %dma_wait3A_340 : memref<1x26x32xf32, #tpu.memory_space<hbm>> -> memref<26x32xf32, #tpu.memory_space<hbm>>
      tpu.wait_dma2 semaphore(%arg17 : memref<!tpu.dma_semaphore, #tpu.memory_space<semaphore_mem>>) src(%dma_wait3A_341 : memref<26x32xf32, #tpu.memory_space<hbm>>) dst(%dma_wait3A_337 : memref<26x32xf32, #tpu.memory_space<vmem>>)
    }
    %scan3A_176 = arith.constant 32 : i32
    %dma_start3A_177 = arith.constant 9152 : i32
    %dma_start3A_178 = tpu.memref_slice %arg5[%dma_start3A_177] : memref<13312xi32, #tpu.memory_space<vmem>> -> memref<832xi32, #tpu.memory_space<vmem>>
    %dma_start3A_179 = arith.constant 0 : i32
    %dma_start3A_180 = arith.constant 0 : i32
    %dma_start3A_181 = tpu.memref_slice %arg3[%dma_start3A_179, %dma_start3A_180] : memref<1000000x32xf32, #tpu.memory_space<hbm>> -> memref<1000000x32xf32, #tpu.memory_space<hbm>>
    tpu.enqueue_indirect_dma source(%dma_start3A_181 : memref<1000000x32xf32, #tpu.memory_space<hbm>>) target(%arg9 : memref<832x32xf32, #tpu.memory_space<vmem>>) offsets(%dma_start3A_178 : memref<832xi32, #tpu.memory_space<vmem>>) semaphore(%arg13 : memref<!tpu.dma_semaphore, #tpu.memory_space<semaphore_mem>>)
    %dma_wait3A_182 = arith.constant 6656 : i32
    %dma_wait3A_183 = tpu.memref_slice %arg5[%dma_wait3A_182] : memref<13312xi32, #tpu.memory_space<vmem>> -> memref<832xi32, #tpu.memory_space<vmem>>
    %dma_wait3A_184 = arith.constant 0 : i32
    %dma_wait3A_185 = arith.constant 0 : i32
    %dma_wait3A_186 = tpu.memref_slice %arg3[%dma_wait3A_184, %dma_wait3A_185] : memref<1000000x32xf32, #tpu.memory_space<hbm>> -> memref<1000000x32xf32, #tpu.memory_space<hbm>>
    tpu.wait_indirect_dma semaphore(%arg10 : memref<!tpu.dma_semaphore, #tpu.memory_space<semaphore_mem>>) src(%dma_wait3A_186 : memref<1000000x32xf32, #tpu.memory_space<hbm>>) dst(%arg6 : memref<832x32xf32, #tpu.memory_space<vmem>>)
    %scan3A_187 = arith.constant 0 : i32
    %scan3A_188 = arith.constant 32 : i32
    %scan3A_189 = arith.addi %scan3A_187, %scan3A_188 : i32
    %scan3A_190 = arith.constant 1 : i32
    scf.for %scan3A_322 = %scan3A_187 to %scan3A_189 step %scan3A_190  : i32 {
      %mul3A_323 = arith.constant 1 : i32
      %mul3A_324 = arith.muli %scan3A_322, %mul3A_323 : i32
      %add3A_325 = arith.constant 0 : i32
      %add3A_326 = arith.addi %add3A_325, %mul3A_324 : i32
      %add3A_327 = arith.constant 256 : i32
      %add3A_328 = arith.addi %mul3A_4, %add3A_327 : i32
      %add3A_329 = arith.addi %add3A_328, %add3A_326 : i32
      %mul3A_330 = arith.constant 26 : i32
      %mul3A_331 = arith.muli %add3A_326, %mul3A_330 : i32
      %dma_start3A_332 = arith.constant 0 : i32
      %dma_start3A_333 = tpu.memref_slice %arg6[%mul3A_331, %dma_start3A_332] : memref<832x32xf32, #tpu.memory_space<vmem>> -> memref<26x32xf32, #tpu.memory_space<vmem>>
      %dma_start3A_334 = arith.constant 0 : i32
      %dma_start3A_335 = arith.constant 0 : i32
      %dma_start3A_336 = tpu.memref_slice %arg4[%add3A_329, %dma_start3A_334, %dma_start3A_335] : memref<16384x32x128xf32, #tpu.memory_space<hbm>> -> memref<1x26x32xf32, #tpu.memory_space<hbm>>
      %dma_start3A_337 = tpu.memref_squeeze %dma_start3A_336 : memref<1x26x32xf32, #tpu.memory_space<hbm>> -> memref<26x32xf32, #tpu.memory_space<hbm>>
      %dma_start3A_338 = arith.constant 0 : i32
      %dma_start3A_339 = arith.constant 0 : i32
      %dma_start3A_340 = tpu.memref_slice %arg4[%add3A_329, %dma_start3A_338, %dma_start3A_339] : memref<16384x32x128xf32, #tpu.memory_space<hbm>> -> memref<1x26x32xf32, #tpu.memory_space<hbm>>
      %dma_start3A_341 = tpu.memref_squeeze %dma_start3A_340 : memref<1x26x32xf32, #tpu.memory_space<hbm>> -> memref<26x32xf32, #tpu.memory_space<hbm>>
      %dma_start3A_342 = arith.constant 0 : i32
      %dma_start3A_343 = tpu.memref_slice %arg6[%mul3A_331, %dma_start3A_342] : memref<832x32xf32, #tpu.memory_space<vmem>> -> memref<26x32xf32, #tpu.memory_space<vmem>>
      tpu.enqueue_dma source(%dma_start3A_343 : memref<26x32xf32, #tpu.memory_space<vmem>>) target(%dma_start3A_341 : memref<26x32xf32, #tpu.memory_space<hbm>>) target_semaphore(%arg14 : memref<!tpu.dma_semaphore, #tpu.memory_space<semaphore_mem>>)
    }
    %scan3A_191 = arith.constant 32 : i32
    %scan3A_192 = arith.constant 0 : i32
    %scan3A_193 = arith.constant 32 : i32
    %scan3A_194 = arith.addi %scan3A_192, %scan3A_193 : i32
    %scan3A_195 = arith.constant 1 : i32
    scf.for %scan3A_322 = %scan3A_192 to %scan3A_194 step %scan3A_195  : i32 {
      %mul3A_323 = arith.constant 1 : i32
      %mul3A_324 = arith.muli %scan3A_322, %mul3A_323 : i32
      %add3A_325 = arith.constant 0 : i32
      %add3A_326 = arith.addi %add3A_325, %mul3A_324 : i32
      %dma_wait3A_327 = arith.constant 0 : i32
      %dma_wait3A_328 = arith.constant 0 : i32
      %dma_wait3A_329 = arith.constant 0 : i32
      %dma_wait3A_330 = tpu.memref_slice %arg6[%dma_wait3A_328, %dma_wait3A_329] : memref<832x32xf32, #tpu.memory_space<vmem>> -> memref<26x32xf32, #tpu.memory_space<vmem>>
      %dma_wait3A_331 = arith.constant 0 : i32
      %dma_wait3A_332 = arith.constant 0 : i32
      %dma_wait3A_333 = tpu.memref_slice %arg4[%dma_wait3A_327, %dma_wait3A_331, %dma_wait3A_332] : memref<16384x32x128xf32, #tpu.memory_space<hbm>> -> memref<1x26x32xf32, #tpu.memory_space<hbm>>
      %dma_wait3A_334 = tpu.memref_squeeze %dma_wait3A_333 : memref<1x26x32xf32, #tpu.memory_space<hbm>> -> memref<26x32xf32, #tpu.memory_space<hbm>>
      %dma_wait3A_335 = arith.constant 0 : i32
      %dma_wait3A_336 = arith.constant 0 : i32
      %dma_wait3A_337 = tpu.memref_slice %arg6[%dma_wait3A_335, %dma_wait3A_336] : memref<832x32xf32, #tpu.memory_space<vmem>> -> memref<26x32xf32, #tpu.memory_space<vmem>>
      %dma_wait3A_338 = arith.constant 0 : i32
      %dma_wait3A_339 = arith.constant 0 : i32
      %dma_wait3A_340 = tpu.memref_slice %arg4[%dma_wait3A_327, %dma_wait3A_338, %dma_wait3A_339] : memref<16384x32x128xf32, #tpu.memory_space<hbm>> -> memref<1x26x32xf32, #tpu.memory_space<hbm>>
      %dma_wait3A_341 = tpu.memref_squeeze %dma_wait3A_340 : memref<1x26x32xf32, #tpu.memory_space<hbm>> -> memref<26x32xf32, #tpu.memory_space<hbm>>
      tpu.wait_dma2 semaphore(%arg14 : memref<!tpu.dma_semaphore, #tpu.memory_space<semaphore_mem>>) src(%dma_wait3A_341 : memref<26x32xf32, #tpu.memory_space<hbm>>) dst(%dma_wait3A_337 : memref<26x32xf32, #tpu.memory_space<vmem>>)
    }
    %scan3A_196 = arith.constant 32 : i32
    %dma_start3A_197 = arith.constant 9984 : i32
    %dma_start3A_198 = tpu.memref_slice %arg5[%dma_start3A_197] : memref<13312xi32, #tpu.memory_space<vmem>> -> memref<832xi32, #tpu.memory_space<vmem>>
    %dma_start3A_199 = arith.constant 0 : i32
    %dma_start3A_200 = arith.constant 0 : i32
    %dma_start3A_201 = tpu.memref_slice %arg3[%dma_start3A_199, %dma_start3A_200] : memref<1000000x32xf32, #tpu.memory_space<hbm>> -> memref<1000000x32xf32, #tpu.memory_space<hbm>>
    tpu.enqueue_indirect_dma source(%dma_start3A_201 : memref<1000000x32xf32, #tpu.memory_space<hbm>>) target(%arg6 : memref<832x32xf32, #tpu.memory_space<vmem>>) offsets(%dma_start3A_198 : memref<832xi32, #tpu.memory_space<vmem>>) semaphore(%arg10 : memref<!tpu.dma_semaphore, #tpu.memory_space<semaphore_mem>>)
    %dma_wait3A_202 = arith.constant 7488 : i32
    %dma_wait3A_203 = tpu.memref_slice %arg5[%dma_wait3A_202] : memref<13312xi32, #tpu.memory_space<vmem>> -> memref<832xi32, #tpu.memory_space<vmem>>
    %dma_wait3A_204 = arith.constant 0 : i32
    %dma_wait3A_205 = arith.constant 0 : i32
    %dma_wait3A_206 = tpu.memref_slice %arg3[%dma_wait3A_204, %dma_wait3A_205] : memref<1000000x32xf32, #tpu.memory_space<hbm>> -> memref<1000000x32xf32, #tpu.memory_space<hbm>>
    tpu.wait_indirect_dma semaphore(%arg11 : memref<!tpu.dma_semaphore, #tpu.memory_space<semaphore_mem>>) src(%dma_wait3A_206 : memref<1000000x32xf32, #tpu.memory_space<hbm>>) dst(%arg7 : memref<832x32xf32, #tpu.memory_space<vmem>>)
    %scan3A_207 = arith.constant 0 : i32
    %scan3A_208 = arith.constant 32 : i32
    %scan3A_209 = arith.addi %scan3A_207, %scan3A_208 : i32
    %scan3A_210 = arith.constant 1 : i32
    scf.for %scan3A_322 = %scan3A_207 to %scan3A_209 step %scan3A_210  : i32 {
      %mul3A_323 = arith.constant 1 : i32
      %mul3A_324 = arith.muli %scan3A_322, %mul3A_323 : i32
      %add3A_325 = arith.constant 0 : i32
      %add3A_326 = arith.addi %add3A_325, %mul3A_324 : i32
      %add3A_327 = arith.constant 288 : i32
      %add3A_328 = arith.addi %mul3A_4, %add3A_327 : i32
      %add3A_329 = arith.addi %add3A_328, %add3A_326 : i32
      %mul3A_330 = arith.constant 26 : i32
      %mul3A_331 = arith.muli %add3A_326, %mul3A_330 : i32
      %dma_start3A_332 = arith.constant 0 : i32
      %dma_start3A_333 = tpu.memref_slice %arg7[%mul3A_331, %dma_start3A_332] : memref<832x32xf32, #tpu.memory_space<vmem>> -> memref<26x32xf32, #tpu.memory_space<vmem>>
      %dma_start3A_334 = arith.constant 0 : i32
      %dma_start3A_335 = arith.constant 0 : i32
      %dma_start3A_336 = tpu.memref_slice %arg4[%add3A_329, %dma_start3A_334, %dma_start3A_335] : memref<16384x32x128xf32, #tpu.memory_space<hbm>> -> memref<1x26x32xf32, #tpu.memory_space<hbm>>
      %dma_start3A_337 = tpu.memref_squeeze %dma_start3A_336 : memref<1x26x32xf32, #tpu.memory_space<hbm>> -> memref<26x32xf32, #tpu.memory_space<hbm>>
      %dma_start3A_338 = arith.constant 0 : i32
      %dma_start3A_339 = arith.constant 0 : i32
      %dma_start3A_340 = tpu.memref_slice %arg4[%add3A_329, %dma_start3A_338, %dma_start3A_339] : memref<16384x32x128xf32, #tpu.memory_space<hbm>> -> memref<1x26x32xf32, #tpu.memory_space<hbm>>
      %dma_start3A_341 = tpu.memref_squeeze %dma_start3A_340 : memref<1x26x32xf32, #tpu.memory_space<hbm>> -> memref<26x32xf32, #tpu.memory_space<hbm>>
      %dma_start3A_342 = arith.constant 0 : i32
      %dma_start3A_343 = tpu.memref_slice %arg7[%mul3A_331, %dma_start3A_342] : memref<832x32xf32, #tpu.memory_space<vmem>> -> memref<26x32xf32, #tpu.memory_space<vmem>>
      tpu.enqueue_dma source(%dma_start3A_343 : memref<26x32xf32, #tpu.memory_space<vmem>>) target(%dma_start3A_341 : memref<26x32xf32, #tpu.memory_space<hbm>>) target_semaphore(%arg15 : memref<!tpu.dma_semaphore, #tpu.memory_space<semaphore_mem>>)
    }
    %scan3A_211 = arith.constant 32 : i32
    %scan3A_212 = arith.constant 0 : i32
    %scan3A_213 = arith.constant 32 : i32
    %scan3A_214 = arith.addi %scan3A_212, %scan3A_213 : i32
    %scan3A_215 = arith.constant 1 : i32
    scf.for %scan3A_322 = %scan3A_212 to %scan3A_214 step %scan3A_215  : i32 {
      %mul3A_323 = arith.constant 1 : i32
      %mul3A_324 = arith.muli %scan3A_322, %mul3A_323 : i32
      %add3A_325 = arith.constant 0 : i32
      %add3A_326 = arith.addi %add3A_325, %mul3A_324 : i32
      %dma_wait3A_327 = arith.constant 0 : i32
      %dma_wait3A_328 = arith.constant 0 : i32
      %dma_wait3A_329 = arith.constant 0 : i32
      %dma_wait3A_330 = tpu.memref_slice %arg7[%dma_wait3A_328, %dma_wait3A_329] : memref<832x32xf32, #tpu.memory_space<vmem>> -> memref<26x32xf32, #tpu.memory_space<vmem>>
      %dma_wait3A_331 = arith.constant 0 : i32
      %dma_wait3A_332 = arith.constant 0 : i32
      %dma_wait3A_333 = tpu.memref_slice %arg4[%dma_wait3A_327, %dma_wait3A_331, %dma_wait3A_332] : memref<16384x32x128xf32, #tpu.memory_space<hbm>> -> memref<1x26x32xf32, #tpu.memory_space<hbm>>
      %dma_wait3A_334 = tpu.memref_squeeze %dma_wait3A_333 : memref<1x26x32xf32, #tpu.memory_space<hbm>> -> memref<26x32xf32, #tpu.memory_space<hbm>>
      %dma_wait3A_335 = arith.constant 0 : i32
      %dma_wait3A_336 = arith.constant 0 : i32
      %dma_wait3A_337 = tpu.memref_slice %arg7[%dma_wait3A_335, %dma_wait3A_336] : memref<832x32xf32, #tpu.memory_space<vmem>> -> memref<26x32xf32, #tpu.memory_space<vmem>>
      %dma_wait3A_338 = arith.constant 0 : i32
      %dma_wait3A_339 = arith.constant 0 : i32
      %dma_wait3A_340 = tpu.memref_slice %arg4[%dma_wait3A_327, %dma_wait3A_338, %dma_wait3A_339] : memref<16384x32x128xf32, #tpu.memory_space<hbm>> -> memref<1x26x32xf32, #tpu.memory_space<hbm>>
      %dma_wait3A_341 = tpu.memref_squeeze %dma_wait3A_340 : memref<1x26x32xf32, #tpu.memory_space<hbm>> -> memref<26x32xf32, #tpu.memory_space<hbm>>
      tpu.wait_dma2 semaphore(%arg15 : memref<!tpu.dma_semaphore, #tpu.memory_space<semaphore_mem>>) src(%dma_wait3A_341 : memref<26x32xf32, #tpu.memory_space<hbm>>) dst(%dma_wait3A_337 : memref<26x32xf32, #tpu.memory_space<vmem>>)
    }
    %scan3A_216 = arith.constant 32 : i32
    %dma_start3A_217 = arith.constant 10816 : i32
    %dma_start3A_218 = tpu.memref_slice %arg5[%dma_start3A_217] : memref<13312xi32, #tpu.memory_space<vmem>> -> memref<832xi32, #tpu.memory_space<vmem>>
    %dma_start3A_219 = arith.constant 0 : i32
    %dma_start3A_220 = arith.constant 0 : i32
    %dma_start3A_221 = tpu.memref_slice %arg3[%dma_start3A_219, %dma_start3A_220] : memref<1000000x32xf32, #tpu.memory_space<hbm>> -> memref<1000000x32xf32, #tpu.memory_space<hbm>>
    tpu.enqueue_indirect_dma source(%dma_start3A_221 : memref<1000000x32xf32, #tpu.memory_space<hbm>>) target(%arg7 : memref<832x32xf32, #tpu.memory_space<vmem>>) offsets(%dma_start3A_218 : memref<832xi32, #tpu.memory_space<vmem>>) semaphore(%arg11 : memref<!tpu.dma_semaphore, #tpu.memory_space<semaphore_mem>>)
    %dma_wait3A_222 = arith.constant 8320 : i32
    %dma_wait3A_223 = tpu.memref_slice %arg5[%dma_wait3A_222] : memref<13312xi32, #tpu.memory_space<vmem>> -> memref<832xi32, #tpu.memory_space<vmem>>
    %dma_wait3A_224 = arith.constant 0 : i32
    %dma_wait3A_225 = arith.constant 0 : i32
    %dma_wait3A_226 = tpu.memref_slice %arg3[%dma_wait3A_224, %dma_wait3A_225] : memref<1000000x32xf32, #tpu.memory_space<hbm>> -> memref<1000000x32xf32, #tpu.memory_space<hbm>>
    tpu.wait_indirect_dma semaphore(%arg12 : memref<!tpu.dma_semaphore, #tpu.memory_space<semaphore_mem>>) src(%dma_wait3A_226 : memref<1000000x32xf32, #tpu.memory_space<hbm>>) dst(%arg8 : memref<832x32xf32, #tpu.memory_space<vmem>>)
    %scan3A_227 = arith.constant 0 : i32
    %scan3A_228 = arith.constant 32 : i32
    %scan3A_229 = arith.addi %scan3A_227, %scan3A_228 : i32
    %scan3A_230 = arith.constant 1 : i32
    scf.for %scan3A_322 = %scan3A_227 to %scan3A_229 step %scan3A_230  : i32 {
      %mul3A_323 = arith.constant 1 : i32
      %mul3A_324 = arith.muli %scan3A_322, %mul3A_323 : i32
      %add3A_325 = arith.constant 0 : i32
      %add3A_326 = arith.addi %add3A_325, %mul3A_324 : i32
      %add3A_327 = arith.constant 320 : i32
      %add3A_328 = arith.addi %mul3A_4, %add3A_327 : i32
      %add3A_329 = arith.addi %add3A_328, %add3A_326 : i32
      %mul3A_330 = arith.constant 26 : i32
      %mul3A_331 = arith.muli %add3A_326, %mul3A_330 : i32
      %dma_start3A_332 = arith.constant 0 : i32
      %dma_start3A_333 = tpu.memref_slice %arg8[%mul3A_331, %dma_start3A_332] : memref<832x32xf32, #tpu.memory_space<vmem>> -> memref<26x32xf32, #tpu.memory_space<vmem>>
      %dma_start3A_334 = arith.constant 0 : i32
      %dma_start3A_335 = arith.constant 0 : i32
      %dma_start3A_336 = tpu.memref_slice %arg4[%add3A_329, %dma_start3A_334, %dma_start3A_335] : memref<16384x32x128xf32, #tpu.memory_space<hbm>> -> memref<1x26x32xf32, #tpu.memory_space<hbm>>
      %dma_start3A_337 = tpu.memref_squeeze %dma_start3A_336 : memref<1x26x32xf32, #tpu.memory_space<hbm>> -> memref<26x32xf32, #tpu.memory_space<hbm>>
      %dma_start3A_338 = arith.constant 0 : i32
      %dma_start3A_339 = arith.constant 0 : i32
      %dma_start3A_340 = tpu.memref_slice %arg4[%add3A_329, %dma_start3A_338, %dma_start3A_339] : memref<16384x32x128xf32, #tpu.memory_space<hbm>> -> memref<1x26x32xf32, #tpu.memory_space<hbm>>
      %dma_start3A_341 = tpu.memref_squeeze %dma_start3A_340 : memref<1x26x32xf32, #tpu.memory_space<hbm>> -> memref<26x32xf32, #tpu.memory_space<hbm>>
      %dma_start3A_342 = arith.constant 0 : i32
      %dma_start3A_343 = tpu.memref_slice %arg8[%mul3A_331, %dma_start3A_342] : memref<832x32xf32, #tpu.memory_space<vmem>> -> memref<26x32xf32, #tpu.memory_space<vmem>>
      tpu.enqueue_dma source(%dma_start3A_343 : memref<26x32xf32, #tpu.memory_space<vmem>>) target(%dma_start3A_341 : memref<26x32xf32, #tpu.memory_space<hbm>>) target_semaphore(%arg16 : memref<!tpu.dma_semaphore, #tpu.memory_space<semaphore_mem>>)
    }
    %scan3A_231 = arith.constant 32 : i32
    %scan3A_232 = arith.constant 0 : i32
    %scan3A_233 = arith.constant 32 : i32
    %scan3A_234 = arith.addi %scan3A_232, %scan3A_233 : i32
    %scan3A_235 = arith.constant 1 : i32
    scf.for %scan3A_322 = %scan3A_232 to %scan3A_234 step %scan3A_235  : i32 {
      %mul3A_323 = arith.constant 1 : i32
      %mul3A_324 = arith.muli %scan3A_322, %mul3A_323 : i32
      %add3A_325 = arith.constant 0 : i32
      %add3A_326 = arith.addi %add3A_325, %mul3A_324 : i32
      %dma_wait3A_327 = arith.constant 0 : i32
      %dma_wait3A_328 = arith.constant 0 : i32
      %dma_wait3A_329 = arith.constant 0 : i32
      %dma_wait3A_330 = tpu.memref_slice %arg8[%dma_wait3A_328, %dma_wait3A_329] : memref<832x32xf32, #tpu.memory_space<vmem>> -> memref<26x32xf32, #tpu.memory_space<vmem>>
      %dma_wait3A_331 = arith.constant 0 : i32
      %dma_wait3A_332 = arith.constant 0 : i32
      %dma_wait3A_333 = tpu.memref_slice %arg4[%dma_wait3A_327, %dma_wait3A_331, %dma_wait3A_332] : memref<16384x32x128xf32, #tpu.memory_space<hbm>> -> memref<1x26x32xf32, #tpu.memory_space<hbm>>
      %dma_wait3A_334 = tpu.memref_squeeze %dma_wait3A_333 : memref<1x26x32xf32, #tpu.memory_space<hbm>> -> memref<26x32xf32, #tpu.memory_space<hbm>>
      %dma_wait3A_335 = arith.constant 0 : i32
      %dma_wait3A_336 = arith.constant 0 : i32
      %dma_wait3A_337 = tpu.memref_slice %arg8[%dma_wait3A_335, %dma_wait3A_336] : memref<832x32xf32, #tpu.memory_space<vmem>> -> memref<26x32xf32, #tpu.memory_space<vmem>>
      %dma_wait3A_338 = arith.constant 0 : i32
      %dma_wait3A_339 = arith.constant 0 : i32
      %dma_wait3A_340 = tpu.memref_slice %arg4[%dma_wait3A_327, %dma_wait3A_338, %dma_wait3A_339] : memref<16384x32x128xf32, #tpu.memory_space<hbm>> -> memref<1x26x32xf32, #tpu.memory_space<hbm>>
      %dma_wait3A_341 = tpu.memref_squeeze %dma_wait3A_340 : memref<1x26x32xf32, #tpu.memory_space<hbm>> -> memref<26x32xf32, #tpu.memory_space<hbm>>
      tpu.wait_dma2 semaphore(%arg16 : memref<!tpu.dma_semaphore, #tpu.memory_space<semaphore_mem>>) src(%dma_wait3A_341 : memref<26x32xf32, #tpu.memory_space<hbm>>) dst(%dma_wait3A_337 : memref<26x32xf32, #tpu.memory_space<vmem>>)
    }
    %scan3A_236 = arith.constant 32 : i32
    %dma_start3A_237 = arith.constant 11648 : i32
    %dma_start3A_238 = tpu.memref_slice %arg5[%dma_start3A_237] : memref<13312xi32, #tpu.memory_space<vmem>> -> memref<832xi32, #tpu.memory_space<vmem>>
    %dma_start3A_239 = arith.constant 0 : i32
    %dma_start3A_240 = arith.constant 0 : i32
    %dma_start3A_241 = tpu.memref_slice %arg3[%dma_start3A_239, %dma_start3A_240] : memref<1000000x32xf32, #tpu.memory_space<hbm>> -> memref<1000000x32xf32, #tpu.memory_space<hbm>>
    tpu.enqueue_indirect_dma source(%dma_start3A_241 : memref<1000000x32xf32, #tpu.memory_space<hbm>>) target(%arg8 : memref<832x32xf32, #tpu.memory_space<vmem>>) offsets(%dma_start3A_238 : memref<832xi32, #tpu.memory_space<vmem>>) semaphore(%arg12 : memref<!tpu.dma_semaphore, #tpu.memory_space<semaphore_mem>>)
    %dma_wait3A_242 = arith.constant 9152 : i32
    %dma_wait3A_243 = tpu.memref_slice %arg5[%dma_wait3A_242] : memref<13312xi32, #tpu.memory_space<vmem>> -> memref<832xi32, #tpu.memory_space<vmem>>
    %dma_wait3A_244 = arith.constant 0 : i32
    %dma_wait3A_245 = arith.constant 0 : i32
    %dma_wait3A_246 = tpu.memref_slice %arg3[%dma_wait3A_244, %dma_wait3A_245] : memref<1000000x32xf32, #tpu.memory_space<hbm>> -> memref<1000000x32xf32, #tpu.memory_space<hbm>>
    tpu.wait_indirect_dma semaphore(%arg13 : memref<!tpu.dma_semaphore, #tpu.memory_space<semaphore_mem>>) src(%dma_wait3A_246 : memref<1000000x32xf32, #tpu.memory_space<hbm>>) dst(%arg9 : memref<832x32xf32, #tpu.memory_space<vmem>>)
    %scan3A_247 = arith.constant 0 : i32
    %scan3A_248 = arith.constant 32 : i32
    %scan3A_249 = arith.addi %scan3A_247, %scan3A_248 : i32
    %scan3A_250 = arith.constant 1 : i32
    scf.for %scan3A_322 = %scan3A_247 to %scan3A_249 step %scan3A_250  : i32 {
      %mul3A_323 = arith.constant 1 : i32
      %mul3A_324 = arith.muli %scan3A_322, %mul3A_323 : i32
      %add3A_325 = arith.constant 0 : i32
      %add3A_326 = arith.addi %add3A_325, %mul3A_324 : i32
      %add3A_327 = arith.constant 352 : i32
      %add3A_328 = arith.addi %mul3A_4, %add3A_327 : i32
      %add3A_329 = arith.addi %add3A_328, %add3A_326 : i32
      %mul3A_330 = arith.constant 26 : i32
      %mul3A_331 = arith.muli %add3A_326, %mul3A_330 : i32
      %dma_start3A_332 = arith.constant 0 : i32
      %dma_start3A_333 = tpu.memref_slice %arg9[%mul3A_331, %dma_start3A_332] : memref<832x32xf32, #tpu.memory_space<vmem>> -> memref<26x32xf32, #tpu.memory_space<vmem>>
      %dma_start3A_334 = arith.constant 0 : i32
      %dma_start3A_335 = arith.constant 0 : i32
      %dma_start3A_336 = tpu.memref_slice %arg4[%add3A_329, %dma_start3A_334, %dma_start3A_335] : memref<16384x32x128xf32, #tpu.memory_space<hbm>> -> memref<1x26x32xf32, #tpu.memory_space<hbm>>
      %dma_start3A_337 = tpu.memref_squeeze %dma_start3A_336 : memref<1x26x32xf32, #tpu.memory_space<hbm>> -> memref<26x32xf32, #tpu.memory_space<hbm>>
      %dma_start3A_338 = arith.constant 0 : i32
      %dma_start3A_339 = arith.constant 0 : i32
      %dma_start3A_340 = tpu.memref_slice %arg4[%add3A_329, %dma_start3A_338, %dma_start3A_339] : memref<16384x32x128xf32, #tpu.memory_space<hbm>> -> memref<1x26x32xf32, #tpu.memory_space<hbm>>
      %dma_start3A_341 = tpu.memref_squeeze %dma_start3A_340 : memref<1x26x32xf32, #tpu.memory_space<hbm>> -> memref<26x32xf32, #tpu.memory_space<hbm>>
      %dma_start3A_342 = arith.constant 0 : i32
      %dma_start3A_343 = tpu.memref_slice %arg9[%mul3A_331, %dma_start3A_342] : memref<832x32xf32, #tpu.memory_space<vmem>> -> memref<26x32xf32, #tpu.memory_space<vmem>>
      tpu.enqueue_dma source(%dma_start3A_343 : memref<26x32xf32, #tpu.memory_space<vmem>>) target(%dma_start3A_341 : memref<26x32xf32, #tpu.memory_space<hbm>>) target_semaphore(%arg17 : memref<!tpu.dma_semaphore, #tpu.memory_space<semaphore_mem>>)
    }
    %scan3A_251 = arith.constant 32 : i32
    %scan3A_252 = arith.constant 0 : i32
    %scan3A_253 = arith.constant 32 : i32
    %scan3A_254 = arith.addi %scan3A_252, %scan3A_253 : i32
    %scan3A_255 = arith.constant 1 : i32
    scf.for %scan3A_322 = %scan3A_252 to %scan3A_254 step %scan3A_255  : i32 {
      %mul3A_323 = arith.constant 1 : i32
      %mul3A_324 = arith.muli %scan3A_322, %mul3A_323 : i32
      %add3A_325 = arith.constant 0 : i32
      %add3A_326 = arith.addi %add3A_325, %mul3A_324 : i32
      %dma_wait3A_327 = arith.constant 0 : i32
      %dma_wait3A_328 = arith.constant 0 : i32
      %dma_wait3A_329 = arith.constant 0 : i32
      %dma_wait3A_330 = tpu.memref_slice %arg9[%dma_wait3A_328, %dma_wait3A_329] : memref<832x32xf32, #tpu.memory_space<vmem>> -> memref<26x32xf32, #tpu.memory_space<vmem>>
      %dma_wait3A_331 = arith.constant 0 : i32
      %dma_wait3A_332 = arith.constant 0 : i32
      %dma_wait3A_333 = tpu.memref_slice %arg4[%dma_wait3A_327, %dma_wait3A_331, %dma_wait3A_332] : memref<16384x32x128xf32, #tpu.memory_space<hbm>> -> memref<1x26x32xf32, #tpu.memory_space<hbm>>
      %dma_wait3A_334 = tpu.memref_squeeze %dma_wait3A_333 : memref<1x26x32xf32, #tpu.memory_space<hbm>> -> memref<26x32xf32, #tpu.memory_space<hbm>>
      %dma_wait3A_335 = arith.constant 0 : i32
      %dma_wait3A_336 = arith.constant 0 : i32
      %dma_wait3A_337 = tpu.memref_slice %arg9[%dma_wait3A_335, %dma_wait3A_336] : memref<832x32xf32, #tpu.memory_space<vmem>> -> memref<26x32xf32, #tpu.memory_space<vmem>>
      %dma_wait3A_338 = arith.constant 0 : i32
      %dma_wait3A_339 = arith.constant 0 : i32
      %dma_wait3A_340 = tpu.memref_slice %arg4[%dma_wait3A_327, %dma_wait3A_338, %dma_wait3A_339] : memref<16384x32x128xf32, #tpu.memory_space<hbm>> -> memref<1x26x32xf32, #tpu.memory_space<hbm>>
      %dma_wait3A_341 = tpu.memref_squeeze %dma_wait3A_340 : memref<1x26x32xf32, #tpu.memory_space<hbm>> -> memref<26x32xf32, #tpu.memory_space<hbm>>
      tpu.wait_dma2 semaphore(%arg17 : memref<!tpu.dma_semaphore, #tpu.memory_space<semaphore_mem>>) src(%dma_wait3A_341 : memref<26x32xf32, #tpu.memory_space<hbm>>) dst(%dma_wait3A_337 : memref<26x32xf32, #tpu.memory_space<vmem>>)
    }
    %scan3A_256 = arith.constant 32 : i32
    %dma_start3A_257 = arith.constant 12480 : i32
    %dma_start3A_258 = tpu.memref_slice %arg5[%dma_start3A_257] : memref<13312xi32, #tpu.memory_space<vmem>> -> memref<832xi32, #tpu.memory_space<vmem>>
    %dma_start3A_259 = arith.constant 0 : i32
    %dma_start3A_260 = arith.constant 0 : i32
    %dma_start3A_261 = tpu.memref_slice %arg3[%dma_start3A_259, %dma_start3A_260] : memref<1000000x32xf32, #tpu.memory_space<hbm>> -> memref<1000000x32xf32, #tpu.memory_space<hbm>>
    tpu.enqueue_indirect_dma source(%dma_start3A_261 : memref<1000000x32xf32, #tpu.memory_space<hbm>>) target(%arg9 : memref<832x32xf32, #tpu.memory_space<vmem>>) offsets(%dma_start3A_258 : memref<832xi32, #tpu.memory_space<vmem>>) semaphore(%arg13 : memref<!tpu.dma_semaphore, #tpu.memory_space<semaphore_mem>>)
    %dma_wait3A_262 = arith.constant 9984 : i32
    %dma_wait3A_263 = tpu.memref_slice %arg5[%dma_wait3A_262] : memref<13312xi32, #tpu.memory_space<vmem>> -> memref<832xi32, #tpu.memory_space<vmem>>
    %dma_wait3A_264 = arith.constant 0 : i32
    %dma_wait3A_265 = arith.constant 0 : i32
    %dma_wait3A_266 = tpu.memref_slice %arg3[%dma_wait3A_264, %dma_wait3A_265] : memref<1000000x32xf32, #tpu.memory_space<hbm>> -> memref<1000000x32xf32, #tpu.memory_space<hbm>>
    tpu.wait_indirect_dma semaphore(%arg10 : memref<!tpu.dma_semaphore, #tpu.memory_space<semaphore_mem>>) src(%dma_wait3A_266 : memref<1000000x32xf32, #tpu.memory_space<hbm>>) dst(%arg6 : memref<832x32xf32, #tpu.memory_space<vmem>>)
    %scan3A_267 = arith.constant 0 : i32
    %scan3A_268 = arith.constant 32 : i32
    %scan3A_269 = arith.addi %scan3A_267, %scan3A_268 : i32
    %scan3A_270 = arith.constant 1 : i32
    scf.for %scan3A_322 = %scan3A_267 to %scan3A_269 step %scan3A_270  : i32 {
      %mul3A_323 = arith.constant 1 : i32
      %mul3A_324 = arith.muli %scan3A_322, %mul3A_323 : i32
      %add3A_325 = arith.constant 0 : i32
      %add3A_326 = arith.addi %add3A_325, %mul3A_324 : i32
      %add3A_327 = arith.constant 384 : i32
      %add3A_328 = arith.addi %mul3A_4, %add3A_327 : i32
      %add3A_329 = arith.addi %add3A_328, %add3A_326 : i32
      %mul3A_330 = arith.constant 26 : i32
      %mul3A_331 = arith.muli %add3A_326, %mul3A_330 : i32
      %dma_start3A_332 = arith.constant 0 : i32
      %dma_start3A_333 = tpu.memref_slice %arg6[%mul3A_331, %dma_start3A_332] : memref<832x32xf32, #tpu.memory_space<vmem>> -> memref<26x32xf32, #tpu.memory_space<vmem>>
      %dma_start3A_334 = arith.constant 0 : i32
      %dma_start3A_335 = arith.constant 0 : i32
      %dma_start3A_336 = tpu.memref_slice %arg4[%add3A_329, %dma_start3A_334, %dma_start3A_335] : memref<16384x32x128xf32, #tpu.memory_space<hbm>> -> memref<1x26x32xf32, #tpu.memory_space<hbm>>
      %dma_start3A_337 = tpu.memref_squeeze %dma_start3A_336 : memref<1x26x32xf32, #tpu.memory_space<hbm>> -> memref<26x32xf32, #tpu.memory_space<hbm>>
      %dma_start3A_338 = arith.constant 0 : i32
      %dma_start3A_339 = arith.constant 0 : i32
      %dma_start3A_340 = tpu.memref_slice %arg4[%add3A_329, %dma_start3A_338, %dma_start3A_339] : memref<16384x32x128xf32, #tpu.memory_space<hbm>> -> memref<1x26x32xf32, #tpu.memory_space<hbm>>
      %dma_start3A_341 = tpu.memref_squeeze %dma_start3A_340 : memref<1x26x32xf32, #tpu.memory_space<hbm>> -> memref<26x32xf32, #tpu.memory_space<hbm>>
      %dma_start3A_342 = arith.constant 0 : i32
      %dma_start3A_343 = tpu.memref_slice %arg6[%mul3A_331, %dma_start3A_342] : memref<832x32xf32, #tpu.memory_space<vmem>> -> memref<26x32xf32, #tpu.memory_space<vmem>>
      tpu.enqueue_dma source(%dma_start3A_343 : memref<26x32xf32, #tpu.memory_space<vmem>>) target(%dma_start3A_341 : memref<26x32xf32, #tpu.memory_space<hbm>>) target_semaphore(%arg14 : memref<!tpu.dma_semaphore, #tpu.memory_space<semaphore_mem>>)
    }
    %scan3A_271 = arith.constant 32 : i32
    %scan3A_272 = arith.constant 0 : i32
    %scan3A_273 = arith.constant 32 : i32
    %scan3A_274 = arith.addi %scan3A_272, %scan3A_273 : i32
    %scan3A_275 = arith.constant 1 : i32
    scf.for %scan3A_322 = %scan3A_272 to %scan3A_274 step %scan3A_275  : i32 {
      %mul3A_323 = arith.constant 1 : i32
      %mul3A_324 = arith.muli %scan3A_322, %mul3A_323 : i32
      %add3A_325 = arith.constant 0 : i32
      %add3A_326 = arith.addi %add3A_325, %mul3A_324 : i32
      %dma_wait3A_327 = arith.constant 0 : i32
      %dma_wait3A_328 = arith.constant 0 : i32
      %dma_wait3A_329 = arith.constant 0 : i32
      %dma_wait3A_330 = tpu.memref_slice %arg6[%dma_wait3A_328, %dma_wait3A_329] : memref<832x32xf32, #tpu.memory_space<vmem>> -> memref<26x32xf32, #tpu.memory_space<vmem>>
      %dma_wait3A_331 = arith.constant 0 : i32
      %dma_wait3A_332 = arith.constant 0 : i32
      %dma_wait3A_333 = tpu.memref_slice %arg4[%dma_wait3A_327, %dma_wait3A_331, %dma_wait3A_332] : memref<16384x32x128xf32, #tpu.memory_space<hbm>> -> memref<1x26x32xf32, #tpu.memory_space<hbm>>
      %dma_wait3A_334 = tpu.memref_squeeze %dma_wait3A_333 : memref<1x26x32xf32, #tpu.memory_space<hbm>> -> memref<26x32xf32, #tpu.memory_space<hbm>>
      %dma_wait3A_335 = arith.constant 0 : i32
      %dma_wait3A_336 = arith.constant 0 : i32
      %dma_wait3A_337 = tpu.memref_slice %arg6[%dma_wait3A_335, %dma_wait3A_336] : memref<832x32xf32, #tpu.memory_space<vmem>> -> memref<26x32xf32, #tpu.memory_space<vmem>>
      %dma_wait3A_338 = arith.constant 0 : i32
      %dma_wait3A_339 = arith.constant 0 : i32
      %dma_wait3A_340 = tpu.memref_slice %arg4[%dma_wait3A_327, %dma_wait3A_338, %dma_wait3A_339] : memref<16384x32x128xf32, #tpu.memory_space<hbm>> -> memref<1x26x32xf32, #tpu.memory_space<hbm>>
      %dma_wait3A_341 = tpu.memref_squeeze %dma_wait3A_340 : memref<1x26x32xf32, #tpu.memory_space<hbm>> -> memref<26x32xf32, #tpu.memory_space<hbm>>
      tpu.wait_dma2 semaphore(%arg14 : memref<!tpu.dma_semaphore, #tpu.memory_space<semaphore_mem>>) src(%dma_wait3A_341 : memref<26x32xf32, #tpu.memory_space<hbm>>) dst(%dma_wait3A_337 : memref<26x32xf32, #tpu.memory_space<vmem>>)
    }
    %scan3A_276 = arith.constant 32 : i32
    %dma_wait3A_277 = arith.constant 10816 : i32
    %dma_wait3A_278 = tpu.memref_slice %arg5[%dma_wait3A_277] : memref<13312xi32, #tpu.memory_space<vmem>> -> memref<832xi32, #tpu.memory_space<vmem>>
    %dma_wait3A_279 = arith.constant 0 : i32
    %dma_wait3A_280 = arith.constant 0 : i32
    %dma_wait3A_281 = tpu.memref_slice %arg3[%dma_wait3A_279, %dma_wait3A_280] : memref<1000000x32xf32, #tpu.memory_space<hbm>> -> memref<1000000x32xf32, #tpu.memory_space<hbm>>
    tpu.wait_indirect_dma semaphore(%arg11 : memref<!tpu.dma_semaphore, #tpu.memory_space<semaphore_mem>>) src(%dma_wait3A_281 : memref<1000000x32xf32, #tpu.memory_space<hbm>>) dst(%arg7 : memref<832x32xf32, #tpu.memory_space<vmem>>)
    %scan3A_282 = arith.constant 0 : i32
    %scan3A_283 = arith.constant 32 : i32
    %scan3A_284 = arith.addi %scan3A_282, %scan3A_283 : i32
    %scan3A_285 = arith.constant 1 : i32
    scf.for %scan3A_322 = %scan3A_282 to %scan3A_284 step %scan3A_285  : i32 {
      %mul3A_323 = arith.constant 1 : i32
      %mul3A_324 = arith.muli %scan3A_322, %mul3A_323 : i32
      %add3A_325 = arith.constant 0 : i32
      %add3A_326 = arith.addi %add3A_325, %mul3A_324 : i32
      %add3A_327 = arith.constant 416 : i32
      %add3A_328 = arith.addi %mul3A_4, %add3A_327 : i32
      %add3A_329 = arith.addi %add3A_328, %add3A_326 : i32
      %mul3A_330 = arith.constant 26 : i32
      %mul3A_331 = arith.muli %add3A_326, %mul3A_330 : i32
      %dma_start3A_332 = arith.constant 0 : i32
      %dma_start3A_333 = tpu.memref_slice %arg7[%mul3A_331, %dma_start3A_332] : memref<832x32xf32, #tpu.memory_space<vmem>> -> memref<26x32xf32, #tpu.memory_space<vmem>>
      %dma_start3A_334 = arith.constant 0 : i32
      %dma_start3A_335 = arith.constant 0 : i32
      %dma_start3A_336 = tpu.memref_slice %arg4[%add3A_329, %dma_start3A_334, %dma_start3A_335] : memref<16384x32x128xf32, #tpu.memory_space<hbm>> -> memref<1x26x32xf32, #tpu.memory_space<hbm>>
      %dma_start3A_337 = tpu.memref_squeeze %dma_start3A_336 : memref<1x26x32xf32, #tpu.memory_space<hbm>> -> memref<26x32xf32, #tpu.memory_space<hbm>>
      %dma_start3A_338 = arith.constant 0 : i32
      %dma_start3A_339 = arith.constant 0 : i32
      %dma_start3A_340 = tpu.memref_slice %arg4[%add3A_329, %dma_start3A_338, %dma_start3A_339] : memref<16384x32x128xf32, #tpu.memory_space<hbm>> -> memref<1x26x32xf32, #tpu.memory_space<hbm>>
      %dma_start3A_341 = tpu.memref_squeeze %dma_start3A_340 : memref<1x26x32xf32, #tpu.memory_space<hbm>> -> memref<26x32xf32, #tpu.memory_space<hbm>>
      %dma_start3A_342 = arith.constant 0 : i32
      %dma_start3A_343 = tpu.memref_slice %arg7[%mul3A_331, %dma_start3A_342] : memref<832x32xf32, #tpu.memory_space<vmem>> -> memref<26x32xf32, #tpu.memory_space<vmem>>
      tpu.enqueue_dma source(%dma_start3A_343 : memref<26x32xf32, #tpu.memory_space<vmem>>) target(%dma_start3A_341 : memref<26x32xf32, #tpu.memory_space<hbm>>) target_semaphore(%arg15 : memref<!tpu.dma_semaphore, #tpu.memory_space<semaphore_mem>>)
    }
    %scan3A_286 = arith.constant 32 : i32
    %scan3A_287 = arith.constant 0 : i32
    %scan3A_288 = arith.constant 32 : i32
    %scan3A_289 = arith.addi %scan3A_287, %scan3A_288 : i32
    %scan3A_290 = arith.constant 1 : i32
    scf.for %scan3A_322 = %scan3A_287 to %scan3A_289 step %scan3A_290  : i32 {
      %mul3A_323 = arith.constant 1 : i32
      %mul3A_324 = arith.muli %scan3A_322, %mul3A_323 : i32
      %add3A_325 = arith.constant 0 : i32
      %add3A_326 = arith.addi %add3A_325, %mul3A_324 : i32
      %dma_wait3A_327 = arith.constant 0 : i32
      %dma_wait3A_328 = arith.constant 0 : i32
      %dma_wait3A_329 = arith.constant 0 : i32
      %dma_wait3A_330 = tpu.memref_slice %arg7[%dma_wait3A_328, %dma_wait3A_329] : memref<832x32xf32, #tpu.memory_space<vmem>> -> memref<26x32xf32, #tpu.memory_space<vmem>>
      %dma_wait3A_331 = arith.constant 0 : i32
      %dma_wait3A_332 = arith.constant 0 : i32
      %dma_wait3A_333 = tpu.memref_slice %arg4[%dma_wait3A_327, %dma_wait3A_331, %dma_wait3A_332] : memref<16384x32x128xf32, #tpu.memory_space<hbm>> -> memref<1x26x32xf32, #tpu.memory_space<hbm>>
      %dma_wait3A_334 = tpu.memref_squeeze %dma_wait3A_333 : memref<1x26x32xf32, #tpu.memory_space<hbm>> -> memref<26x32xf32, #tpu.memory_space<hbm>>
      %dma_wait3A_335 = arith.constant 0 : i32
      %dma_wait3A_336 = arith.constant 0 : i32
      %dma_wait3A_337 = tpu.memref_slice %arg7[%dma_wait3A_335, %dma_wait3A_336] : memref<832x32xf32, #tpu.memory_space<vmem>> -> memref<26x32xf32, #tpu.memory_space<vmem>>
      %dma_wait3A_338 = arith.constant 0 : i32
      %dma_wait3A_339 = arith.constant 0 : i32
      %dma_wait3A_340 = tpu.memref_slice %arg4[%dma_wait3A_327, %dma_wait3A_338, %dma_wait3A_339] : memref<16384x32x128xf32, #tpu.memory_space<hbm>> -> memref<1x26x32xf32, #tpu.memory_space<hbm>>
      %dma_wait3A_341 = tpu.memref_squeeze %dma_wait3A_340 : memref<1x26x32xf32, #tpu.memory_space<hbm>> -> memref<26x32xf32, #tpu.memory_space<hbm>>
      tpu.wait_dma2 semaphore(%arg15 : memref<!tpu.dma_semaphore, #tpu.memory_space<semaphore_mem>>) src(%dma_wait3A_341 : memref<26x32xf32, #tpu.memory_space<hbm>>) dst(%dma_wait3A_337 : memref<26x32xf32, #tpu.memory_space<vmem>>)
    }
    %scan3A_291 = arith.constant 32 : i32
    %dma_wait3A_292 = arith.constant 11648 : i32
    %dma_wait3A_293 = tpu.memref_slice %arg5[%dma_wait3A_292] : memref<13312xi32, #tpu.memory_space<vmem>> -> memref<832xi32, #tpu.memory_space<vmem>>
    %dma_wait3A_294 = arith.constant 0 : i32
    %dma_wait3A_295 = arith.constant 0 : i32
    %dma_wait3A_296 = tpu.memref_slice %arg3[%dma_wait3A_294, %dma_wait3A_295] : memref<1000000x32xf32, #tpu.memory_space<hbm>> -> memref<1000000x32xf32, #tpu.memory_space<hbm>>
    tpu.wait_indirect_dma semaphore(%arg12 : memref<!tpu.dma_semaphore, #tpu.memory_space<semaphore_mem>>) src(%dma_wait3A_296 : memref<1000000x32xf32, #tpu.memory_space<hbm>>) dst(%arg8 : memref<832x32xf32, #tpu.memory_space<vmem>>)
    %scan3A_297 = arith.constant 0 : i32
    %scan3A_298 = arith.constant 32 : i32
    %scan3A_299 = arith.addi %scan3A_297, %scan3A_298 : i32
    %scan3A_300 = arith.constant 1 : i32
    scf.for %scan3A_322 = %scan3A_297 to %scan3A_299 step %scan3A_300  : i32 {
      %mul3A_323 = arith.constant 1 : i32
      %mul3A_324 = arith.muli %scan3A_322, %mul3A_323 : i32
      %add3A_325 = arith.constant 0 : i32
      %add3A_326 = arith.addi %add3A_325, %mul3A_324 : i32
      %add3A_327 = arith.constant 448 : i32
      %add3A_328 = arith.addi %mul3A_4, %add3A_327 : i32
      %add3A_329 = arith.addi %add3A_328, %add3A_326 : i32
      %mul3A_330 = arith.constant 26 : i32
      %mul3A_331 = arith.muli %add3A_326, %mul3A_330 : i32
      %dma_start3A_332 = arith.constant 0 : i32
      %dma_start3A_333 = tpu.memref_slice %arg8[%mul3A_331, %dma_start3A_332] : memref<832x32xf32, #tpu.memory_space<vmem>> -> memref<26x32xf32, #tpu.memory_space<vmem>>
      %dma_start3A_334 = arith.constant 0 : i32
      %dma_start3A_335 = arith.constant 0 : i32
      %dma_start3A_336 = tpu.memref_slice %arg4[%add3A_329, %dma_start3A_334, %dma_start3A_335] : memref<16384x32x128xf32, #tpu.memory_space<hbm>> -> memref<1x26x32xf32, #tpu.memory_space<hbm>>
      %dma_start3A_337 = tpu.memref_squeeze %dma_start3A_336 : memref<1x26x32xf32, #tpu.memory_space<hbm>> -> memref<26x32xf32, #tpu.memory_space<hbm>>
      %dma_start3A_338 = arith.constant 0 : i32
      %dma_start3A_339 = arith.constant 0 : i32
      %dma_start3A_340 = tpu.memref_slice %arg4[%add3A_329, %dma_start3A_338, %dma_start3A_339] : memref<16384x32x128xf32, #tpu.memory_space<hbm>> -> memref<1x26x32xf32, #tpu.memory_space<hbm>>
      %dma_start3A_341 = tpu.memref_squeeze %dma_start3A_340 : memref<1x26x32xf32, #tpu.memory_space<hbm>> -> memref<26x32xf32, #tpu.memory_space<hbm>>
      %dma_start3A_342 = arith.constant 0 : i32
      %dma_start3A_343 = tpu.memref_slice %arg8[%mul3A_331, %dma_start3A_342] : memref<832x32xf32, #tpu.memory_space<vmem>> -> memref<26x32xf32, #tpu.memory_space<vmem>>
      tpu.enqueue_dma source(%dma_start3A_343 : memref<26x32xf32, #tpu.memory_space<vmem>>) target(%dma_start3A_341 : memref<26x32xf32, #tpu.memory_space<hbm>>) target_semaphore(%arg16 : memref<!tpu.dma_semaphore, #tpu.memory_space<semaphore_mem>>)
    }
    %scan3A_301 = arith.constant 32 : i32
    %scan3A_302 = arith.constant 0 : i32
    %scan3A_303 = arith.constant 32 : i32
    %scan3A_304 = arith.addi %scan3A_302, %scan3A_303 : i32
    %scan3A_305 = arith.constant 1 : i32
    scf.for %scan3A_322 = %scan3A_302 to %scan3A_304 step %scan3A_305  : i32 {
      %mul3A_323 = arith.constant 1 : i32
      %mul3A_324 = arith.muli %scan3A_322, %mul3A_323 : i32
      %add3A_325 = arith.constant 0 : i32
      %add3A_326 = arith.addi %add3A_325, %mul3A_324 : i32
      %dma_wait3A_327 = arith.constant 0 : i32
      %dma_wait3A_328 = arith.constant 0 : i32
      %dma_wait3A_329 = arith.constant 0 : i32
      %dma_wait3A_330 = tpu.memref_slice %arg8[%dma_wait3A_328, %dma_wait3A_329] : memref<832x32xf32, #tpu.memory_space<vmem>> -> memref<26x32xf32, #tpu.memory_space<vmem>>
      %dma_wait3A_331 = arith.constant 0 : i32
      %dma_wait3A_332 = arith.constant 0 : i32
      %dma_wait3A_333 = tpu.memref_slice %arg4[%dma_wait3A_327, %dma_wait3A_331, %dma_wait3A_332] : memref<16384x32x128xf32, #tpu.memory_space<hbm>> -> memref<1x26x32xf32, #tpu.memory_space<hbm>>
      %dma_wait3A_334 = tpu.memref_squeeze %dma_wait3A_333 : memref<1x26x32xf32, #tpu.memory_space<hbm>> -> memref<26x32xf32, #tpu.memory_space<hbm>>
      %dma_wait3A_335 = arith.constant 0 : i32
      %dma_wait3A_336 = arith.constant 0 : i32
      %dma_wait3A_337 = tpu.memref_slice %arg8[%dma_wait3A_335, %dma_wait3A_336] : memref<832x32xf32, #tpu.memory_space<vmem>> -> memref<26x32xf32, #tpu.memory_space<vmem>>
      %dma_wait3A_338 = arith.constant 0 : i32
      %dma_wait3A_339 = arith.constant 0 : i32
      %dma_wait3A_340 = tpu.memref_slice %arg4[%dma_wait3A_327, %dma_wait3A_338, %dma_wait3A_339] : memref<16384x32x128xf32, #tpu.memory_space<hbm>> -> memref<1x26x32xf32, #tpu.memory_space<hbm>>
      %dma_wait3A_341 = tpu.memref_squeeze %dma_wait3A_340 : memref<1x26x32xf32, #tpu.memory_space<hbm>> -> memref<26x32xf32, #tpu.memory_space<hbm>>
      tpu.wait_dma2 semaphore(%arg16 : memref<!tpu.dma_semaphore, #tpu.memory_space<semaphore_mem>>) src(%dma_wait3A_341 : memref<26x32xf32, #tpu.memory_space<hbm>>) dst(%dma_wait3A_337 : memref<26x32xf32, #tpu.memory_space<vmem>>)
    }
    %scan3A_306 = arith.constant 32 : i32
    %dma_wait3A_307 = arith.constant 12480 : i32
    %dma_wait3A_308 = tpu.memref_slice %arg5[%dma_wait3A_307] : memref<13312xi32, #tpu.memory_space<vmem>> -> memref<832xi32, #tpu.memory_space<vmem>>
    %dma_wait3A_309 = arith.constant 0 : i32
    %dma_wait3A_310 = arith.constant 0 : i32
    %dma_wait3A_311 = tpu.memref_slice %arg3[%dma_wait3A_309, %dma_wait3A_310] : memref<1000000x32xf32, #tpu.memory_space<hbm>> -> memref<1000000x32xf32, #tpu.memory_space<hbm>>
    tpu.wait_indirect_dma semaphore(%arg13 : memref<!tpu.dma_semaphore, #tpu.memory_space<semaphore_mem>>) src(%dma_wait3A_311 : memref<1000000x32xf32, #tpu.memory_space<hbm>>) dst(%arg9 : memref<832x32xf32, #tpu.memory_space<vmem>>)
    %scan3A_312 = arith.constant 0 : i32
    %scan3A_313 = arith.constant 32 : i32
    %scan3A_314 = arith.addi %scan3A_312, %scan3A_313 : i32
    %scan3A_315 = arith.constant 1 : i32
    scf.for %scan3A_322 = %scan3A_312 to %scan3A_314 step %scan3A_315  : i32 {
      %mul3A_323 = arith.constant 1 : i32
      %mul3A_324 = arith.muli %scan3A_322, %mul3A_323 : i32
      %add3A_325 = arith.constant 0 : i32
      %add3A_326 = arith.addi %add3A_325, %mul3A_324 : i32
      %add3A_327 = arith.constant 480 : i32
      %add3A_328 = arith.addi %mul3A_4, %add3A_327 : i32
      %add3A_329 = arith.addi %add3A_328, %add3A_326 : i32
      %mul3A_330 = arith.constant 26 : i32
      %mul3A_331 = arith.muli %add3A_326, %mul3A_330 : i32
      %dma_start3A_332 = arith.constant 0 : i32
      %dma_start3A_333 = tpu.memref_slice %arg9[%mul3A_331, %dma_start3A_332] : memref<832x32xf32, #tpu.memory_space<vmem>> -> memref<26x32xf32, #tpu.memory_space<vmem>>
      %dma_start3A_334 = arith.constant 0 : i32
      %dma_start3A_335 = arith.constant 0 : i32
      %dma_start3A_336 = tpu.memref_slice %arg4[%add3A_329, %dma_start3A_334, %dma_start3A_335] : memref<16384x32x128xf32, #tpu.memory_space<hbm>> -> memref<1x26x32xf32, #tpu.memory_space<hbm>>
      %dma_start3A_337 = tpu.memref_squeeze %dma_start3A_336 : memref<1x26x32xf32, #tpu.memory_space<hbm>> -> memref<26x32xf32, #tpu.memory_space<hbm>>
      %dma_start3A_338 = arith.constant 0 : i32
      %dma_start3A_339 = arith.constant 0 : i32
      %dma_start3A_340 = tpu.memref_slice %arg4[%add3A_329, %dma_start3A_338, %dma_start3A_339] : memref<16384x32x128xf32, #tpu.memory_space<hbm>> -> memref<1x26x32xf32, #tpu.memory_space<hbm>>
      %dma_start3A_341 = tpu.memref_squeeze %dma_start3A_340 : memref<1x26x32xf32, #tpu.memory_space<hbm>> -> memref<26x32xf32, #tpu.memory_space<hbm>>
      %dma_start3A_342 = arith.constant 0 : i32
      %dma_start3A_343 = tpu.memref_slice %arg9[%mul3A_331, %dma_start3A_342] : memref<832x32xf32, #tpu.memory_space<vmem>> -> memref<26x32xf32, #tpu.memory_space<vmem>>
      tpu.enqueue_dma source(%dma_start3A_343 : memref<26x32xf32, #tpu.memory_space<vmem>>) target(%dma_start3A_341 : memref<26x32xf32, #tpu.memory_space<hbm>>) target_semaphore(%arg17 : memref<!tpu.dma_semaphore, #tpu.memory_space<semaphore_mem>>)
    }
    %scan3A_316 = arith.constant 32 : i32
    %scan3A_317 = arith.constant 0 : i32
    %scan3A_318 = arith.constant 32 : i32
    %scan3A_319 = arith.addi %scan3A_317, %scan3A_318 : i32
    %scan3A_320 = arith.constant 1 : i32
    scf.for %scan3A_322 = %scan3A_317 to %scan3A_319 step %scan3A_320  : i32 {
      %mul3A_323 = arith.constant 1 : i32
      %mul3A_324 = arith.muli %scan3A_322, %mul3A_323 : i32
      %add3A_325 = arith.constant 0 : i32
      %add3A_326 = arith.addi %add3A_325, %mul3A_324 : i32
      %dma_wait3A_327 = arith.constant 0 : i32
      %dma_wait3A_328 = arith.constant 0 : i32
      %dma_wait3A_329 = arith.constant 0 : i32
      %dma_wait3A_330 = tpu.memref_slice %arg9[%dma_wait3A_328, %dma_wait3A_329] : memref<832x32xf32, #tpu.memory_space<vmem>> -> memref<26x32xf32, #tpu.memory_space<vmem>>
      %dma_wait3A_331 = arith.constant 0 : i32
      %dma_wait3A_332 = arith.constant 0 : i32
      %dma_wait3A_333 = tpu.memref_slice %arg4[%dma_wait3A_327, %dma_wait3A_331, %dma_wait3A_332] : memref<16384x32x128xf32, #tpu.memory_space<hbm>> -> memref<1x26x32xf32, #tpu.memory_space<hbm>>
      %dma_wait3A_334 = tpu.memref_squeeze %dma_wait3A_333 : memref<1x26x32xf32, #tpu.memory_space<hbm>> -> memref<26x32xf32, #tpu.memory_space<hbm>>
      %dma_wait3A_335 = arith.constant 0 : i32
      %dma_wait3A_336 = arith.constant 0 : i32
      %dma_wait3A_337 = tpu.memref_slice %arg9[%dma_wait3A_335, %dma_wait3A_336] : memref<832x32xf32, #tpu.memory_space<vmem>> -> memref<26x32xf32, #tpu.memory_space<vmem>>
      %dma_wait3A_338 = arith.constant 0 : i32
      %dma_wait3A_339 = arith.constant 0 : i32
      %dma_wait3A_340 = tpu.memref_slice %arg4[%dma_wait3A_327, %dma_wait3A_338, %dma_wait3A_339] : memref<16384x32x128xf32, #tpu.memory_space<hbm>> -> memref<1x26x32xf32, #tpu.memory_space<hbm>>
      %dma_wait3A_341 = tpu.memref_squeeze %dma_wait3A_340 : memref<1x26x32xf32, #tpu.memory_space<hbm>> -> memref<26x32xf32, #tpu.memory_space<hbm>>
      tpu.wait_dma2 semaphore(%arg17 : memref<!tpu.dma_semaphore, #tpu.memory_space<semaphore_mem>>) src(%dma_wait3A_341 : memref<26x32xf32, #tpu.memory_space<hbm>>) dst(%dma_wait3A_337 : memref<26x32xf32, #tpu.memory_space<vmem>>)
    }
    %scan3A_321 = arith.constant 32 : i32
    return
  }
}

</mosaic_0001>

<sc_bundles>
// kernel: _sc_gather.3.cloned.1.call-start
scs
__scs_entry_jumppad:
0x0: {  	(pc) =	sbr.rel $0x88, $3  }
0x1: {  	(tag) =	ssettag $0x0;
	lr =	simm.s32 $0x1  }
0x2: {  	[smem:$0x3F9F] =	sst lr;
	_ =	strace $0xD0000000  }
0x3: {  	_ = 	snop  }
0x4: {  	_ = 	snop  }
0x5: {  	_ = 	snop  }
0x6: {  	_ = 	snop  }
0x7: {  	_ = 	snop  }
__scs_overlays_trampoline_lowered:
0x8: {  	[smem:$0x3FAE] =	sst s0  }
0x9: {  	[smem:$0x3FAF] =	sst s1  }
0xa: {  	[smem:$0x3FB0] =	sst s2  }
0xb: {  	[smem:$0x3FB1] =	sst s3  }
0xc: {  	[smem:$0x3FB2] =	sst s4  }
0xd: {  	[smem:$0x3FB3] =	sst s5  }
0xe: {  	[smem:$0x3FB4] =	sst s6  }
0xf: {  	[smem:$0x3FB5] =	sst s7  }
0x10: {  	[smem:$0x3FB6] =	sst s8  }
0x11: {  	[smem:$0x3FB7] =	sst s9;
	s0 =	simm.s32 @!p0 $0x0  }
0x12: {  	s1 =	sld [smem:$0x3F9D];
	s0 =	simm.s32 @p0 $0x1  }
0x13: {  	[smem:$0x3FB8] =	sst s0;
	s0 =	simm.s32 @!p1 $0x0  }
0x14: {  	s2 =	sld [smem:$0x3F9C];
	s0 =	simm.s32 @p1 $0x1  }
0x15: {  	[smem:$0x3FB9] =	sst s0;
	s0 =	simm.s32 @!p2 $0x0  }
0x16: {  	s3 =	sld [smem:$0x3FDB];
	s0 =	simm.s32 @p2 $0x1  }
0x17: {  	s4 =	simm.s32 $0x1BF5;
	[smem:$0x3FBB] =	sst s0  }
0x18: {  	s0 =	sld [smem:$0x3F9E];
	_ =	swait.ge [sflag:s4], $0x0  }
0x19: {  	s7 =	sld [smem:$0x3F9F]  }
0x1a: {  	s8 =	sadd.s32 $0xFFFFE003, lr  }
0x1b: {  	s9 =	sadd.s32 $0xFFFFFEF7, lr;
	s5 =	simm.s32 $0xFFFFFFFF;
	p2 =	slt.u32 s8, $0xFFFFF086  }
0x1c: {  	p1 =	slt.u32 s9, $0xF7A;
	s5 =	simm.s32 @!p2 $0x0  }
0x1d: {  	s5 =	simm.s32 @p1 $0x1;
	p0 =	seq.s32 s7, s2  }
0x1e: {  	s7 =	smul.u32 @!p0 $0xF7A, s2;
	p2 =	seq.s32 @!p0 s5, $0x0  }
0x1f: {  	s9 =	smul.u32 $0xF7A, s1;
	s8 =	simm.s32 @!p0 $0x1BF5;
	p2 =	por !p2, p0  }
0x20: {  	[sflag:s8] =	ssyncset.s32 @!p0 $0xFFFFF086;
	s6 =	sadd.s32 @!p0 s3, s7;
	s7 =	simm.s32 @!p0 $0x108  }
0x21: {  	s3 =	sadd.s32 s3, s9;
	s6 =	sadd.s32 @!p0 $0x88, s6;
	s7 =	simm.s32 @p2 $0x1082  }
0x22: {  	[simem:s7], [sflag:s8] =	dma.local @!p0 [hbm:s6], $0xF7A  }
0x23: {  	s9 =	sor.u32 $0xD0000000, s2;
	s6 =	simm.s32 $0x108;
	_ =	swait.ge @!p0 [sflag:s8], $0x0  }
0x24: {  	s3 =	sadd.s32 $0x88, s3;
	s6 =	simm.s32 @!p1 $0x1082;
	[sflag:s4] =	ssyncset.s32 $0xFFFFF086  }
0x25: {  	[simem:s6], [sflag:s4] =	dma.local [hbm:s3], $0xF7A  }
0x26: {  	[smem:$0x3F9F] =	sst s1;
	(tag) =	ssettag s2;
	_ =	strace s9  }
0x27: {  	s1 =	sld [smem:$0x3FAF]  }
0x28: {  	s2 =	sld [smem:$0x3FB0]  }
0x29: {  	s4 =	sld [smem:$0x3FB2]  }
0x2a: {  	p0 =	seq.s32 s5, $0x0;
	s5 =	sld [smem:$0x3FB3]  }
0x2b: {  	s6 =	sld [smem:$0x3FB4]  }
0x2c: {  	s7 =	sld [smem:$0x3FB5]  }
0x2d: {  	s3 =	simm.s32 $0x108;
	s8 =	sld [smem:$0x3FB6]  }
0x2e: {  	s3 =	simm.s32 @!p0 $0x1082;
	s9 =	sld [smem:$0x3FB7]  }
0x2f: {  	lr =	sadd.s32 s0, s3;
	s0 =	sld [smem:$0x3FAE]  }
0x30: {  	s3 =	sld [smem:$0x3FB1]  }
0x31: {  	[smem:$0x3FBA] =	sst s10  }
0x32: {  	s10 =	sld [smem:$0x3FB8];
	_ =	sdelay $0x3  }
0x33: {  	p0 =	seq.s32 s10, $0x1;
	s10 =	sld [smem:$0x3FBA];
	_ =	sdelay $0x3  }
0x34: {  	[smem:$0x3FBA] =	sst s10  }
0x35: {  	s10 =	sld [smem:$0x3FB9];
	_ =	sdelay $0x3  }
0x36: {  	p1 =	seq.s32 s10, $0x1;
	s10 =	sld [smem:$0x3FBA];
	_ =	sdelay $0x3  }
0x37: {  	[smem:$0x3FBA] =	sst s10  }
0x38: {  	s10 =	sld [smem:$0x3FBB]  }
0x39: {  	_ = 	snop;
	(pc) =	sbr.ind lr, $3  }
0x3a: {  	_ = 	snop  }
0x3b: {  	_ = 	snop  }
0x3c: {  	p2 =	seq.s32 s10, $0x1;
	s10 =	sld [smem:$0x3FBA]  }
0x3d: {  	_ =	shalt  }
0x3e: {  	_ =	shalt  }
0x3f: {  	_ =	shalt  }
0x40: {  	_ =	shalt  }
0x41: {  	_ =	shalt  }
0x42: {  	_ =	shalt  }
0x43: {  	_ =	shalt  }
0x44: {  	_ =	shalt  }
0x45: {  	_ =	shalt  }
0x46: {  	_ =	shalt  }
0x47: {  	_ =	shalt  }
0x48: {  	_ =	shalt  }
0x49: {  	_ =	shalt  }
0x4a: {  	_ =	shalt  }
0x4b: {  	_ =	shalt  }
0x4c: {  	_ =	shalt  }
0x4d: {  	_ =	shalt  }
0x4e: {  	_ =	shalt  }
0x4f: {  	_ =	shalt  }
0x50: {  	_ =	shalt  }
0x51: {  	_ =	shalt  }
0x52: {  	_ =	shalt  }
0x53: {  	_ =	shalt  }
0x54: {  	_ =	shalt  }
0x55: {  	_ =	shalt  }
0x56: {  	_ =	shalt  }
0x57: {  	_ =	shalt  }
0x58: {  	_ =	shalt  }
0x59: {  	_ =	shalt  }
0x5a: {  	_ =	shalt  }
0x5b: {  	_ =	shalt  }
0x5c: {  	_ =	shalt  }
0x5d: {  	_ =	shalt  }
0x5e: {  	_ =	shalt  }
0x5f: {  	_ =	shalt  }
0x60: {  	_ =	shalt  }
0x61: {  	_ =	shalt  }
0x62: {  	_ =	shalt  }
0x63: {  	_ =	shalt  }
0x64: {  	_ =	shalt  }
0x65: {  	_ =	shalt  }
0x66: {  	_ =	shalt  }
0x67: {  	_ =	shalt  }
0x68: {  	_ =	shalt  }
0x69: {  	_ =	shalt  }
0x6a: {  	_ =	shalt  }
0x6b: {  	_ =	shalt  }
0x6c: {  	_ =	shalt  }
0x6d: {  	_ =	shalt  }
0x6e: {  	_ =	shalt  }
0x6f: {  	_ =	shalt  }
0x70: {  	_ =	shalt  }
0x71: {  	_ =	shalt  }
0x72: {  	_ =	shalt  }
0x73: {  	_ =	shalt  }
0x74: {  	_ =	shalt  }
0x75: {  	_ =	shalt  }
0x76: {  	_ =	shalt  }
0x77: {  	_ =	shalt  }
0x78: {  	_ =	shalt  }
0x79: {  	_ =	shalt  }
0x7a: {  	_ =	shalt  }
0x7b: {  	_ =	shalt  }
0x7c: {  	_ =	shalt  }
0x7d: {  	_ =	shalt  }
0x7e: {  	_ =	shalt  }
0x7f: {  	_ =	shalt  }
0x80: {  	_ =	shalt  }
0x81: {  	_ =	shalt  }
0x82: {  	_ =	shalt  }
0x83: {  	_ =	shalt  }
0x84: {  	_ =	shalt  }
0x85: {  	_ =	shalt  }
0x86: {  	_ =	shalt  }
0x87: {  	_ =	shalt  }
.Lfunc_end0:
.L_simem_size_0:
called_computation_lowered:
.L_overlay_start_0:
0x88: {  	s2 =	sld [smem:$0x3FD9]  }
0x89: {  	s3 =	sld [smem:$0x3FFE];
	_ =	sdelay $0x1  }
0x8a: {  	s1 =	srdreg.scid  }
0x8b: {  	s0 =	sand.u32 $0x1, s1  }
0x8c: {  	s17 =	sshll.u32 s0, $0xA;
	s2 =	sadd.s32 s3, s2  }
0x8d: {  	s2 =	sadd.s32 s2, s17  }
0x8e: {  	[smem:$0x3FC6] =	sst s2  }
0x8f: {  	_ = 	snop  }
0x90: {  	s2 =	sld [smem:$0x3FC9]  }
0x91: {  	s18 =	sld [smem:$0x3FD0];
	(tm) =	ssettm $0x1  }
0x92: {  	s4 =	sld [smem:$0x3FFB];
	_ =	sdelay $0x3  }
0x93: {  	_ =	strace s4  }
0x94: {  	s4 =	sld [smem:$0x3FFC];
	_ =	sdelay $0x3  }
0x95: {  	_ =	strace s4  }
0x96: {  	s4 =	sld [smem:$0x3FFD];
	_ =	sdelay $0x3  }
0x97: {  	_ =	strace s4  }
0x98: {  	_ =	strace $0x8FFFFFFF  }
0x99: {  	s19 =	sld [smem:$0x3FDB];
	_ =	sdelay $0x1  }
0x9a: {  	s5 =	simm.s32 $_scs_section_size  }
0x9b: {  	s6 =	simm.s32 $_size__tile_overlayer_lowered;
	s7 =	simm.s32 $_tile_overlayer_lowered  }
0x9c: {  	s22 =	simm.s32 $0x1BFF;
	s21 =	sshll.u32 s7, $0x1;
	s4 =	sadd.s32 s5, s19  }
0x9d: {  	s8 =	simm.s32 $0x0;
	s20 =	sshll.u32 s6, $0x1;
	s6 =	sadd.s32 s21, s4  }
0x9e: {  	[timem:s8], [sflag:s22] =	dma.local [hbm:s6], s20  }
0x9f: {  	_ =	swait.ge [sflag:s22], s20  }
0xa0: {  	s5 =	ssub.s32 $0x0, s20;
	[sflag:s22] =	ssyncset.done $0x0  }
0xa1: {  	[sflag:s22] =	ssyncadd.s32 s5;
	_ =	sdelay $0x1  }
0xa2: {  	s23 =	simm.s32 $0x1B8B  }
0xa3: {  	_ =	swait.ge [sflag:s23], $0x1  }
0xa4: {  	[sflag:s23] =	ssyncset.done $0x0  }
0xa5: {  	s25 =	simm.s32 $0x1B8E;
	s24 =	sld [smem:$0x3FFE];
	[sflag:s23] =	ssyncadd.s32 $0xFFFFFFFF  }
0xa6: {  	s26 =	simm.s32 $execute0_lowered;
	[smem:$0x3FD2] =	sst s25  }
0xa7: {  	s6 =	sshll.u32 s26, $0x1;
	_ =	strace $0x80000046;
	[dreg:$0x1] =	wrdreg $0xFFFFFFFF  }
0xa8: {  	s28 =	simm.s32 $_size_execute0_lowered;
	s4 =	sadd.s32 s4, s6;
	[dreg:$0x0] =	wrdreg $0x0  }
0xa9: {  	s6 =	sshll.u32 s28, $0x1;
	[dreg:$0x2] =	wrdreg s4  }
0xaa: {  	[dreg:$0x3] =	wrdreg s6  }
0xab: {  	[dreg:$0x4] =	wrdreg $0xC0  }
0xac: {  	_ =	task [dreg:s8], $0x5FFFF  }
0xad: {  	[dreg:$0x1] =	wrdreg $0xFFFFFFFF  }
0xae: {  	[dreg:$0x0] =	wrdreg $0x60  }
0xaf: {  	[dreg:$0x2] =	wrdreg s2  }
0xb0: {  	[dreg:$0x3] =	wrdreg s24  }
0xb1: {  	[dreg:$0x4] =	wrdreg s18  }
0xb2: {  	[dreg:$0x5] =	wrdreg $0x9  }
0xb3: {  	_ =	task.clear_ibuf [dreg:s8], $0x6FFFF;
	_ =	strace $0x90000046  }
0xb4: {  	s29 =	simm.s32 $0x9;
	_ =	strace $0x80000048  }
0xb5: {  	_ =	swait.ge [sflag:s29], $0x1  }
0xb6: {  	[sflag:s29] =	ssyncadd.s32 $0xFFFFFFFF  }
0xb7: {  	_ =	strace $0x90000048  }
0xb8: {  	_ =	sfence  }
0xb9: {  	s30 =	sld [smem:$0x0];
	_ =	sdelay $0x2  }
0xba: {  	s31 =	sshll.u32 s1, $0xD;
	s1 =	sshrl.u32 s1, $0x2  }
0xbb: {  	s3 =	sand.u32 $0x4000, s31;
	s1 =	sadd.s32 s1, s30  }
0xbc: {  	s0 =	sor.u32 s3, s0;
	s1 =	sshll.u32 s1, $0x11  }
0xbd: {  	s0 =	sor.u32 s1, s0  }
0xbe: {  	s0 =	sadd.s32 $0x8F2B, s0  }
0xbf: {  	[sflag:s0] =	ssyncadd.remote.s32 $0x1  }
0xc0: {  	_ =	sfence.sel $0xFFFF  }
0xc1: {  	[dreg:$0x0] =	wrdreg $0xFFFFFFFF;
	(pc) =	sbr.abs _section_cstart, $3  }
0xc2: {  	[dreg:$0x1] =	wrdreg $0xFFFFFFFF  }
0xc3: {  	_ =	task.clear_ibuf [dreg:s8], $0x2FFFF;
	_ =	strace $0x9FFFFFFF  }
0xc4: {  	(tm) =	ssettm $0x7FFFFFFF  }
0xc5: {  	_ =	shalt  }
tec
execute0_lowered:
.L_overlay_start_1:
0x0: {  	(tag) =	ssettag $0x1  }
0x1: {  	s0 =	rddreg [dreg:$0x0]  }
0x2: {  	s1 =	rddreg [dreg:$0x1]  }
0x3: {  	s2 =	rddreg [dreg:$0x2]  }
0x4: {  	s3 =	srdreg.scid;
	s21 =	stileid.u32;
	s6 =	simm.s32 $0x0  }
0x5: {  	s24 =	simm.s32 $0x340;
	s23 =	simm.s32 $0x7;
	s25 =	simm.s32 $0x4  }
0x6: {  	s28 =	simm.s32 $0x8;
	s30 =	simm.s32 $0x0;
	s3 =	sand.u32 $0x1, s3  }
0x7: {  	s4 =	sshll.u32 s21, $0x1;
	[smem:$0x7FF] =	sst s6;
	s6 =	sadd.s32 $0x4000, s2  }
0x8: {  	s8 =	sadd.s32 $0xC000, s2;
	s9 =	sadd.s32 $0x10000, s2;
	s10 =	sadd.s32 $0x14000, s2  }
0x9: {  	s11 =	sadd.s32 $0x18000, s2;
	s12 =	sadd.s32 $0x1C000, s2;
	s13 =	sadd.s32 $0x20000, s2  }
0xa: {  	s14 =	sadd.s32 $0x24000, s2;
	s15 =	sadd.s32 $0x28000, s2;
	s16 =	sadd.s32 $0x2C000, s2  }
0xb: {  	s17 =	sadd.s32 $0x30000, s2;
	s18 =	sadd.s32 $0x34000, s2;
	s19 =	sadd.s32 $0x38000, s2  }
0xc: {  	s20 =	sadd.s32 $0x3C000, s2;
	s31 =	sshll.u32 s21, $0x13;
	s21 =	simm.s32 $0x3  }
0xd: {  	s5 =	ssub.s32 $0x2, s3;
	s4 =	sor.u32 s3, s4;
	_ =	strace $0x80000047  }
0xe: {  	s3 =	sshll.u32 s3, $0x12;
	s26 =	sshrl.u32 s5, $0x1;
	s7 =	smul.u32 $0x680, s4  }
0xf: {  	s4 =	sadd.s32 $0xF42800, s1;
	s22 =	sor.u32 s3, s31;
	s29 =	ssub.s32 s5, s26  }
0x10: {  	s26 =	simm.s32 $0x5;
	s5 =	simm.s32 $0x6;
	s0 =	sadd.s32 s0, s7  }
0x11: {  	s7 =	sadd.s32 $0x8000, s2;
	s1 =	smax.u32 s29, $0x1;
	[dreg:$0x4] =	wrdreg s0  }
0x12: {  	[dreg:$0x5] =	wrdreg s1;
	s0 =	simm.s32 $0x20;
	s1 =	simm.s32 $0x80  }
.LBB2_1:
0x13: {  	s3 =	simm.s32 $0x0;
	s29 =	rddreg [dreg:$0x4]  }
0x14: {  	[tilespmem:s3], [sflag:$0x9] =	stream.linear.gather [hbm4b:s29+s3], $0x3400, $0x38;
	[tilespmem:$0x1D400] =	vst v63  }
0x15: {  	s29 =	simm.s32 $0x9  }
0x16: {  	_ =	swait.ge [sflag:s29], $0x3400  }
0x17: {  	[sflag:s29] =	ssyncset.done $0x0  }
0x18: {  	s31 =	simm.s32 $0x3400;
	[sflag:s29] =	ssyncadd.s32 $0xFFFFCC00  }
0x19: {  	[tilespmem:s31], [sflag:$0x1] =	stream.indirect.gather [hbm4b:s4+s24], $0x20, s3, s24, $0xb8;
	[tilespmem:$0x1D400] =	vst v63  }
0x1a: {  	s3 =	simm.s32 $0x9C00  }
0x1b: {  	[tilespmem:s3], [sflag:$0x2] =	stream.indirect.gather [hbm4b:s4+s24], $0x20, s24, s24, $0xb8;
	[tilespmem:$0x1D400] =	vst v63  }
0x1c: {  	s29 =	simm.s32 $0x10400;
	s3 =	simm.s32 $0x680  }
0x1d: {  	[tilespmem:s29], [sflag:$0x3] =	stream.indirect.gather [hbm4b:s4+s24], $0x20, s3, s24, $0xb8;
	[tilespmem:$0x1D400] =	vst v63  }
0x1e: {  	s3 =	simm.s32 $0x9C0;
	s29 =	simm.s32 $0x16C00  }
0x1f: {  	[tilespmem:s29], [sflag:$0x4] =	stream.indirect.gather [hbm4b:s4+s24], $0x20, s3, s24, $0xb8;
	[tilespmem:$0x1D400] =	vst v63  }
0x20: {  	s3 =	simm.s32 $0x1  }
0x21: {  	s29 =	sadd.s32 $0x0, s22;
	_ =	swait.ge [sflag:s3], $0x6800  }
0x22: {  	s29 =	sand.u32 $0x1FFC3E00, s29;
	[sflag:s3] =	ssyncset.done $0x0  }
0x23: {  	s29 =	sadd.s32 s2, s29;
	[sflag:s3] =	ssyncadd.s32 $0xFFFF9800  }
0x24: {  	[hbm4b:s29+s0] =	stream.strided.scatter [tilespmem:s31], [sflag:$0x5], $0x340, s1, s0, $0x38;
	[tilespmem:$0x1D400] =	vst v63  }
0x25: {  	s29 =	simm.s32 $0x200;
	s31 =	simm.s32 $0x3400  }
.LBB2_2:
0x26: {  	p0 =	sne.s32 s29, $0x3E00  }
.Ltmp0:
0x27: {  	_ = 	snop;
	(pc) =	sbr.rel @p0 .LBB2_2-.Ltmp0, $4  }
0x28: {  	s3 =	sadd.s32 s29, s22  }
0x29: {  	s3 =	sand.u32 $0x1FFC3E00, s3  }
0x2a: {  	s29 =	sadd.s32 $0x200, s29;
	s31 =	sadd.s32 $0x340, s31;
	s3 =	sadd.s32 s2, s3  }
0x2b: {  	[hbm4b:s3+s0] =	stream.strided.scatter [tilespmem:s31], [sflag:$0x5], $0x340, s1, s0, $0x38;
	[tilespmem:$0x1D400] =	vst v63  }
0x2c: {  	_ =	swait.ge [sflag:s26], $0x340  }
0x2d: {  	[sflag:s26] =	ssyncset.done $0x0  }
0x2e: {  	[sflag:s26] =	ssyncadd.s32 $0xFFFFFCC0  }
0x2f: {  	_ =	swait.ge [sflag:s26], $0x340  }
0x30: {  	[sflag:s26] =	ssyncset.done $0x0  }
0x31: {  	[sflag:s26] =	ssyncadd.s32 $0xFFFFFCC0  }
0x32: {  	_ =	swait.ge [sflag:s26], $0x340  }
0x33: {  	[sflag:s26] =	ssyncset.done $0x0  }
0x34: {  	[sflag:s26] =	ssyncadd.s32 $0xFFFFFCC0  }
0x35: {  	_ =	swait.ge [sflag:s26], $0x340  }
0x36: {  	[sflag:s26] =	ssyncset.done $0x0  }
0x37: {  	[sflag:s26] =	ssyncadd.s32 $0xFFFFFCC0  }
0x38: {  	_ =	swait.ge [sflag:s26], $0x340  }
0x39: {  	[sflag:s26] =	ssyncset.done $0x0  }
0x3a: {  	[sflag:s26] =	ssyncadd.s32 $0xFFFFFCC0  }
0x3b: {  	_ =	swait.ge [sflag:s26], $0x340  }
0x3c: {  	[sflag:s26] =	ssyncset.done $0x0  }
0x3d: {  	[sflag:s26] =	ssyncadd.s32 $0xFFFFFCC0  }
0x3e: {  	_ =	swait.ge [sflag:s26], $0x340  }
0x3f: {  	[sflag:s26] =	ssyncset.done $0x0  }
0x40: {  	[sflag:s26] =	ssyncadd.s32 $0xFFFFFCC0  }
0x41: {  	_ =	swait.ge [sflag:s26], $0x340  }
0x42: {  	[sflag:s26] =	ssyncset.done $0x0  }
0x43: {  	[sflag:s26] =	ssyncadd.s32 $0xFFFFFCC0  }
0x44: {  	_ =	swait.ge [sflag:s26], $0x340  }
0x45: {  	[sflag:s26] =	ssyncset.done $0x0  }
0x46: {  	[sflag:s26] =	ssyncadd.s32 $0xFFFFFCC0  }
0x47: {  	_ =	swait.ge [sflag:s26], $0x340  }
0x48: {  	[sflag:s26] =	ssyncset.done $0x0  }
0x49: {  	[sflag:s26] =	ssyncadd.s32 $0xFFFFFCC0  }
0x4a: {  	_ =	swait.ge [sflag:s26], $0x340  }
0x4b: {  	[sflag:s26] =	ssyncset.done $0x0  }
0x4c: {  	[sflag:s26] =	ssyncadd.s32 $0xFFFFFCC0  }
0x4d: {  	_ =	swait.ge [sflag:s26], $0x340  }
0x4e: {  	[sflag:s26] =	ssyncset.done $0x0  }
0x4f: {  	[sflag:s26] =	ssyncadd.s32 $0xFFFFFCC0  }
0x50: {  	_ =	swait.ge [sflag:s26], $0x340  }
0x51: {  	[sflag:s26] =	ssyncset.done $0x0  }
0x52: {  	[sflag:s26] =	ssyncadd.s32 $0xFFFFFCC0  }
0x53: {  	_ =	swait.ge [sflag:s26], $0x340  }
0x54: {  	[sflag:s26] =	ssyncset.done $0x0  }
0x55: {  	[sflag:s26] =	ssyncadd.s32 $0xFFFFFCC0  }
0x56: {  	_ =	swait.ge [sflag:s26], $0x340  }
0x57: {  	[sflag:s26] =	ssyncset.done $0x0  }
0x58: {  	[sflag:s26] =	ssyncadd.s32 $0xFFFFFCC0  }
0x59: {  	_ =	swait.ge [sflag:s26], $0x340  }
0x5a: {  	[sflag:s26] =	ssyncset.done $0x0  }
0x5b: {  	[sflag:s26] =	ssyncadd.s32 $0xFFFFFCC0  }
0x5c: {  	_ =	swait.ge [sflag:s26], $0x340  }
0x5d: {  	[sflag:s26] =	ssyncset.done $0x0  }
0x5e: {  	[sflag:s26] =	ssyncadd.s32 $0xFFFFFCC0  }
0x5f: {  	_ =	swait.ge [sflag:s26], $0x340  }
0x60: {  	[sflag:s26] =	ssyncset.done $0x0  }
0x61: {  	[sflag:s26] =	ssyncadd.s32 $0xFFFFFCC0  }
0x62: {  	_ =	swait.ge [sflag:s26], $0x340  }
0x63: {  	[sflag:s26] =	ssyncset.done $0x0  }
0x64: {  	[sflag:s26] =	ssyncadd.s32 $0xFFFFFCC0  }
0x65: {  	_ =	swait.ge [sflag:s26], $0x340  }
0x66: {  	[sflag:s26] =	ssyncset.done $0x0  }
0x67: {  	[sflag:s26] =	ssyncadd.s32 $0xFFFFFCC0  }
0x68: {  	_ =	swait.ge [sflag:s26], $0x340  }
0x69: {  	[sflag:s26] =	ssyncset.done $0x0  }
0x6a: {  	[sflag:s26] =	ssyncadd.s32 $0xFFFFFCC0  }
0x6b: {  	_ =	swait.ge [sflag:s26], $0x340  }
0x6c: {  	[sflag:s26] =	ssyncset.done $0x0  }
0x6d: {  	[sflag:s26] =	ssyncadd.s32 $0xFFFFFCC0  }
0x6e: {  	_ =	swait.ge [sflag:s26], $0x340  }
0x6f: {  	[sflag:s26] =	ssyncset.done $0x0  }
0x70: {  	[sflag:s26] =	ssyncadd.s32 $0xFFFFFCC0  }
0x71: {  	_ =	swait.ge [sflag:s26], $0x340  }
0x72: {  	[sflag:s26] =	ssyncset.done $0x0  }
0x73: {  	[sflag:s26] =	ssyncadd.s32 $0xFFFFFCC0  }
0x74: {  	_ =	swait.ge [sflag:s26], $0x340  }
0x75: {  	[sflag:s26] =	ssyncset.done $0x0  }
0x76: {  	[sflag:s26] =	ssyncadd.s32 $0xFFFFFCC0  }
0x77: {  	_ =	swait.ge [sflag:s26], $0x340  }
0x78: {  	[sflag:s26] =	ssyncset.done $0x0  }
0x79: {  	[sflag:s26] =	ssyncadd.s32 $0xFFFFFCC0  }
0x7a: {  	_ =	swait.ge [sflag:s26], $0x340  }
0x7b: {  	[sflag:s26] =	ssyncset.done $0x0  }
0x7c: {  	[sflag:s26] =	ssyncadd.s32 $0xFFFFFCC0  }
0x7d: {  	_ =	swait.ge [sflag:s26], $0x340  }
0x7e: {  	[sflag:s26] =	ssyncset.done $0x0  }
0x7f: {  	[sflag:s26] =	ssyncadd.s32 $0xFFFFFCC0  }
0x80: {  	_ =	swait.ge [sflag:s26], $0x340  }
0x81: {  	[sflag:s26] =	ssyncset.done $0x0  }
0x82: {  	[sflag:s26] =	ssyncadd.s32 $0xFFFFFCC0  }
0x83: {  	_ =	swait.ge [sflag:s26], $0x340  }
0x84: {  	[sflag:s26] =	ssyncset.done $0x0  }
0x85: {  	[sflag:s26] =	ssyncadd.s32 $0xFFFFFCC0  }
0x86: {  	_ =	swait.ge [sflag:s26], $0x340  }
0x87: {  	[sflag:s26] =	ssyncset.done $0x0  }
0x88: {  	[sflag:s26] =	ssyncadd.s32 $0xFFFFFCC0  }
0x89: {  	_ =	swait.ge [sflag:s26], $0x340  }
0x8a: {  	[sflag:s26] =	ssyncset.done $0x0  }
0x8b: {  	s3 =	simm.s32 $0xD00;
	s29 =	simm.s32 $0x3400;
	[sflag:s26] =	ssyncadd.s32 $0xFFFFFCC0  }
0x8c: {  	[tilespmem:s29], [sflag:$0x1] =	stream.indirect.gather [hbm4b:s4+s24], $0x20, s3, s24, $0xb8;
	[tilespmem:$0x1D400] =	vst v63  }
0x8d: {  	s29 =	simm.s32 $0x2  }
0x8e: {  	s3 =	sadd.s32 $0x0, s22;
	_ =	swait.ge [sflag:s29], $0x6800  }
0x8f: {  	s31 =	simm.s32 $0x200;
	s3 =	sand.u32 $0x1FFC3E00, s3;
	[sflag:s29] =	ssyncset.done $0x0  }
0x90: {  	s3 =	sadd.s32 s3, s6;
	[sflag:s29] =	ssyncadd.s32 $0xFFFF9800;
	s29 =	simm.s32 $0x9C00  }
0x91: {  	[hbm4b:s3+s0] =	stream.strided.scatter [tilespmem:s29], [sflag:$0x6], $0x340, s1, s0, $0x38;
	[tilespmem:$0x1D400] =	vst v63  }
.LBB2_4:
0x92: {  	p0 =	sne.s32 s31, $0x3E00  }
.Ltmp1:
0x93: {  	_ = 	snop;
	(pc) =	sbr.rel @p0 .LBB2_4-.Ltmp1, $4  }
0x94: {  	s3 =	sadd.s32 s31, s22  }
0x95: {  	s3 =	sand.u32 $0x1FFC3E00, s3  }
0x96: {  	s31 =	sadd.s32 $0x200, s31;
	s29 =	sadd.s32 $0x340, s29;
	s3 =	sadd.s32 s3, s6  }
0x97: {  	[hbm4b:s3+s0] =	stream.strided.scatter [tilespmem:s29], [sflag:$0x6], $0x340, s1, s0, $0x38;
	[tilespmem:$0x1D400] =	vst v63  }
0x98: {  	_ =	swait.ge [sflag:s5], $0x340  }
0x99: {  	[sflag:s5] =	ssyncset.done $0x0  }
0x9a: {  	[sflag:s5] =	ssyncadd.s32 $0xFFFFFCC0  }
0x9b: {  	_ =	swait.ge [sflag:s5], $0x340  }
0x9c: {  	[sflag:s5] =	ssyncset.done $0x0  }
0x9d: {  	[sflag:s5] =	ssyncadd.s32 $0xFFFFFCC0  }
0x9e: {  	_ =	swait.ge [sflag:s5], $0x340  }
0x9f: {  	[sflag:s5] =	ssyncset.done $0x0  }
0xa0: {  	[sflag:s5] =	ssyncadd.s32 $0xFFFFFCC0  }
0xa1: {  	_ =	swait.ge [sflag:s5], $0x340  }
0xa2: {  	[sflag:s5] =	ssyncset.done $0x0  }
0xa3: {  	[sflag:s5] =	ssyncadd.s32 $0xFFFFFCC0  }
0xa4: {  	_ =	swait.ge [sflag:s5], $0x340  }
0xa5: {  	[sflag:s5] =	ssyncset.done $0x0  }
0xa6: {  	[sflag:s5] =	ssyncadd.s32 $0xFFFFFCC0  }
0xa7: {  	_ =	swait.ge [sflag:s5], $0x340  }
0xa8: {  	[sflag:s5] =	ssyncset.done $0x0  }
0xa9: {  	[sflag:s5] =	ssyncadd.s32 $0xFFFFFCC0  }
0xaa: {  	_ =	swait.ge [sflag:s5], $0x340  }
0xab: {  	[sflag:s5] =	ssyncset.done $0x0  }
0xac: {  	[sflag:s5] =	ssyncadd.s32 $0xFFFFFCC0  }
0xad: {  	_ =	swait.ge [sflag:s5], $0x340  }
0xae: {  	[sflag:s5] =	ssyncset.done $0x0  }
0xaf: {  	[sflag:s5] =	ssyncadd.s32 $0xFFFFFCC0  }
0xb0: {  	_ =	swait.ge [sflag:s5], $0x340  }
0xb1: {  	[sflag:s5] =	ssyncset.done $0x0  }
0xb2: {  	[sflag:s5] =	ssyncadd.s32 $0xFFFFFCC0  }
0xb3: {  	_ =	swait.ge [sflag:s5], $0x340  }
0xb4: {  	[sflag:s5] =	ssyncset.done $0x0  }
0xb5: {  	[sflag:s5] =	ssyncadd.s32 $0xFFFFFCC0  }
0xb6: {  	_ =	swait.ge [sflag:s5], $0x340  }
0xb7: {  	[sflag:s5] =	ssyncset.done $0x0  }
0xb8: {  	[sflag:s5] =	ssyncadd.s32 $0xFFFFFCC0  }
0xb9: {  	_ =	swait.ge [sflag:s5], $0x340  }
0xba: {  	[sflag:s5] =	ssyncset.done $0x0  }
0xbb: {  	[sflag:s5] =	ssyncadd.s32 $0xFFFFFCC0  }
0xbc: {  	_ =	swait.ge [sflag:s5], $0x340  }
0xbd: {  	[sflag:s5] =	ssyncset.done $0x0  }
0xbe: {  	[sflag:s5] =	ssyncadd.s32 $0xFFFFFCC0  }
0xbf: {  	_ =	swait.ge [sflag:s5], $0x340  }
0xc0: {  	[sflag:s5] =	ssyncset.done $0x0  }
0xc1: {  	[sflag:s5] =	ssyncadd.s32 $0xFFFFFCC0  }
0xc2: {  	_ =	swait.ge [sflag:s5], $0x340  }
0xc3: {  	[sflag:s5] =	ssyncset.done $0x0  }
0xc4: {  	[sflag:s5] =	ssyncadd.s32 $0xFFFFFCC0  }
0xc5: {  	_ =	swait.ge [sflag:s5], $0x340  }
0xc6: {  	[sflag:s5] =	ssyncset.done $0x0  }
0xc7: {  	[sflag:s5] =	ssyncadd.s32 $0xFFFFFCC0  }
0xc8: {  	_ =	swait.ge [sflag:s5], $0x340  }
0xc9: {  	[sflag:s5] =	ssyncset.done $0x0  }
0xca: {  	[sflag:s5] =	ssyncadd.s32 $0xFFFFFCC0  }
0xcb: {  	_ =	swait.ge [sflag:s5], $0x340  }
0xcc: {  	[sflag:s5] =	ssyncset.done $0x0  }
0xcd: {  	[sflag:s5] =	ssyncadd.s32 $0xFFFFFCC0  }
0xce: {  	_ =	swait.ge [sflag:s5], $0x340  }
0xcf: {  	[sflag:s5] =	ssyncset.done $0x0  }
0xd0: {  	[sflag:s5] =	ssyncadd.s32 $0xFFFFFCC0  }
0xd1: {  	_ =	swait.ge [sflag:s5], $0x340  }
0xd2: {  	[sflag:s5] =	ssyncset.done $0x0  }
0xd3: {  	[sflag:s5] =	ssyncadd.s32 $0xFFFFFCC0  }
0xd4: {  	_ =	swait.ge [sflag:s5], $0x340  }
0xd5: {  	[sflag:s5] =	ssyncset.done $0x0  }
0xd6: {  	[sflag:s5] =	ssyncadd.s32 $0xFFFFFCC0  }
0xd7: {  	_ =	swait.ge [sflag:s5], $0x340  }
0xd8: {  	[sflag:s5] =	ssyncset.done $0x0  }
0xd9: {  	[sflag:s5] =	ssyncadd.s32 $0xFFFFFCC0  }
0xda: {  	_ =	swait.ge [sflag:s5], $0x340  }
0xdb: {  	[sflag:s5] =	ssyncset.done $0x0  }
0xdc: {  	[sflag:s5] =	ssyncadd.s32 $0xFFFFFCC0  }
0xdd: {  	_ =	swait.ge [sflag:s5], $0x340  }
0xde: {  	[sflag:s5] =	ssyncset.done $0x0  }
0xdf: {  	[sflag:s5] =	ssyncadd.s32 $0xFFFFFCC0  }
0xe0: {  	_ =	swait.ge [sflag:s5], $0x340  }
0xe1: {  	[sflag:s5] =	ssyncset.done $0x0  }
0xe2: {  	[sflag:s5] =	ssyncadd.s32 $0xFFFFFCC0  }
0xe3: {  	_ =	swait.ge [sflag:s5], $0x340  }
0xe4: {  	[sflag:s5] =	ssyncset.done $0x0  }
0xe5: {  	[sflag:s5] =	ssyncadd.s32 $0xFFFFFCC0  }
0xe6: {  	_ =	swait.ge [sflag:s5], $0x340  }
0xe7: {  	[sflag:s5] =	ssyncset.done $0x0  }
0xe8: {  	[sflag:s5] =	ssyncadd.s32 $0xFFFFFCC0  }
0xe9: {  	_ =	swait.ge [sflag:s5], $0x340  }
0xea: {  	[sflag:s5] =	ssyncset.done $0x0  }
0xeb: {  	[sflag:s5] =	ssyncadd.s32 $0xFFFFFCC0  }
0xec: {  	_ =	swait.ge [sflag:s5], $0x340  }
0xed: {  	[sflag:s5] =	ssyncset.done $0x0  }
0xee: {  	[sflag:s5] =	ssyncadd.s32 $0xFFFFFCC0  }
0xef: {  	_ =	swait.ge [sflag:s5], $0x340  }
0xf0: {  	[sflag:s5] =	ssyncset.done $0x0  }
0xf1: {  	[sflag:s5] =	ssyncadd.s32 $0xFFFFFCC0  }
0xf2: {  	_ =	swait.ge [sflag:s5], $0x340  }
0xf3: {  	[sflag:s5] =	ssyncset.done $0x0  }
0xf4: {  	[sflag:s5] =	ssyncadd.s32 $0xFFFFFCC0  }
0xf5: {  	_ =	swait.ge [sflag:s5], $0x340  }
0xf6: {  	[sflag:s5] =	ssyncset.done $0x0  }
0xf7: {  	s3 =	simm.s32 $0x9C00;
	s29 =	simm.s32 $0x1040;
	[sflag:s5] =	ssyncadd.s32 $0xFFFFFCC0  }
0xf8: {  	[tilespmem:s3], [sflag:$0x2] =	stream.indirect.gather [hbm4b:s4+s24], $0x20, s29, s24, $0xb8;
	[tilespmem:$0x1D400] =	vst v63  }
0xf9: {  	s3 =	sadd.s32 $0x0, s22;
	_ =	swait.ge [sflag:s21], $0x6800  }
0xfa: {  	s31 =	simm.s32 $0x200;
	s3 =	sand.u32 $0x1FFC3E00, s3;
	[sflag:s21] =	ssyncset.done $0x0  }
0xfb: {  	s29 =	simm.s32 $0x10400;
	s3 =	sadd.s32 s3, s7;
	[sflag:s21] =	ssyncadd.s32 $0xFFFF9800  }
0xfc: {  	[hbm4b:s3+s0] =	stream.strided.scatter [tilespmem:s29], [sflag:$0x7], $0x340, s1, s0, $0x38;
	[tilespmem:$0x1D400] =	vst v63  }
.LBB2_6:
0xfd: {  	p0 =	sne.s32 s31, $0x3E00  }
.Ltmp2:
0xfe: {  	_ = 	snop;
	(pc) =	sbr.rel @p0 .LBB2_6-.Ltmp2, $4  }
0xff: {  	s3 =	sadd.s32 s31, s22  }
0x100: {  	s3 =	sand.u32 $0x1FFC3E00, s3  }
0x101: {  	s31 =	sadd.s32 $0x200, s31;
	s29 =	sadd.s32 $0x340, s29;
	s3 =	sadd.s32 s3, s7  }
0x102: {  	[hbm4b:s3+s0] =	stream.strided.scatter [tilespmem:s29], [sflag:$0x7], $0x340, s1, s0, $0x38;
	[tilespmem:$0x1D400] =	vst v63  }
0x103: {  	_ =	swait.ge [sflag:s23], $0x340  }
0x104: {  	[sflag:s23] =	ssyncset.done $0x0  }
0x105: {  	[sflag:s23] =	ssyncadd.s32 $0xFFFFFCC0  }
0x106: {  	_ =	swait.ge [sflag:s23], $0x340  }
0x107: {  	[sflag:s23] =	ssyncset.done $0x0  }
0x108: {  	[sflag:s23] =	ssyncadd.s32 $0xFFFFFCC0  }
0x109: {  	_ =	swait.ge [sflag:s23], $0x340  }
0x10a: {  	[sflag:s23] =	ssyncset.done $0x0  }
0x10b: {  	[sflag:s23] =	ssyncadd.s32 $0xFFFFFCC0  }
0x10c: {  	_ =	swait.ge [sflag:s23], $0x340  }
0x10d: {  	[sflag:s23] =	ssyncset.done $0x0  }
0x10e: {  	[sflag:s23] =	ssyncadd.s32 $0xFFFFFCC0  }
0x10f: {  	_ =	swait.ge [sflag:s23], $0x340  }
0x110: {  	[sflag:s23] =	ssyncset.done $0x0  }
0x111: {  	[sflag:s23] =	ssyncadd.s32 $0xFFFFFCC0  }
0x112: {  	_ =	swait.ge [sflag:s23], $0x340  }
0x113: {  	[sflag:s23] =	ssyncset.done $0x0  }
0x114: {  	[sflag:s23] =	ssyncadd.s32 $0xFFFFFCC0  }
0x115: {  	_ =	swait.ge [sflag:s23], $0x340  }
0x116: {  	[sflag:s23] =	ssyncset.done $0x0  }
0x117: {  	[sflag:s23] =	ssyncadd.s32 $0xFFFFFCC0  }
0x118: {  	_ =	swait.ge [sflag:s23], $0x340  }
0x119: {  	[sflag:s23] =	ssyncset.done $0x0  }
0x11a: {  	[sflag:s23] =	ssyncadd.s32 $0xFFFFFCC0  }
0x11b: {  	_ =	swait.ge [sflag:s23], $0x340  }
0x11c: {  	[sflag:s23] =	ssyncset.done $0x0  }
0x11d: {  	[sflag:s23] =	ssyncadd.s32 $0xFFFFFCC0  }
0x11e: {  	_ =	swait.ge [sflag:s23], $0x340  }
0x11f: {  	[sflag:s23] =	ssyncset.done $0x0  }
0x120: {  	[sflag:s23] =	ssyncadd.s32 $0xFFFFFCC0  }
0x121: {  	_ =	swait.ge [sflag:s23], $0x340  }
0x122: {  	[sflag:s23] =	ssyncset.done $0x0  }
0x123: {  	[sflag:s23] =	ssyncadd.s32 $0xFFFFFCC0  }
0x124: {  	_ =	swait.ge [sflag:s23], $0x340  }
0x125: {  	[sflag:s23] =	ssyncset.done $0x0  }
0x126: {  	[sflag:s23] =	ssyncadd.s32 $0xFFFFFCC0  }
0x127: {  	_ =	swait.ge [sflag:s23], $0x340  }
0x128: {  	[sflag:s23] =	ssyncset.done $0x0  }
0x129: {  	[sflag:s23] =	ssyncadd.s32 $0xFFFFFCC0  }
0x12a: {  	_ =	swait.ge [sflag:s23], $0x340  }
0x12b: {  	[sflag:s23] =	ssyncset.done $0x0  }
0x12c: {  	[sflag:s23] =	ssyncadd.s32 $0xFFFFFCC0  }
0x12d: {  	_ =	swait.ge [sflag:s23], $0x340  }
0x12e: {  	[sflag:s23] =	ssyncset.done $0x0  }
0x12f: {  	[sflag:s23] =	ssyncadd.s32 $0xFFFFFCC0  }
0x130: {  	_ =	swait.ge [sflag:s23], $0x340  }
0x131: {  	[sflag:s23] =	ssyncset.done $0x0  }
0x132: {  	[sflag:s23] =	ssyncadd.s32 $0xFFFFFCC0  }
0x133: {  	_ =	swait.ge [sflag:s23], $0x340  }
0x134: {  	[sflag:s23] =	ssyncset.done $0x0  }
0x135: {  	[sflag:s23] =	ssyncadd.s32 $0xFFFFFCC0  }
0x136: {  	_ =	swait.ge [sflag:s23], $0x340  }
0x137: {  	[sflag:s23] =	ssyncset.done $0x0  }
0x138: {  	[sflag:s23] =	ssyncadd.s32 $0xFFFFFCC0  }
0x139: {  	_ =	swait.ge [sflag:s23], $0x340  }
0x13a: {  	[sflag:s23] =	ssyncset.done $0x0  }
0x13b: {  	[sflag:s23] =	ssyncadd.s32 $0xFFFFFCC0  }
0x13c: {  	_ =	swait.ge [sflag:s23], $0x340  }
0x13d: {  	[sflag:s23] =	ssyncset.done $0x0  }
0x13e: {  	[sflag:s23] =	ssyncadd.s32 $0xFFFFFCC0  }
0x13f: {  	_ =	swait.ge [sflag:s23], $0x340  }
0x140: {  	[sflag:s23] =	ssyncset.done $0x0  }
0x141: {  	[sflag:s23] =	ssyncadd.s32 $0xFFFFFCC0  }
0x142: {  	_ =	swait.ge [sflag:s23], $0x340  }
0x143: {  	[sflag:s23] =	ssyncset.done $0x0  }
0x144: {  	[sflag:s23] =	ssyncadd.s32 $0xFFFFFCC0  }
0x145: {  	_ =	swait.ge [sflag:s23], $0x340  }
0x146: {  	[sflag:s23] =	ssyncset.done $0x0  }
0x147: {  	[sflag:s23] =	ssyncadd.s32 $0xFFFFFCC0  }
0x148: {  	_ =	swait.ge [sflag:s23], $0x340  }
0x149: {  	[sflag:s23] =	ssyncset.done $0x0  }
0x14a: {  	[sflag:s23] =	ssyncadd.s32 $0xFFFFFCC0  }
0x14b: {  	_ =	swait.ge [sflag:s23], $0x340  }
0x14c: {  	[sflag:s23] =	ssyncset.done $0x0  }
0x14d: {  	[sflag:s23] =	ssyncadd.s32 $0xFFFFFCC0  }
0x14e: {  	_ =	swait.ge [sflag:s23], $0x340  }
0x14f: {  	[sflag:s23] =	ssyncset.done $0x0  }
0x150: {  	[sflag:s23] =	ssyncadd.s32 $0xFFFFFCC0  }
0x151: {  	_ =	swait.ge [sflag:s23], $0x340  }
0x152: {  	[sflag:s23] =	ssyncset.done $0x0  }
0x153: {  	[sflag:s23] =	ssyncadd.s32 $0xFFFFFCC0  }
0x154: {  	_ =	swait.ge [sflag:s23], $0x340  }
0x155: {  	[sflag:s23] =	ssyncset.done $0x0  }
0x156: {  	[sflag:s23] =	ssyncadd.s32 $0xFFFFFCC0  }
0x157: {  	_ =	swait.ge [sflag:s23], $0x340  }
0x158: {  	[sflag:s23] =	ssyncset.done $0x0  }
0x159: {  	[sflag:s23] =	ssyncadd.s32 $0xFFFFFCC0  }
0x15a: {  	_ =	swait.ge [sflag:s23], $0x340  }
0x15b: {  	[sflag:s23] =	ssyncset.done $0x0  }
0x15c: {  	[sflag:s23] =	ssyncadd.s32 $0xFFFFFCC0  }
0x15d: {  	_ =	swait.ge [sflag:s23], $0x340  }
0x15e: {  	[sflag:s23] =	ssyncset.done $0x0  }
0x15f: {  	[sflag:s23] =	ssyncadd.s32 $0xFFFFFCC0  }
0x160: {  	_ =	swait.ge [sflag:s23], $0x340  }
0x161: {  	[sflag:s23] =	ssyncset.done $0x0  }
0x162: {  	s3 =	simm.s32 $0x10400;
	s29 =	simm.s32 $0x1380;
	[sflag:s23] =	ssyncadd.s32 $0xFFFFFCC0  }
0x163: {  	[tilespmem:s3], [sflag:$0x3] =	stream.indirect.gather [hbm4b:s4+s24], $0x20, s29, s24, $0xb8;
	[tilespmem:$0x1D400] =	vst v63  }
0x164: {  	s3 =	sadd.s32 $0x0, s22;
	_ =	swait.ge [sflag:s25], $0x6800  }
0x165: {  	s31 =	simm.s32 $0x200;
	s3 =	sand.u32 $0x1FFC3E00, s3;
	[sflag:s25] =	ssyncset.done $0x0  }
0x166: {  	s29 =	simm.s32 $0x16C00;
	s3 =	sadd.s32 s3, s8;
	[sflag:s25] =	ssyncadd.s32 $0xFFFF9800  }
0x167: {  	[hbm4b:s3+s0] =	stream.strided.scatter [tilespmem:s29], [sflag:$0x8], $0x340, s1, s0, $0x38;
	[tilespmem:$0x1D400] =	vst v63  }
.LBB2_8:
0x168: {  	p0 =	sne.s32 s31, $0x3E00  }
.Ltmp3:
0x169: {  	_ = 	snop;
	(pc) =	sbr.rel @p0 .LBB2_8-.Ltmp3, $4  }
0x16a: {  	s3 =	sadd.s32 s31, s22  }
0x16b: {  	s3 =	sand.u32 $0x1FFC3E00, s3  }
0x16c: {  	s31 =	sadd.s32 $0x200, s31;
	s29 =	sadd.s32 $0x340, s29;
	s3 =	sadd.s32 s3, s8  }
0x16d: {  	[hbm4b:s3+s0] =	stream.strided.scatter [tilespmem:s29], [sflag:$0x8], $0x340, s1, s0, $0x38;
	[tilespmem:$0x1D400] =	vst v63  }
0x16e: {  	_ =	swait.ge [sflag:s28], $0x340  }
0x16f: {  	[sflag:s28] =	ssyncset.done $0x0  }
0x170: {  	[sflag:s28] =	ssyncadd.s32 $0xFFFFFCC0  }
0x171: {  	_ =	swait.ge [sflag:s28], $0x340  }
0x172: {  	[sflag:s28] =	ssyncset.done $0x0  }
0x173: {  	[sflag:s28] =	ssyncadd.s32 $0xFFFFFCC0  }
0x174: {  	_ =	swait.ge [sflag:s28], $0x340  }
0x175: {  	[sflag:s28] =	ssyncset.done $0x0  }
0x176: {  	[sflag:s28] =	ssyncadd.s32 $0xFFFFFCC0  }
0x177: {  	_ =	swait.ge [sflag:s28], $0x340  }
0x178: {  	[sflag:s28] =	ssyncset.done $0x0  }
0x179: {  	[sflag:s28] =	ssyncadd.s32 $0xFFFFFCC0  }
0x17a: {  	_ =	swait.ge [sflag:s28], $0x340  }
0x17b: {  	[sflag:s28] =	ssyncset.done $0x0  }
0x17c: {  	[sflag:s28] =	ssyncadd.s32 $0xFFFFFCC0  }
0x17d: {  	_ =	swait.ge [sflag:s28], $0x340  }
0x17e: {  	[sflag:s28] =	ssyncset.done $0x0  }
0x17f: {  	[sflag:s28] =	ssyncadd.s32 $0xFFFFFCC0  }
0x180: {  	_ =	swait.ge [sflag:s28], $0x340  }
0x181: {  	[sflag:s28] =	ssyncset.done $0x0  }
0x182: {  	[sflag:s28] =	ssyncadd.s32 $0xFFFFFCC0  }
0x183: {  	_ =	swait.ge [sflag:s28], $0x340  }
0x184: {  	[sflag:s28] =	ssyncset.done $0x0  }
0x185: {  	[sflag:s28] =	ssyncadd.s32 $0xFFFFFCC0  }
0x186: {  	_ =	swait.ge [sflag:s28], $0x340  }
0x187: {  	[sflag:s28] =	ssyncset.done $0x0  }
0x188: {  	[sflag:s28] =	ssyncadd.s32 $0xFFFFFCC0  }
0x189: {  	_ =	swait.ge [sflag:s28], $0x340  }
0x18a: {  	[sflag:s28] =	ssyncset.done $0x0  }
0x18b: {  	[sflag:s28] =	ssyncadd.s32 $0xFFFFFCC0  }
0x18c: {  	_ =	swait.ge [sflag:s28], $0x340  }
0x18d: {  	[sflag:s28] =	ssyncset.done $0x0  }
0x18e: {  	[sflag:s28] =	ssyncadd.s32 $0xFFFFFCC0  }
0x18f: {  	_ =	swait.ge [sflag:s28], $0x340  }
0x190: {  	[sflag:s28] =	ssyncset.done $0x0  }
0x191: {  	[sflag:s28] =	ssyncadd.s32 $0xFFFFFCC0  }
0x192: {  	_ =	swait.ge [sflag:s28], $0x340  }
0x193: {  	[sflag:s28] =	ssyncset.done $0x0  }
0x194: {  	[sflag:s28] =	ssyncadd.s32 $0xFFFFFCC0  }
0x195: {  	_ =	swait.ge [sflag:s28], $0x340  }
0x196: {  	[sflag:s28] =	ssyncset.done $0x0  }
0x197: {  	[sflag:s28] =	ssyncadd.s32 $0xFFFFFCC0  }
0x198: {  	_ =	swait.ge [sflag:s28], $0x340  }
0x199: {  	[sflag:s28] =	ssyncset.done $0x0  }
0x19a: {  	[sflag:s28] =	ssyncadd.s32 $0xFFFFFCC0  }
0x19b: {  	_ =	swait.ge [sflag:s28], $0x340  }
0x19c: {  	[sflag:s28] =	ssyncset.done $0x0  }
0x19d: {  	[sflag:s28] =	ssyncadd.s32 $0xFFFFFCC0  }
0x19e: {  	_ =	swait.ge [sflag:s28], $0x340  }
0x19f: {  	[sflag:s28] =	ssyncset.done $0x0  }
0x1a0: {  	[sflag:s28] =	ssyncadd.s32 $0xFFFFFCC0  }
0x1a1: {  	_ =	swait.ge [sflag:s28], $0x340  }
0x1a2: {  	[sflag:s28] =	ssyncset.done $0x0  }
0x1a3: {  	[sflag:s28] =	ssyncadd.s32 $0xFFFFFCC0  }
0x1a4: {  	_ =	swait.ge [sflag:s28], $0x340  }
0x1a5: {  	[sflag:s28] =	ssyncset.done $0x0  }
0x1a6: {  	[sflag:s28] =	ssyncadd.s32 $0xFFFFFCC0  }
0x1a7: {  	_ =	swait.ge [sflag:s28], $0x340  }
0x1a8: {  	[sflag:s28] =	ssyncset.done $0x0  }
0x1a9: {  	[sflag:s28] =	ssyncadd.s32 $0xFFFFFCC0  }
0x1aa: {  	_ =	swait.ge [sflag:s28], $0x340  }
0x1ab: {  	[sflag:s28] =	ssyncset.done $0x0  }
0x1ac: {  	[sflag:s28] =	ssyncadd.s32 $0xFFFFFCC0  }
0x1ad: {  	_ =	swait.ge [sflag:s28], $0x340  }
0x1ae: {  	[sflag:s28] =	ssyncset.done $0x0  }
0x1af: {  	[sflag:s28] =	ssyncadd.s32 $0xFFFFFCC0  }
0x1b0: {  	_ =	swait.ge [sflag:s28], $0x340  }
0x1b1: {  	[sflag:s28] =	ssyncset.done $0x0  }
0x1b2: {  	[sflag:s28] =	ssyncadd.s32 $0xFFFFFCC0  }
0x1b3: {  	_ =	swait.ge [sflag:s28], $0x340  }
0x1b4: {  	[sflag:s28] =	ssyncset.done $0x0  }
0x1b5: {  	[sflag:s28] =	ssyncadd.s32 $0xFFFFFCC0  }
0x1b6: {  	_ =	swait.ge [sflag:s28], $0x340  }
0x1b7: {  	[sflag:s28] =	ssyncset.done $0x0  }
0x1b8: {  	[sflag:s28] =	ssyncadd.s32 $0xFFFFFCC0  }
0x1b9: {  	_ =	swait.ge [sflag:s28], $0x340  }
0x1ba: {  	[sflag:s28] =	ssyncset.done $0x0  }
0x1bb: {  	[sflag:s28] =	ssyncadd.s32 $0xFFFFFCC0  }
0x1bc: {  	_ =	swait.ge [sflag:s28], $0x340  }
0x1bd: {  	[sflag:s28] =	ssyncset.done $0x0  }
0x1be: {  	[sflag:s28] =	ssyncadd.s32 $0xFFFFFCC0  }
0x1bf: {  	_ =	swait.ge [sflag:s28], $0x340  }
0x1c0: {  	[sflag:s28] =	ssyncset.done $0x0  }
0x1c1: {  	[sflag:s28] =	ssyncadd.s32 $0xFFFFFCC0  }
0x1c2: {  	_ =	swait.ge [sflag:s28], $0x340  }
0x1c3: {  	[sflag:s28] =	ssyncset.done $0x0  }
0x1c4: {  	[sflag:s28] =	ssyncadd.s32 $0xFFFFFCC0  }
0x1c5: {  	_ =	swait.ge [sflag:s28], $0x340  }
0x1c6: {  	[sflag:s28] =	ssyncset.done $0x0  }
0x1c7: {  	[sflag:s28] =	ssyncadd.s32 $0xFFFFFCC0  }
0x1c8: {  	_ =	swait.ge [sflag:s28], $0x340  }
0x1c9: {  	[sflag:s28] =	ssyncset.done $0x0  }
0x1ca: {  	[sflag:s28] =	ssyncadd.s32 $0xFFFFFCC0  }
0x1cb: {  	_ =	swait.ge [sflag:s28], $0x340  }
0x1cc: {  	[sflag:s28] =	ssyncset.done $0x0  }
0x1cd: {  	s3 =	simm.s32 $0x16C00;
	s29 =	simm.s32 $0x16C0;
	[sflag:s28] =	ssyncadd.s32 $0xFFFFFCC0  }
0x1ce: {  	[tilespmem:s3], [sflag:$0x4] =	stream.indirect.gather [hbm4b:s4+s24], $0x20, s29, s24, $0xb8;
	[tilespmem:$0x1D400] =	vst v63  }
0x1cf: {  	s29 =	simm.s32 $0x1  }
0x1d0: {  	s3 =	sadd.s32 $0x0, s22;
	_ =	swait.ge [sflag:s29], $0x6800  }
0x1d1: {  	s31 =	simm.s32 $0x200;
	s3 =	sand.u32 $0x1FFC3E00, s3;
	[sflag:s29] =	ssyncset.done $0x0  }
0x1d2: {  	s3 =	sadd.s32 s3, s9;
	[sflag:s29] =	ssyncadd.s32 $0xFFFF9800;
	s29 =	simm.s32 $0x3400  }
0x1d3: {  	[hbm4b:s3+s0] =	stream.strided.scatter [tilespmem:s29], [sflag:$0x5], $0x340, s1, s0, $0x38;
	[tilespmem:$0x1D400] =	vst v63  }
.LBB2_10:
0x1d4: {  	p0 =	sne.s32 s31, $0x3E00  }
.Ltmp4:
0x1d5: {  	_ = 	snop;
	(pc) =	sbr.rel @p0 .LBB2_10-.Ltmp4, $4  }
0x1d6: {  	s3 =	sadd.s32 s31, s22  }
0x1d7: {  	s3 =	sand.u32 $0x1FFC3E00, s3  }
0x1d8: {  	s31 =	sadd.s32 $0x200, s31;
	s29 =	sadd.s32 $0x340, s29;
	s3 =	sadd.s32 s3, s9  }
0x1d9: {  	[hbm4b:s3+s0] =	stream.strided.scatter [tilespmem:s29], [sflag:$0x5], $0x340, s1, s0, $0x38;
	[tilespmem:$0x1D400] =	vst v63  }
0x1da: {  	_ =	swait.ge [sflag:s26], $0x340  }
0x1db: {  	[sflag:s26] =	ssyncset.done $0x0  }
0x1dc: {  	[sflag:s26] =	ssyncadd.s32 $0xFFFFFCC0  }
0x1dd: {  	_ =	swait.ge [sflag:s26], $0x340  }
0x1de: {  	[sflag:s26] =	ssyncset.done $0x0  }
0x1df: {  	[sflag:s26] =	ssyncadd.s32 $0xFFFFFCC0  }
0x1e0: {  	_ =	swait.ge [sflag:s26], $0x340  }
0x1e1: {  	[sflag:s26] =	ssyncset.done $0x0  }
0x1e2: {  	[sflag:s26] =	ssyncadd.s32 $0xFFFFFCC0  }
0x1e3: {  	_ =	swait.ge [sflag:s26], $0x340  }
0x1e4: {  	[sflag:s26] =	ssyncset.done $0x0  }
0x1e5: {  	[sflag:s26] =	ssyncadd.s32 $0xFFFFFCC0  }
0x1e6: {  	_ =	swait.ge [sflag:s26], $0x340  }
0x1e7: {  	[sflag:s26] =	ssyncset.done $0x0  }
0x1e8: {  	[sflag:s26] =	ssyncadd.s32 $0xFFFFFCC0  }
0x1e9: {  	_ =	swait.ge [sflag:s26], $0x340  }
0x1ea: {  	[sflag:s26] =	ssyncset.done $0x0  }
0x1eb: {  	[sflag:s26] =	ssyncadd.s32 $0xFFFFFCC0  }
0x1ec: {  	_ =	swait.ge [sflag:s26], $0x340  }
0x1ed: {  	[sflag:s26] =	ssyncset.done $0x0  }
0x1ee: {  	[sflag:s26] =	ssyncadd.s32 $0xFFFFFCC0  }
0x1ef: {  	_ =	swait.ge [sflag:s26], $0x340  }
0x1f0: {  	[sflag:s26] =	ssyncset.done $0x0  }
0x1f1: {  	[sflag:s26] =	ssyncadd.s32 $0xFFFFFCC0  }
0x1f2: {  	_ =	swait.ge [sflag:s26], $0x340  }
0x1f3: {  	[sflag:s26] =	ssyncset.done $0x0  }
0x1f4: {  	[sflag:s26] =	ssyncadd.s32 $0xFFFFFCC0  }
0x1f5: {  	_ =	swait.ge [sflag:s26], $0x340  }
0x1f6: {  	[sflag:s26] =	ssyncset.done $0x0  }
0x1f7: {  	[sflag:s26] =	ssyncadd.s32 $0xFFFFFCC0  }
0x1f8: {  	_ =	swait.ge [sflag:s26], $0x340  }
0x1f9: {  	[sflag:s26] =	ssyncset.done $0x0  }
0x1fa: {  	[sflag:s26] =	ssyncadd.s32 $0xFFFFFCC0  }
0x1fb: {  	_ =	swait.ge [sflag:s26], $0x340  }
0x1fc: {  	[sflag:s26] =	ssyncset.done $0x0  }
0x1fd: {  	[sflag:s26] =	ssyncadd.s32 $0xFFFFFCC0  }
0x1fe: {  	_ =	swait.ge [sflag:s26], $0x340  }
0x1ff: {  	[sflag:s26] =	ssyncset.done $0x0  }
0x200: {  	[sflag:s26] =	ssyncadd.s32 $0xFFFFFCC0  }
0x201: {  	_ =	swait.ge [sflag:s26], $0x340  }
0x202: {  	[sflag:s26] =	ssyncset.done $0x0  }
0x203: {  	[sflag:s26] =	ssyncadd.s32 $0xFFFFFCC0  }
0x204: {  	_ =	swait.ge [sflag:s26], $0x340  }
0x205: {  	[sflag:s26] =	ssyncset.done $0x0  }
0x206: {  	[sflag:s26] =	ssyncadd.s32 $0xFFFFFCC0  }
0x207: {  	_ =	swait.ge [sflag:s26], $0x340  }
0x208: {  	[sflag:s26] =	ssyncset.done $0x0  }
0x209: {  	[sflag:s26] =	ssyncadd.s32 $0xFFFFFCC0  }
0x20a: {  	_ =	swait.ge [sflag:s26], $0x340  }
0x20b: {  	[sflag:s26] =	ssyncset.done $0x0  }
0x20c: {  	[sflag:s26] =	ssyncadd.s32 $0xFFFFFCC0  }
0x20d: {  	_ =	swait.ge [sflag:s26], $0x340  }
0x20e: {  	[sflag:s26] =	ssyncset.done $0x0  }
0x20f: {  	[sflag:s26] =	ssyncadd.s32 $0xFFFFFCC0  }
0x210: {  	_ =	swait.ge [sflag:s26], $0x340  }
0x211: {  	[sflag:s26] =	ssyncset.done $0x0  }
0x212: {  	[sflag:s26] =	ssyncadd.s32 $0xFFFFFCC0  }
0x213: {  	_ =	swait.ge [sflag:s26], $0x340  }
0x214: {  	[sflag:s26] =	ssyncset.done $0x0  }
0x215: {  	[sflag:s26] =	ssyncadd.s32 $0xFFFFFCC0  }
0x216: {  	_ =	swait.ge [sflag:s26], $0x340  }
0x217: {  	[sflag:s26] =	ssyncset.done $0x0  }
0x218: {  	[sflag:s26] =	ssyncadd.s32 $0xFFFFFCC0  }
0x219: {  	_ =	swait.ge [sflag:s26], $0x340  }
0x21a: {  	[sflag:s26] =	ssyncset.done $0x0  }
0x21b: {  	[sflag:s26] =	ssyncadd.s32 $0xFFFFFCC0  }
0x21c: {  	_ =	swait.ge [sflag:s26], $0x340  }
0x21d: {  	[sflag:s26] =	ssyncset.done $0x0  }
0x21e: {  	[sflag:s26] =	ssyncadd.s32 $0xFFFFFCC0  }
0x21f: {  	_ =	swait.ge [sflag:s26], $0x340  }
0x220: {  	[sflag:s26] =	ssyncset.done $0x0  }
0x221: {  	[sflag:s26] =	ssyncadd.s32 $0xFFFFFCC0  }
0x222: {  	_ =	swait.ge [sflag:s26], $0x340  }
0x223: {  	[sflag:s26] =	ssyncset.done $0x0  }
0x224: {  	[sflag:s26] =	ssyncadd.s32 $0xFFFFFCC0  }
0x225: {  	_ =	swait.ge [sflag:s26], $0x340  }
0x226: {  	[sflag:s26] =	ssyncset.done $0x0  }
0x227: {  	[sflag:s26] =	ssyncadd.s32 $0xFFFFFCC0  }
0x228: {  	_ =	swait.ge [sflag:s26], $0x340  }
0x229: {  	[sflag:s26] =	ssyncset.done $0x0  }
0x22a: {  	[sflag:s26] =	ssyncadd.s32 $0xFFFFFCC0  }
0x22b: {  	_ =	swait.ge [sflag:s26], $0x340  }
0x22c: {  	[sflag:s26] =	ssyncset.done $0x0  }
0x22d: {  	[sflag:s26] =	ssyncadd.s32 $0xFFFFFCC0  }
0x22e: {  	_ =	swait.ge [sflag:s26], $0x340  }
0x22f: {  	[sflag:s26] =	ssyncset.done $0x0  }
0x230: {  	[sflag:s26] =	ssyncadd.s32 $0xFFFFFCC0  }
0x231: {  	_ =	swait.ge [sflag:s26], $0x340  }
0x232: {  	[sflag:s26] =	ssyncset.done $0x0  }
0x233: {  	[sflag:s26] =	ssyncadd.s32 $0xFFFFFCC0  }
0x234: {  	_ =	swait.ge [sflag:s26], $0x340  }
0x235: {  	[sflag:s26] =	ssyncset.done $0x0  }
0x236: {  	[sflag:s26] =	ssyncadd.s32 $0xFFFFFCC0  }
0x237: {  	_ =	swait.ge [sflag:s26], $0x340  }
0x238: {  	[sflag:s26] =	ssyncset.done $0x0  }
0x239: {  	s3 =	simm.s32 $0x3400;
	s29 =	simm.s32 $0x1A00;
	[sflag:s26] =	ssyncadd.s32 $0xFFFFFCC0  }
0x23a: {  	[tilespmem:s3], [sflag:$0x1] =	stream.indirect.gather [hbm4b:s4+s24], $0x20, s29, s24, $0xb8;
	[tilespmem:$0x1D400] =	vst v63  }
0x23b: {  	s29 =	simm.s32 $0x2  }
0x23c: {  	s3 =	sadd.s32 $0x0, s22;
	_ =	swait.ge [sflag:s29], $0x6800  }
0x23d: {  	s31 =	simm.s32 $0x200;
	s3 =	sand.u32 $0x1FFC3E00, s3;
	[sflag:s29] =	ssyncset.done $0x0  }
0x23e: {  	s3 =	sadd.s32 s3, s10;
	[sflag:s29] =	ssyncadd.s32 $0xFFFF9800;
	s29 =	simm.s32 $0x9C00  }
0x23f: {  	[hbm4b:s3+s0] =	stream.strided.scatter [tilespmem:s29], [sflag:$0x6], $0x340, s1, s0, $0x38;
	[tilespmem:$0x1D400] =	vst v63  }
.LBB2_12:
0x240: {  	p0 =	sne.s32 s31, $0x3E00  }
.Ltmp5:
0x241: {  	_ = 	snop;
	(pc) =	sbr.rel @p0 .LBB2_12-.Ltmp5, $4  }
0x242: {  	s3 =	sadd.s32 s31, s22  }
0x243: {  	s3 =	sand.u32 $0x1FFC3E00, s3  }
0x244: {  	s31 =	sadd.s32 $0x200, s31;
	s29 =	sadd.s32 $0x340, s29;
	s3 =	sadd.s32 s3, s10  }
0x245: {  	[hbm4b:s3+s0] =	stream.strided.scatter [tilespmem:s29], [sflag:$0x6], $0x340, s1, s0, $0x38;
	[tilespmem:$0x1D400] =	vst v63  }
0x246: {  	_ =	swait.ge [sflag:s5], $0x340  }
0x247: {  	[sflag:s5] =	ssyncset.done $0x0  }
0x248: {  	[sflag:s5] =	ssyncadd.s32 $0xFFFFFCC0  }
0x249: {  	_ =	swait.ge [sflag:s5], $0x340  }
0x24a: {  	[sflag:s5] =	ssyncset.done $0x0  }
0x24b: {  	[sflag:s5] =	ssyncadd.s32 $0xFFFFFCC0  }
0x24c: {  	_ =	swait.ge [sflag:s5], $0x340  }
0x24d: {  	[sflag:s5] =	ssyncset.done $0x0  }
0x24e: {  	[sflag:s5] =	ssyncadd.s32 $0xFFFFFCC0  }
0x24f: {  	_ =	swait.ge [sflag:s5], $0x340  }
0x250: {  	[sflag:s5] =	ssyncset.done $0x0  }
0x251: {  	[sflag:s5] =	ssyncadd.s32 $0xFFFFFCC0  }
0x252: {  	_ =	swait.ge [sflag:s5], $0x340  }
0x253: {  	[sflag:s5] =	ssyncset.done $0x0  }
0x254: {  	[sflag:s5] =	ssyncadd.s32 $0xFFFFFCC0  }
0x255: {  	_ =	swait.ge [sflag:s5], $0x340  }
0x256: {  	[sflag:s5] =	ssyncset.done $0x0  }
0x257: {  	[sflag:s5] =	ssyncadd.s32 $0xFFFFFCC0  }
0x258: {  	_ =	swait.ge [sflag:s5], $0x340  }
0x259: {  	[sflag:s5] =	ssyncset.done $0x0  }
0x25a: {  	[sflag:s5] =	ssyncadd.s32 $0xFFFFFCC0  }
0x25b: {  	_ =	swait.ge [sflag:s5], $0x340  }
0x25c: {  	[sflag:s5] =	ssyncset.done $0x0  }
0x25d: {  	[sflag:s5] =	ssyncadd.s32 $0xFFFFFCC0  }
0x25e: {  	_ =	swait.ge [sflag:s5], $0x340  }
0x25f: {  	[sflag:s5] =	ssyncset.done $0x0  }
0x260: {  	[sflag:s5] =	ssyncadd.s32 $0xFFFFFCC0  }
0x261: {  	_ =	swait.ge [sflag:s5], $0x340  }
0x262: {  	[sflag:s5] =	ssyncset.done $0x0  }
0x263: {  	[sflag:s5] =	ssyncadd.s32 $0xFFFFFCC0  }
0x264: {  	_ =	swait.ge [sflag:s5], $0x340  }
0x265: {  	[sflag:s5] =	ssyncset.done $0x0  }
0x266: {  	[sflag:s5] =	ssyncadd.s32 $0xFFFFFCC0  }
0x267: {  	_ =	swait.ge [sflag:s5], $0x340  }
0x268: {  	[sflag:s5] =	ssyncset.done $0x0  }
0x269: {  	[sflag:s5] =	ssyncadd.s32 $0xFFFFFCC0  }
0x26a: {  	_ =	swait.ge [sflag:s5], $0x340  }
0x26b: {  	[sflag:s5] =	ssyncset.done $0x0  }
0x26c: {  	[sflag:s5] =	ssyncadd.s32 $0xFFFFFCC0  }
0x26d: {  	_ =	swait.ge [sflag:s5], $0x340  }
0x26e: {  	[sflag:s5] =	ssyncset.done $0x0  }
0x26f: {  	[sflag:s5] =	ssyncadd.s32 $0xFFFFFCC0  }
0x270: {  	_ =	swait.ge [sflag:s5], $0x340  }
0x271: {  	[sflag:s5] =	ssyncset.done $0x0  }
0x272: {  	[sflag:s5] =	ssyncadd.s32 $0xFFFFFCC0  }
0x273: {  	_ =	swait.ge [sflag:s5], $0x340  }
0x274: {  	[sflag:s5] =	ssyncset.done $0x0  }
0x275: {  	[sflag:s5] =	ssyncadd.s32 $0xFFFFFCC0  }
0x276: {  	_ =	swait.ge [sflag:s5], $0x340  }
0x277: {  	[sflag:s5] =	ssyncset.done $0x0  }
0x278: {  	[sflag:s5] =	ssyncadd.s32 $0xFFFFFCC0  }
0x279: {  	_ =	swait.ge [sflag:s5], $0x340  }
0x27a: {  	[sflag:s5] =	ssyncset.done $0x0  }
0x27b: {  	[sflag:s5] =	ssyncadd.s32 $0xFFFFFCC0  }
0x27c: {  	_ =	swait.ge [sflag:s5], $0x340  }
0x27d: {  	[sflag:s5] =	ssyncset.done $0x0  }
0x27e: {  	[sflag:s5] =	ssyncadd.s32 $0xFFFFFCC0  }
0x27f: {  	_ =	swait.ge [sflag:s5], $0x340  }
0x280: {  	[sflag:s5] =	ssyncset.done $0x0  }
0x281: {  	[sflag:s5] =	ssyncadd.s32 $0xFFFFFCC0  }
0x282: {  	_ =	swait.ge [sflag:s5], $0x340  }
0x283: {  	[sflag:s5] =	ssyncset.done $0x0  }
0x284: {  	[sflag:s5] =	ssyncadd.s32 $0xFFFFFCC0  }
0x285: {  	_ =	swait.ge [sflag:s5], $0x340  }
0x286: {  	[sflag:s5] =	ssyncset.done $0x0  }
0x287: {  	[sflag:s5] =	ssyncadd.s32 $0xFFFFFCC0  }
0x288: {  	_ =	swait.ge [sflag:s5], $0x340  }
0x289: {  	[sflag:s5] =	ssyncset.done $0x0  }
0x28a: {  	[sflag:s5] =	ssyncadd.s32 $0xFFFFFCC0  }
0x28b: {  	_ =	swait.ge [sflag:s5], $0x340  }
0x28c: {  	[sflag:s5] =	ssyncset.done $0x0  }
0x28d: {  	[sflag:s5] =	ssyncadd.s32 $0xFFFFFCC0  }
0x28e: {  	_ =	swait.ge [sflag:s5], $0x340  }
0x28f: {  	[sflag:s5] =	ssyncset.done $0x0  }
0x290: {  	[sflag:s5] =	ssyncadd.s32 $0xFFFFFCC0  }
0x291: {  	_ =	swait.ge [sflag:s5], $0x340  }
0x292: {  	[sflag:s5] =	ssyncset.done $0x0  }
0x293: {  	[sflag:s5] =	ssyncadd.s32 $0xFFFFFCC0  }
0x294: {  	_ =	swait.ge [sflag:s5], $0x340  }
0x295: {  	[sflag:s5] =	ssyncset.done $0x0  }
0x296: {  	[sflag:s5] =	ssyncadd.s32 $0xFFFFFCC0  }
0x297: {  	_ =	swait.ge [sflag:s5], $0x340  }
0x298: {  	[sflag:s5] =	ssyncset.done $0x0  }
0x299: {  	[sflag:s5] =	ssyncadd.s32 $0xFFFFFCC0  }
0x29a: {  	_ =	swait.ge [sflag:s5], $0x340  }
0x29b: {  	[sflag:s5] =	ssyncset.done $0x0  }
0x29c: {  	[sflag:s5] =	ssyncadd.s32 $0xFFFFFCC0  }
0x29d: {  	_ =	swait.ge [sflag:s5], $0x340  }
0x29e: {  	[sflag:s5] =	ssyncset.done $0x0  }
0x29f: {  	[sflag:s5] =	ssyncadd.s32 $0xFFFFFCC0  }
0x2a0: {  	_ =	swait.ge [sflag:s5], $0x340  }
0x2a1: {  	[sflag:s5] =	ssyncset.done $0x0  }
0x2a2: {  	[sflag:s5] =	ssyncadd.s32 $0xFFFFFCC0  }
0x2a3: {  	_ =	swait.ge [sflag:s5], $0x340  }
0x2a4: {  	[sflag:s5] =	ssyncset.done $0x0  }
0x2a5: {  	s3 =	simm.s32 $0x9C00;
	s29 =	simm.s32 $0x1D40;
	[sflag:s5] =	ssyncadd.s32 $0xFFFFFCC0  }
0x2a6: {  	[tilespmem:s3], [sflag:$0x2] =	stream.indirect.gather [hbm4b:s4+s24], $0x20, s29, s24, $0xb8;
	[tilespmem:$0x1D400] =	vst v63  }
0x2a7: {  	s3 =	sadd.s32 $0x0, s22;
	_ =	swait.ge [sflag:s21], $0x6800  }
0x2a8: {  	s31 =	simm.s32 $0x200;
	s3 =	sand.u32 $0x1FFC3E00, s3;
	[sflag:s21] =	ssyncset.done $0x0  }
0x2a9: {  	s29 =	simm.s32 $0x10400;
	s3 =	sadd.s32 s3, s11;
	[sflag:s21] =	ssyncadd.s32 $0xFFFF9800  }
0x2aa: {  	[hbm4b:s3+s0] =	stream.strided.scatter [tilespmem:s29], [sflag:$0x7], $0x340, s1, s0, $0x38;
	[tilespmem:$0x1D400] =	vst v63  }
.LBB2_14:
0x2ab: {  	p0 =	sne.s32 s31, $0x3E00  }
.Ltmp6:
0x2ac: {  	_ = 	snop;
	(pc) =	sbr.rel @p0 .LBB2_14-.Ltmp6, $4  }
0x2ad: {  	s3 =	sadd.s32 s31, s22  }
0x2ae: {  	s3 =	sand.u32 $0x1FFC3E00, s3  }
0x2af: {  	s31 =	sadd.s32 $0x200, s31;
	s29 =	sadd.s32 $0x340, s29;
	s3 =	sadd.s32 s3, s11  }
0x2b0: {  	[hbm4b:s3+s0] =	stream.strided.scatter [tilespmem:s29], [sflag:$0x7], $0x340, s1, s0, $0x38;
	[tilespmem:$0x1D400] =	vst v63  }
0x2b1: {  	_ =	swait.ge [sflag:s23], $0x340  }
0x2b2: {  	[sflag:s23] =	ssyncset.done $0x0  }
0x2b3: {  	[sflag:s23] =	ssyncadd.s32 $0xFFFFFCC0  }
0x2b4: {  	_ =	swait.ge [sflag:s23], $0x340  }
0x2b5: {  	[sflag:s23] =	ssyncset.done $0x0  }
0x2b6: {  	[sflag:s23] =	ssyncadd.s32 $0xFFFFFCC0  }
0x2b7: {  	_ =	swait.ge [sflag:s23], $0x340  }
0x2b8: {  	[sflag:s23] =	ssyncset.done $0x0  }
0x2b9: {  	[sflag:s23] =	ssyncadd.s32 $0xFFFFFCC0  }
0x2ba: {  	_ =	swait.ge [sflag:s23], $0x340  }
0x2bb: {  	[sflag:s23] =	ssyncset.done $0x0  }
0x2bc: {  	[sflag:s23] =	ssyncadd.s32 $0xFFFFFCC0  }
0x2bd: {  	_ =	swait.ge [sflag:s23], $0x340  }
0x2be: {  	[sflag:s23] =	ssyncset.done $0x0  }
0x2bf: {  	[sflag:s23] =	ssyncadd.s32 $0xFFFFFCC0  }
0x2c0: {  	_ =	swait.ge [sflag:s23], $0x340  }
0x2c1: {  	[sflag:s23] =	ssyncset.done $0x0  }
0x2c2: {  	[sflag:s23] =	ssyncadd.s32 $0xFFFFFCC0  }
0x2c3: {  	_ =	swait.ge [sflag:s23], $0x340  }
0x2c4: {  	[sflag:s23] =	ssyncset.done $0x0  }
0x2c5: {  	[sflag:s23] =	ssyncadd.s32 $0xFFFFFCC0  }
0x2c6: {  	_ =	swait.ge [sflag:s23], $0x340  }
0x2c7: {  	[sflag:s23] =	ssyncset.done $0x0  }
0x2c8: {  	[sflag:s23] =	ssyncadd.s32 $0xFFFFFCC0  }
0x2c9: {  	_ =	swait.ge [sflag:s23], $0x340  }
0x2ca: {  	[sflag:s23] =	ssyncset.done $0x0  }
0x2cb: {  	[sflag:s23] =	ssyncadd.s32 $0xFFFFFCC0  }
0x2cc: {  	_ =	swait.ge [sflag:s23], $0x340  }
0x2cd: {  	[sflag:s23] =	ssyncset.done $0x0  }
0x2ce: {  	[sflag:s23] =	ssyncadd.s32 $0xFFFFFCC0  }
0x2cf: {  	_ =	swait.ge [sflag:s23], $0x340  }
0x2d0: {  	[sflag:s23] =	ssyncset.done $0x0  }
0x2d1: {  	[sflag:s23] =	ssyncadd.s32 $0xFFFFFCC0  }
0x2d2: {  	_ =	swait.ge [sflag:s23], $0x340  }
0x2d3: {  	[sflag:s23] =	ssyncset.done $0x0  }
0x2d4: {  	[sflag:s23] =	ssyncadd.s32 $0xFFFFFCC0  }
0x2d5: {  	_ =	swait.ge [sflag:s23], $0x340  }
0x2d6: {  	[sflag:s23] =	ssyncset.done $0x0  }
0x2d7: {  	[sflag:s23] =	ssyncadd.s32 $0xFFFFFCC0  }
0x2d8: {  	_ =	swait.ge [sflag:s23], $0x340  }
0x2d9: {  	[sflag:s23] =	ssyncset.done $0x0  }
0x2da: {  	[sflag:s23] =	ssyncadd.s32 $0xFFFFFCC0  }
0x2db: {  	_ =	swait.ge [sflag:s23], $0x340  }
0x2dc: {  	[sflag:s23] =	ssyncset.done $0x0  }
0x2dd: {  	[sflag:s23] =	ssyncadd.s32 $0xFFFFFCC0  }
0x2de: {  	_ =	swait.ge [sflag:s23], $0x340  }
0x2df: {  	[sflag:s23] =	ssyncset.done $0x0  }
0x2e0: {  	[sflag:s23] =	ssyncadd.s32 $0xFFFFFCC0  }
0x2e1: {  	_ =	swait.ge [sflag:s23], $0x340  }
0x2e2: {  	[sflag:s23] =	ssyncset.done $0x0  }
0x2e3: {  	[sflag:s23] =	ssyncadd.s32 $0xFFFFFCC0  }
0x2e4: {  	_ =	swait.ge [sflag:s23], $0x340  }
0x2e5: {  	[sflag:s23] =	ssyncset.done $0x0  }
0x2e6: {  	[sflag:s23] =	ssyncadd.s32 $0xFFFFFCC0  }
0x2e7: {  	_ =	swait.ge [sflag:s23], $0x340  }
0x2e8: {  	[sflag:s23] =	ssyncset.done $0x0  }
0x2e9: {  	[sflag:s23] =	ssyncadd.s32 $0xFFFFFCC0  }
0x2ea: {  	_ =	swait.ge [sflag:s23], $0x340  }
0x2eb: {  	[sflag:s23] =	ssyncset.done $0x0  }
0x2ec: {  	[sflag:s23] =	ssyncadd.s32 $0xFFFFFCC0  }
0x2ed: {  	_ =	swait.ge [sflag:s23], $0x340  }
0x2ee: {  	[sflag:s23] =	ssyncset.done $0x0  }
0x2ef: {  	[sflag:s23] =	ssyncadd.s32 $0xFFFFFCC0  }
0x2f0: {  	_ =	swait.ge [sflag:s23], $0x340  }
0x2f1: {  	[sflag:s23] =	ssyncset.done $0x0  }
0x2f2: {  	[sflag:s23] =	ssyncadd.s32 $0xFFFFFCC0  }
0x2f3: {  	_ =	swait.ge [sflag:s23], $0x340  }
0x2f4: {  	[sflag:s23] =	ssyncset.done $0x0  }
0x2f5: {  	[sflag:s23] =	ssyncadd.s32 $0xFFFFFCC0  }
0x2f6: {  	_ =	swait.ge [sflag:s23], $0x340  }
0x2f7: {  	[sflag:s23] =	ssyncset.done $0x0  }
0x2f8: {  	[sflag:s23] =	ssyncadd.s32 $0xFFFFFCC0  }
0x2f9: {  	_ =	swait.ge [sflag:s23], $0x340  }
0x2fa: {  	[sflag:s23] =	ssyncset.done $0x0  }
0x2fb: {  	[sflag:s23] =	ssyncadd.s32 $0xFFFFFCC0  }
0x2fc: {  	_ =	swait.ge [sflag:s23], $0x340  }
0x2fd: {  	[sflag:s23] =	ssyncset.done $0x0  }
0x2fe: {  	[sflag:s23] =	ssyncadd.s32 $0xFFFFFCC0  }
0x2ff: {  	_ =	swait.ge [sflag:s23], $0x340  }
0x300: {  	[sflag:s23] =	ssyncset.done $0x0  }
0x301: {  	[sflag:s23] =	ssyncadd.s32 $0xFFFFFCC0  }
0x302: {  	_ =	swait.ge [sflag:s23], $0x340  }
0x303: {  	[sflag:s23] =	ssyncset.done $0x0  }
0x304: {  	[sflag:s23] =	ssyncadd.s32 $0xFFFFFCC0  }
0x305: {  	_ =	swait.ge [sflag:s23], $0x340  }
0x306: {  	[sflag:s23] =	ssyncset.done $0x0  }
0x307: {  	[sflag:s23] =	ssyncadd.s32 $0xFFFFFCC0  }
0x308: {  	_ =	swait.ge [sflag:s23], $0x340  }
0x309: {  	[sflag:s23] =	ssyncset.done $0x0  }
0x30a: {  	[sflag:s23] =	ssyncadd.s32 $0xFFFFFCC0  }
0x30b: {  	_ =	swait.ge [sflag:s23], $0x340  }
0x30c: {  	[sflag:s23] =	ssyncset.done $0x0  }
0x30d: {  	[sflag:s23] =	ssyncadd.s32 $0xFFFFFCC0  }
0x30e: {  	_ =	swait.ge [sflag:s23], $0x340  }
0x30f: {  	[sflag:s23] =	ssyncset.done $0x0  }
0x310: {  	s3 =	simm.s32 $0x10400;
	s29 =	simm.s32 $0x2080;
	[sflag:s23] =	ssyncadd.s32 $0xFFFFFCC0  }
0x311: {  	[tilespmem:s3], [sflag:$0x3] =	stream.indirect.gather [hbm4b:s4+s24], $0x20, s29, s24, $0xb8;
	[tilespmem:$0x1D400] =	vst v63  }
0x312: {  	s3 =	sadd.s32 $0x0, s22;
	_ =	swait.ge [sflag:s25], $0x6800  }
0x313: {  	s31 =	simm.s32 $0x200;
	s3 =	sand.u32 $0x1FFC3E00, s3;
	[sflag:s25] =	ssyncset.done $0x0  }
0x314: {  	s29 =	simm.s32 $0x16C00;
	s3 =	sadd.s32 s3, s12;
	[sflag:s25] =	ssyncadd.s32 $0xFFFF9800  }
0x315: {  	[hbm4b:s3+s0] =	stream.strided.scatter [tilespmem:s29], [sflag:$0x8], $0x340, s1, s0, $0x38;
	[tilespmem:$0x1D400] =	vst v63  }
.LBB2_16:
0x316: {  	p0 =	sne.s32 s31, $0x3E00  }
.Ltmp7:
0x317: {  	_ = 	snop;
	(pc) =	sbr.rel @p0 .LBB2_16-.Ltmp7, $4  }
0x318: {  	s3 =	sadd.s32 s31, s22  }
0x319: {  	s3 =	sand.u32 $0x1FFC3E00, s3  }
0x31a: {  	s31 =	sadd.s32 $0x200, s31;
	s29 =	sadd.s32 $0x340, s29;
	s3 =	sadd.s32 s3, s12  }
0x31b: {  	[hbm4b:s3+s0] =	stream.strided.scatter [tilespmem:s29], [sflag:$0x8], $0x340, s1, s0, $0x38;
	[tilespmem:$0x1D400] =	vst v63  }
0x31c: {  	_ =	swait.ge [sflag:s28], $0x340  }
0x31d: {  	[sflag:s28] =	ssyncset.done $0x0  }
0x31e: {  	[sflag:s28] =	ssyncadd.s32 $0xFFFFFCC0  }
0x31f: {  	_ =	swait.ge [sflag:s28], $0x340  }
0x320: {  	[sflag:s28] =	ssyncset.done $0x0  }
0x321: {  	[sflag:s28] =	ssyncadd.s32 $0xFFFFFCC0  }
0x322: {  	_ =	swait.ge [sflag:s28], $0x340  }
0x323: {  	[sflag:s28] =	ssyncset.done $0x0  }
0x324: {  	[sflag:s28] =	ssyncadd.s32 $0xFFFFFCC0  }
0x325: {  	_ =	swait.ge [sflag:s28], $0x340  }
0x326: {  	[sflag:s28] =	ssyncset.done $0x0  }
0x327: {  	[sflag:s28] =	ssyncadd.s32 $0xFFFFFCC0  }
0x328: {  	_ =	swait.ge [sflag:s28], $0x340  }
0x329: {  	[sflag:s28] =	ssyncset.done $0x0  }
0x32a: {  	[sflag:s28] =	ssyncadd.s32 $0xFFFFFCC0  }
0x32b: {  	_ =	swait.ge [sflag:s28], $0x340  }
0x32c: {  	[sflag:s28] =	ssyncset.done $0x0  }
0x32d: {  	[sflag:s28] =	ssyncadd.s32 $0xFFFFFCC0  }
0x32e: {  	_ =	swait.ge [sflag:s28], $0x340  }
0x32f: {  	[sflag:s28] =	ssyncset.done $0x0  }
0x330: {  	[sflag:s28] =	ssyncadd.s32 $0xFFFFFCC0  }
0x331: {  	_ =	swait.ge [sflag:s28], $0x340  }
0x332: {  	[sflag:s28] =	ssyncset.done $0x0  }
0x333: {  	[sflag:s28] =	ssyncadd.s32 $0xFFFFFCC0  }
0x334: {  	_ =	swait.ge [sflag:s28], $0x340  }
0x335: {  	[sflag:s28] =	ssyncset.done $0x0  }
0x336: {  	[sflag:s28] =	ssyncadd.s32 $0xFFFFFCC0  }
0x337: {  	_ =	swait.ge [sflag:s28], $0x340  }
0x338: {  	[sflag:s28] =	ssyncset.done $0x0  }
0x339: {  	[sflag:s28] =	ssyncadd.s32 $0xFFFFFCC0  }
0x33a: {  	_ =	swait.ge [sflag:s28], $0x340  }
0x33b: {  	[sflag:s28] =	ssyncset.done $0x0  }
0x33c: {  	[sflag:s28] =	ssyncadd.s32 $0xFFFFFCC0  }
0x33d: {  	_ =	swait.ge [sflag:s28], $0x340  }
0x33e: {  	[sflag:s28] =	ssyncset.done $0x0  }
0x33f: {  	[sflag:s28] =	ssyncadd.s32 $0xFFFFFCC0  }
0x340: {  	_ =	swait.ge [sflag:s28], $0x340  }
0x341: {  	[sflag:s28] =	ssyncset.done $0x0  }
0x342: {  	[sflag:s28] =	ssyncadd.s32 $0xFFFFFCC0  }
0x343: {  	_ =	swait.ge [sflag:s28], $0x340  }
0x344: {  	[sflag:s28] =	ssyncset.done $0x0  }
0x345: {  	[sflag:s28] =	ssyncadd.s32 $0xFFFFFCC0  }
0x346: {  	_ =	swait.ge [sflag:s28], $0x340  }
0x347: {  	[sflag:s28] =	ssyncset.done $0x0  }
0x348: {  	[sflag:s28] =	ssyncadd.s32 $0xFFFFFCC0  }
0x349: {  	_ =	swait.ge [sflag:s28], $0x340  }
0x34a: {  	[sflag:s28] =	ssyncset.done $0x0  }
0x34b: {  	[sflag:s28] =	ssyncadd.s32 $0xFFFFFCC0  }
0x34c: {  	_ =	swait.ge [sflag:s28], $0x340  }
0x34d: {  	[sflag:s28] =	ssyncset.done $0x0  }
0x34e: {  	[sflag:s28] =	ssyncadd.s32 $0xFFFFFCC0  }
0x34f: {  	_ =	swait.ge [sflag:s28], $0x340  }
0x350: {  	[sflag:s28] =	ssyncset.done $0x0  }
0x351: {  	[sflag:s28] =	ssyncadd.s32 $0xFFFFFCC0  }
0x352: {  	_ =	swait.ge [sflag:s28], $0x340  }
0x353: {  	[sflag:s28] =	ssyncset.done $0x0  }
0x354: {  	[sflag:s28] =	ssyncadd.s32 $0xFFFFFCC0  }
0x355: {  	_ =	swait.ge [sflag:s28], $0x340  }
0x356: {  	[sflag:s28] =	ssyncset.done $0x0  }
0x357: {  	[sflag:s28] =	ssyncadd.s32 $0xFFFFFCC0  }
0x358: {  	_ =	swait.ge [sflag:s28], $0x340  }
0x359: {  	[sflag:s28] =	ssyncset.done $0x0  }
0x35a: {  	[sflag:s28] =	ssyncadd.s32 $0xFFFFFCC0  }
0x35b: {  	_ =	swait.ge [sflag:s28], $0x340  }
0x35c: {  	[sflag:s28] =	ssyncset.done $0x0  }
0x35d: {  	[sflag:s28] =	ssyncadd.s32 $0xFFFFFCC0  }
0x35e: {  	_ =	swait.ge [sflag:s28], $0x340  }
0x35f: {  	[sflag:s28] =	ssyncset.done $0x0  }
0x360: {  	[sflag:s28] =	ssyncadd.s32 $0xFFFFFCC0  }
0x361: {  	_ =	swait.ge [sflag:s28], $0x340  }
0x362: {  	[sflag:s28] =	ssyncset.done $0x0  }
0x363: {  	[sflag:s28] =	ssyncadd.s32 $0xFFFFFCC0  }
0x364: {  	_ =	swait.ge [sflag:s28], $0x340  }
0x365: {  	[sflag:s28] =	ssyncset.done $0x0  }
0x366: {  	[sflag:s28] =	ssyncadd.s32 $0xFFFFFCC0  }
0x367: {  	_ =	swait.ge [sflag:s28], $0x340  }
0x368: {  	[sflag:s28] =	ssyncset.done $0x0  }
0x369: {  	[sflag:s28] =	ssyncadd.s32 $0xFFFFFCC0  }
0x36a: {  	_ =	swait.ge [sflag:s28], $0x340  }
0x36b: {  	[sflag:s28] =	ssyncset.done $0x0  }
0x36c: {  	[sflag:s28] =	ssyncadd.s32 $0xFFFFFCC0  }
0x36d: {  	_ =	swait.ge [sflag:s28], $0x340  }
0x36e: {  	[sflag:s28] =	ssyncset.done $0x0  }
0x36f: {  	[sflag:s28] =	ssyncadd.s32 $0xFFFFFCC0  }
0x370: {  	_ =	swait.ge [sflag:s28], $0x340  }
0x371: {  	[sflag:s28] =	ssyncset.done $0x0  }
0x372: {  	[sflag:s28] =	ssyncadd.s32 $0xFFFFFCC0  }
0x373: {  	_ =	swait.ge [sflag:s28], $0x340  }
0x374: {  	[sflag:s28] =	ssyncset.done $0x0  }
0x375: {  	[sflag:s28] =	ssyncadd.s32 $0xFFFFFCC0  }
0x376: {  	_ =	swait.ge [sflag:s28], $0x340  }
0x377: {  	[sflag:s28] =	ssyncset.done $0x0  }
0x378: {  	[sflag:s28] =	ssyncadd.s32 $0xFFFFFCC0  }
0x379: {  	_ =	swait.ge [sflag:s28], $0x340  }
0x37a: {  	[sflag:s28] =	ssyncset.done $0x0  }
0x37b: {  	s3 =	simm.s32 $0x16C00;
	s29 =	simm.s32 $0x23C0;
	[sflag:s28] =	ssyncadd.s32 $0xFFFFFCC0  }
0x37c: {  	[tilespmem:s3], [sflag:$0x4] =	stream.indirect.gather [hbm4b:s4+s24], $0x20, s29, s24, $0xb8;
	[tilespmem:$0x1D400] =	vst v63  }
0x37d: {  	s29 =	simm.s32 $0x1  }
0x37e: {  	s3 =	sadd.s32 $0x0, s22;
	_ =	swait.ge [sflag:s29], $0x6800  }
0x37f: {  	s31 =	simm.s32 $0x200;
	s3 =	sand.u32 $0x1FFC3E00, s3;
	[sflag:s29] =	ssyncset.done $0x0  }
0x380: {  	s3 =	sadd.s32 s3, s13;
	[sflag:s29] =	ssyncadd.s32 $0xFFFF9800;
	s29 =	simm.s32 $0x3400  }
0x381: {  	[hbm4b:s3+s0] =	stream.strided.scatter [tilespmem:s29], [sflag:$0x5], $0x340, s1, s0, $0x38;
	[tilespmem:$0x1D400] =	vst v63  }
.LBB2_18:
0x382: {  	p0 =	sne.s32 s31, $0x3E00  }
.Ltmp8:
0x383: {  	_ = 	snop;
	(pc) =	sbr.rel @p0 .LBB2_18-.Ltmp8, $4  }
0x384: {  	s3 =	sadd.s32 s31, s22  }
0x385: {  	s3 =	sand.u32 $0x1FFC3E00, s3  }
0x386: {  	s31 =	sadd.s32 $0x200, s31;
	s29 =	sadd.s32 $0x340, s29;
	s3 =	sadd.s32 s3, s13  }
0x387: {  	[hbm4b:s3+s0] =	stream.strided.scatter [tilespmem:s29], [sflag:$0x5], $0x340, s1, s0, $0x38;
	[tilespmem:$0x1D400] =	vst v63  }
0x388: {  	_ =	swait.ge [sflag:s26], $0x340  }
0x389: {  	[sflag:s26] =	ssyncset.done $0x0  }
0x38a: {  	[sflag:s26] =	ssyncadd.s32 $0xFFFFFCC0  }
0x38b: {  	_ =	swait.ge [sflag:s26], $0x340  }
0x38c: {  	[sflag:s26] =	ssyncset.done $0x0  }
0x38d: {  	[sflag:s26] =	ssyncadd.s32 $0xFFFFFCC0  }
0x38e: {  	_ =	swait.ge [sflag:s26], $0x340  }
0x38f: {  	[sflag:s26] =	ssyncset.done $0x0  }
0x390: {  	[sflag:s26] =	ssyncadd.s32 $0xFFFFFCC0  }
0x391: {  	_ =	swait.ge [sflag:s26], $0x340  }
0x392: {  	[sflag:s26] =	ssyncset.done $0x0  }
0x393: {  	[sflag:s26] =	ssyncadd.s32 $0xFFFFFCC0  }
0x394: {  	_ =	swait.ge [sflag:s26], $0x340  }
0x395: {  	[sflag:s26] =	ssyncset.done $0x0  }
0x396: {  	[sflag:s26] =	ssyncadd.s32 $0xFFFFFCC0  }
0x397: {  	_ =	swait.ge [sflag:s26], $0x340  }
0x398: {  	[sflag:s26] =	ssyncset.done $0x0  }
0x399: {  	[sflag:s26] =	ssyncadd.s32 $0xFFFFFCC0  }
0x39a: {  	_ =	swait.ge [sflag:s26], $0x340  }
0x39b: {  	[sflag:s26] =	ssyncset.done $0x0  }
0x39c: {  	[sflag:s26] =	ssyncadd.s32 $0xFFFFFCC0  }
0x39d: {  	_ =	swait.ge [sflag:s26], $0x340  }
0x39e: {  	[sflag:s26] =	ssyncset.done $0x0  }
0x39f: {  	[sflag:s26] =	ssyncadd.s32 $0xFFFFFCC0  }
0x3a0: {  	_ =	swait.ge [sflag:s26], $0x340  }
0x3a1: {  	[sflag:s26] =	ssyncset.done $0x0  }
0x3a2: {  	[sflag:s26] =	ssyncadd.s32 $0xFFFFFCC0  }
0x3a3: {  	_ =	swait.ge [sflag:s26], $0x340  }
0x3a4: {  	[sflag:s26] =	ssyncset.done $0x0  }
0x3a5: {  	[sflag:s26] =	ssyncadd.s32 $0xFFFFFCC0  }
0x3a6: {  	_ =	swait.ge [sflag:s26], $0x340  }
0x3a7: {  	[sflag:s26] =	ssyncset.done $0x0  }
0x3a8: {  	[sflag:s26] =	ssyncadd.s32 $0xFFFFFCC0  }
0x3a9: {  	_ =	swait.ge [sflag:s26], $0x340  }
0x3aa: {  	[sflag:s26] =	ssyncset.done $0x0  }
0x3ab: {  	[sflag:s26] =	ssyncadd.s32 $0xFFFFFCC0  }
0x3ac: {  	_ =	swait.ge [sflag:s26], $0x340  }
0x3ad: {  	[sflag:s26] =	ssyncset.done $0x0  }
0x3ae: {  	[sflag:s26] =	ssyncadd.s32 $0xFFFFFCC0  }
0x3af: {  	_ =	swait.ge [sflag:s26], $0x340  }
0x3b0: {  	[sflag:s26] =	ssyncset.done $0x0  }
0x3b1: {  	[sflag:s26] =	ssyncadd.s32 $0xFFFFFCC0  }
0x3b2: {  	_ =	swait.ge [sflag:s26], $0x340  }
0x3b3: {  	[sflag:s26] =	ssyncset.done $0x0  }
0x3b4: {  	[sflag:s26] =	ssyncadd.s32 $0xFFFFFCC0  }
0x3b5: {  	_ =	swait.ge [sflag:s26], $0x340  }
0x3b6: {  	[sflag:s26] =	ssyncset.done $0x0  }
0x3b7: {  	[sflag:s26] =	ssyncadd.s32 $0xFFFFFCC0  }
0x3b8: {  	_ =	swait.ge [sflag:s26], $0x340  }
0x3b9: {  	[sflag:s26] =	ssyncset.done $0x0  }
0x3ba: {  	[sflag:s26] =	ssyncadd.s32 $0xFFFFFCC0  }
0x3bb: {  	_ =	swait.ge [sflag:s26], $0x340  }
0x3bc: {  	[sflag:s26] =	ssyncset.done $0x0  }
0x3bd: {  	[sflag:s26] =	ssyncadd.s32 $0xFFFFFCC0  }
0x3be: {  	_ =	swait.ge [sflag:s26], $0x340  }
0x3bf: {  	[sflag:s26] =	ssyncset.done $0x0  }
0x3c0: {  	[sflag:s26] =	ssyncadd.s32 $0xFFFFFCC0  }
0x3c1: {  	_ =	swait.ge [sflag:s26], $0x340  }
0x3c2: {  	[sflag:s26] =	ssyncset.done $0x0  }
0x3c3: {  	[sflag:s26] =	ssyncadd.s32 $0xFFFFFCC0  }
0x3c4: {  	_ =	swait.ge [sflag:s26], $0x340  }
0x3c5: {  	[sflag:s26] =	ssyncset.done $0x0  }
0x3c6: {  	[sflag:s26] =	ssyncadd.s32 $0xFFFFFCC0  }
0x3c7: {  	_ =	swait.ge [sflag:s26], $0x340  }
0x3c8: {  	[sflag:s26] =	ssyncset.done $0x0  }
0x3c9: {  	[sflag:s26] =	ssyncadd.s32 $0xFFFFFCC0  }
0x3ca: {  	_ =	swait.ge [sflag:s26], $0x340  }
0x3cb: {  	[sflag:s26] =	ssyncset.done $0x0  }
0x3cc: {  	[sflag:s26] =	ssyncadd.s32 $0xFFFFFCC0  }
0x3cd: {  	_ =	swait.ge [sflag:s26], $0x340  }
0x3ce: {  	[sflag:s26] =	ssyncset.done $0x0  }
0x3cf: {  	[sflag:s26] =	ssyncadd.s32 $0xFFFFFCC0  }
0x3d0: {  	_ =	swait.ge [sflag:s26], $0x340  }
0x3d1: {  	[sflag:s26] =	ssyncset.done $0x0  }
0x3d2: {  	[sflag:s26] =	ssyncadd.s32 $0xFFFFFCC0  }
0x3d3: {  	_ =	swait.ge [sflag:s26], $0x340  }
0x3d4: {  	[sflag:s26] =	ssyncset.done $0x0  }
0x3d5: {  	[sflag:s26] =	ssyncadd.s32 $0xFFFFFCC0  }
0x3d6: {  	_ =	swait.ge [sflag:s26], $0x340  }
0x3d7: {  	[sflag:s26] =	ssyncset.done $0x0  }
0x3d8: {  	[sflag:s26] =	ssyncadd.s32 $0xFFFFFCC0  }
0x3d9: {  	_ =	swait.ge [sflag:s26], $0x340  }
0x3da: {  	[sflag:s26] =	ssyncset.done $0x0  }
0x3db: {  	[sflag:s26] =	ssyncadd.s32 $0xFFFFFCC0  }
0x3dc: {  	_ =	swait.ge [sflag:s26], $0x340  }
0x3dd: {  	[sflag:s26] =	ssyncset.done $0x0  }
0x3de: {  	[sflag:s26] =	ssyncadd.s32 $0xFFFFFCC0  }
0x3df: {  	_ =	swait.ge [sflag:s26], $0x340  }
0x3e0: {  	[sflag:s26] =	ssyncset.done $0x0  }
0x3e1: {  	[sflag:s26] =	ssyncadd.s32 $0xFFFFFCC0  }
0x3e2: {  	_ =	swait.ge [sflag:s26], $0x340  }
0x3e3: {  	[sflag:s26] =	ssyncset.done $0x0  }
0x3e4: {  	[sflag:s26] =	ssyncadd.s32 $0xFFFFFCC0  }
0x3e5: {  	_ =	swait.ge [sflag:s26], $0x340  }
0x3e6: {  	[sflag:s26] =	ssyncset.done $0x0  }
0x3e7: {  	s3 =	simm.s32 $0x3400;
	s29 =	simm.s32 $0x2700;
	[sflag:s26] =	ssyncadd.s32 $0xFFFFFCC0  }
0x3e8: {  	[tilespmem:s3], [sflag:$0x1] =	stream.indirect.gather [hbm4b:s4+s24], $0x20, s29, s24, $0xb8;
	[tilespmem:$0x1D400] =	vst v63  }
0x3e9: {  	s29 =	simm.s32 $0x2  }
0x3ea: {  	s3 =	sadd.s32 $0x0, s22;
	_ =	swait.ge [sflag:s29], $0x6800  }
0x3eb: {  	s31 =	simm.s32 $0x200;
	s3 =	sand.u32 $0x1FFC3E00, s3;
	[sflag:s29] =	ssyncset.done $0x0  }
0x3ec: {  	s3 =	sadd.s32 s3, s14;
	[sflag:s29] =	ssyncadd.s32 $0xFFFF9800;
	s29 =	simm.s32 $0x9C00  }
0x3ed: {  	[hbm4b:s3+s0] =	stream.strided.scatter [tilespmem:s29], [sflag:$0x6], $0x340, s1, s0, $0x38;
	[tilespmem:$0x1D400] =	vst v63  }
.LBB2_20:
0x3ee: {  	p0 =	sne.s32 s31, $0x3E00  }
.Ltmp9:
0x3ef: {  	_ = 	snop;
	(pc) =	sbr.rel @p0 .LBB2_20-.Ltmp9, $4  }
0x3f0: {  	s3 =	sadd.s32 s31, s22  }
0x3f1: {  	s3 =	sand.u32 $0x1FFC3E00, s3  }
0x3f2: {  	s31 =	sadd.s32 $0x200, s31;
	s29 =	sadd.s32 $0x340, s29;
	s3 =	sadd.s32 s3, s14  }
0x3f3: {  	[hbm4b:s3+s0] =	stream.strided.scatter [tilespmem:s29], [sflag:$0x6], $0x340, s1, s0, $0x38;
	[tilespmem:$0x1D400] =	vst v63  }
0x3f4: {  	_ =	swait.ge [sflag:s5], $0x340  }
0x3f5: {  	[sflag:s5] =	ssyncset.done $0x0  }
0x3f6: {  	[sflag:s5] =	ssyncadd.s32 $0xFFFFFCC0  }
0x3f7: {  	_ =	swait.ge [sflag:s5], $0x340  }
0x3f8: {  	[sflag:s5] =	ssyncset.done $0x0  }
0x3f9: {  	[sflag:s5] =	ssyncadd.s32 $0xFFFFFCC0  }
0x3fa: {  	_ =	swait.ge [sflag:s5], $0x340  }
0x3fb: {  	[sflag:s5] =	ssyncset.done $0x0  }
0x3fc: {  	[sflag:s5] =	ssyncadd.s32 $0xFFFFFCC0  }
0x3fd: {  	_ =	swait.ge [sflag:s5], $0x340  }
0x3fe: {  	[sflag:s5] =	ssyncset.done $0x0  }
0x3ff: {  	[sflag:s5] =	ssyncadd.s32 $0xFFFFFCC0  }
0x400: {  	_ =	swait.ge [sflag:s5], $0x340  }
0x401: {  	[sflag:s5] =	ssyncset.done $0x0  }
0x402: {  	[sflag:s5] =	ssyncadd.s32 $0xFFFFFCC0  }
0x403: {  	_ =	swait.ge [sflag:s5], $0x340  }
0x404: {  	[sflag:s5] =	ssyncset.done $0x0  }
0x405: {  	[sflag:s5] =	ssyncadd.s32 $0xFFFFFCC0  }
0x406: {  	_ =	swait.ge [sflag:s5], $0x340  }
0x407: {  	[sflag:s5] =	ssyncset.done $0x0  }
0x408: {  	[sflag:s5] =	ssyncadd.s32 $0xFFFFFCC0  }
0x409: {  	_ =	swait.ge [sflag:s5], $0x340  }
0x40a: {  	[sflag:s5] =	ssyncset.done $0x0  }
0x40b: {  	[sflag:s5] =	ssyncadd.s32 $0xFFFFFCC0  }
0x40c: {  	_ =	swait.ge [sflag:s5], $0x340  }
0x40d: {  	[sflag:s5] =	ssyncset.done $0x0  }
0x40e: {  	[sflag:s5] =	ssyncadd.s32 $0xFFFFFCC0  }
0x40f: {  	_ =	swait.ge [sflag:s5], $0x340  }
0x410: {  	[sflag:s5] =	ssyncset.done $0x0  }
0x411: {  	[sflag:s5] =	ssyncadd.s32 $0xFFFFFCC0  }
0x412: {  	_ =	swait.ge [sflag:s5], $0x340  }
0x413: {  	[sflag:s5] =	ssyncset.done $0x0  }
0x414: {  	[sflag:s5] =	ssyncadd.s32 $0xFFFFFCC0  }
0x415: {  	_ =	swait.ge [sflag:s5], $0x340  }
0x416: {  	[sflag:s5] =	ssyncset.done $0x0  }
0x417: {  	[sflag:s5] =	ssyncadd.s32 $0xFFFFFCC0  }
0x418: {  	_ =	swait.ge [sflag:s5], $0x340  }
0x419: {  	[sflag:s5] =	ssyncset.done $0x0  }
0x41a: {  	[sflag:s5] =	ssyncadd.s32 $0xFFFFFCC0  }
0x41b: {  	_ =	swait.ge [sflag:s5], $0x340  }
0x41c: {  	[sflag:s5] =	ssyncset.done $0x0  }
0x41d: {  	[sflag:s5] =	ssyncadd.s32 $0xFFFFFCC0  }
0x41e: {  	_ =	swait.ge [sflag:s5], $0x340  }
0x41f: {  	[sflag:s5] =	ssyncset.done $0x0  }
0x420: {  	[sflag:s5] =	ssyncadd.s32 $0xFFFFFCC0  }
0x421: {  	_ =	swait.ge [sflag:s5], $0x340  }
0x422: {  	[sflag:s5] =	ssyncset.done $0x0  }
0x423: {  	[sflag:s5] =	ssyncadd.s32 $0xFFFFFCC0  }
0x424: {  	_ =	swait.ge [sflag:s5], $0x340  }
0x425: {  	[sflag:s5] =	ssyncset.done $0x0  }
0x426: {  	[sflag:s5] =	ssyncadd.s32 $0xFFFFFCC0  }
0x427: {  	_ =	swait.ge [sflag:s5], $0x340  }
0x428: {  	[sflag:s5] =	ssyncset.done $0x0  }
0x429: {  	[sflag:s5] =	ssyncadd.s32 $0xFFFFFCC0  }
0x42a: {  	_ =	swait.ge [sflag:s5], $0x340  }
0x42b: {  	[sflag:s5] =	ssyncset.done $0x0  }
0x42c: {  	[sflag:s5] =	ssyncadd.s32 $0xFFFFFCC0  }
0x42d: {  	_ =	swait.ge [sflag:s5], $0x340  }
0x42e: {  	[sflag:s5] =	ssyncset.done $0x0  }
0x42f: {  	[sflag:s5] =	ssyncadd.s32 $0xFFFFFCC0  }
0x430: {  	_ =	swait.ge [sflag:s5], $0x340  }
0x431: {  	[sflag:s5] =	ssyncset.done $0x0  }
0x432: {  	[sflag:s5] =	ssyncadd.s32 $0xFFFFFCC0  }
0x433: {  	_ =	swait.ge [sflag:s5], $0x340  }
0x434: {  	[sflag:s5] =	ssyncset.done $0x0  }
0x435: {  	[sflag:s5] =	ssyncadd.s32 $0xFFFFFCC0  }
0x436: {  	_ =	swait.ge [sflag:s5], $0x340  }
0x437: {  	[sflag:s5] =	ssyncset.done $0x0  }
0x438: {  	[sflag:s5] =	ssyncadd.s32 $0xFFFFFCC0  }
0x439: {  	_ =	swait.ge [sflag:s5], $0x340  }
0x43a: {  	[sflag:s5] =	ssyncset.done $0x0  }
0x43b: {  	[sflag:s5] =	ssyncadd.s32 $0xFFFFFCC0  }
0x43c: {  	_ =	swait.ge [sflag:s5], $0x340  }
0x43d: {  	[sflag:s5] =	ssyncset.done $0x0  }
0x43e: {  	[sflag:s5] =	ssyncadd.s32 $0xFFFFFCC0  }
0x43f: {  	_ =	swait.ge [sflag:s5], $0x340  }
0x440: {  	[sflag:s5] =	ssyncset.done $0x0  }
0x441: {  	[sflag:s5] =	ssyncadd.s32 $0xFFFFFCC0  }
0x442: {  	_ =	swait.ge [sflag:s5], $0x340  }
0x443: {  	[sflag:s5] =	ssyncset.done $0x0  }
0x444: {  	[sflag:s5] =	ssyncadd.s32 $0xFFFFFCC0  }
0x445: {  	_ =	swait.ge [sflag:s5], $0x340  }
0x446: {  	[sflag:s5] =	ssyncset.done $0x0  }
0x447: {  	[sflag:s5] =	ssyncadd.s32 $0xFFFFFCC0  }
0x448: {  	_ =	swait.ge [sflag:s5], $0x340  }
0x449: {  	[sflag:s5] =	ssyncset.done $0x0  }
0x44a: {  	[sflag:s5] =	ssyncadd.s32 $0xFFFFFCC0  }
0x44b: {  	_ =	swait.ge [sflag:s5], $0x340  }
0x44c: {  	[sflag:s5] =	ssyncset.done $0x0  }
0x44d: {  	[sflag:s5] =	ssyncadd.s32 $0xFFFFFCC0  }
0x44e: {  	_ =	swait.ge [sflag:s5], $0x340  }
0x44f: {  	[sflag:s5] =	ssyncset.done $0x0  }
0x450: {  	[sflag:s5] =	ssyncadd.s32 $0xFFFFFCC0  }
0x451: {  	_ =	swait.ge [sflag:s5], $0x340  }
0x452: {  	[sflag:s5] =	ssyncset.done $0x0  }
0x453: {  	s3 =	simm.s32 $0x9C00;
	s29 =	simm.s32 $0x2A40;
	[sflag:s5] =	ssyncadd.s32 $0xFFFFFCC0  }
0x454: {  	[tilespmem:s3], [sflag:$0x2] =	stream.indirect.gather [hbm4b:s4+s24], $0x20, s29, s24, $0xb8;
	[tilespmem:$0x1D400] =	vst v63  }
0x455: {  	s3 =	sadd.s32 $0x0, s22;
	_ =	swait.ge [sflag:s21], $0x6800  }
0x456: {  	s31 =	simm.s32 $0x200;
	s3 =	sand.u32 $0x1FFC3E00, s3;
	[sflag:s21] =	ssyncset.done $0x0  }
0x457: {  	s29 =	simm.s32 $0x10400;
	s3 =	sadd.s32 s3, s15;
	[sflag:s21] =	ssyncadd.s32 $0xFFFF9800  }
0x458: {  	[hbm4b:s3+s0] =	stream.strided.scatter [tilespmem:s29], [sflag:$0x7], $0x340, s1, s0, $0x38;
	[tilespmem:$0x1D400] =	vst v63  }
.LBB2_22:
0x459: {  	p0 =	sne.s32 s31, $0x3E00  }
.Ltmp10:
0x45a: {  	_ = 	snop;
	(pc) =	sbr.rel @p0 .LBB2_22-.Ltmp10, $4  }
0x45b: {  	s3 =	sadd.s32 s31, s22  }
0x45c: {  	s3 =	sand.u32 $0x1FFC3E00, s3  }
0x45d: {  	s31 =	sadd.s32 $0x200, s31;
	s29 =	sadd.s32 $0x340, s29;
	s3 =	sadd.s32 s3, s15  }
0x45e: {  	[hbm4b:s3+s0] =	stream.strided.scatter [tilespmem:s29], [sflag:$0x7], $0x340, s1, s0, $0x38;
	[tilespmem:$0x1D400] =	vst v63  }
0x45f: {  	_ =	swait.ge [sflag:s23], $0x340  }
0x460: {  	[sflag:s23] =	ssyncset.done $0x0  }
0x461: {  	[sflag:s23] =	ssyncadd.s32 $0xFFFFFCC0  }
0x462: {  	_ =	swait.ge [sflag:s23], $0x340  }
0x463: {  	[sflag:s23] =	ssyncset.done $0x0  }
0x464: {  	[sflag:s23] =	ssyncadd.s32 $0xFFFFFCC0  }
0x465: {  	_ =	swait.ge [sflag:s23], $0x340  }
0x466: {  	[sflag:s23] =	ssyncset.done $0x0  }
0x467: {  	[sflag:s23] =	ssyncadd.s32 $0xFFFFFCC0  }
0x468: {  	_ =	swait.ge [sflag:s23], $0x340  }
0x469: {  	[sflag:s23] =	ssyncset.done $0x0  }
0x46a: {  	[sflag:s23] =	ssyncadd.s32 $0xFFFFFCC0  }
0x46b: {  	_ =	swait.ge [sflag:s23], $0x340  }
0x46c: {  	[sflag:s23] =	ssyncset.done $0x0  }
0x46d: {  	[sflag:s23] =	ssyncadd.s32 $0xFFFFFCC0  }
0x46e: {  	_ =	swait.ge [sflag:s23], $0x340  }
0x46f: {  	[sflag:s23] =	ssyncset.done $0x0  }
0x470: {  	[sflag:s23] =	ssyncadd.s32 $0xFFFFFCC0  }
0x471: {  	_ =	swait.ge [sflag:s23], $0x340  }
0x472: {  	[sflag:s23] =	ssyncset.done $0x0  }
0x473: {  	[sflag:s23] =	ssyncadd.s32 $0xFFFFFCC0  }
0x474: {  	_ =	swait.ge [sflag:s23], $0x340  }
0x475: {  	[sflag:s23] =	ssyncset.done $0x0  }
0x476: {  	[sflag:s23] =	ssyncadd.s32 $0xFFFFFCC0  }
0x477: {  	_ =	swait.ge [sflag:s23], $0x340  }
0x478: {  	[sflag:s23] =	ssyncset.done $0x0  }
0x479: {  	[sflag:s23] =	ssyncadd.s32 $0xFFFFFCC0  }
0x47a: {  	_ =	swait.ge [sflag:s23], $0x340  }
0x47b: {  	[sflag:s23] =	ssyncset.done $0x0  }
0x47c: {  	[sflag:s23] =	ssyncadd.s32 $0xFFFFFCC0  }
0x47d: {  	_ =	swait.ge [sflag:s23], $0x340  }
0x47e: {  	[sflag:s23] =	ssyncset.done $0x0  }
0x47f: {  	[sflag:s23] =	ssyncadd.s32 $0xFFFFFCC0  }
0x480: {  	_ =	swait.ge [sflag:s23], $0x340  }
0x481: {  	[sflag:s23] =	ssyncset.done $0x0  }
0x482: {  	[sflag:s23] =	ssyncadd.s32 $0xFFFFFCC0  }
0x483: {  	_ =	swait.ge [sflag:s23], $0x340  }
0x484: {  	[sflag:s23] =	ssyncset.done $0x0  }
0x485: {  	[sflag:s23] =	ssyncadd.s32 $0xFFFFFCC0  }
0x486: {  	_ =	swait.ge [sflag:s23], $0x340  }
0x487: {  	[sflag:s23] =	ssyncset.done $0x0  }
0x488: {  	[sflag:s23] =	ssyncadd.s32 $0xFFFFFCC0  }
0x489: {  	_ =	swait.ge [sflag:s23], $0x340  }
0x48a: {  	[sflag:s23] =	ssyncset.done $0x0  }
0x48b: {  	[sflag:s23] =	ssyncadd.s32 $0xFFFFFCC0  }
0x48c: {  	_ =	swait.ge [sflag:s23], $0x340  }
0x48d: {  	[sflag:s23] =	ssyncset.done $0x0  }
0x48e: {  	[sflag:s23] =	ssyncadd.s32 $0xFFFFFCC0  }
0x48f: {  	_ =	swait.ge [sflag:s23], $0x340  }
0x490: {  	[sflag:s23] =	ssyncset.done $0x0  }
0x491: {  	[sflag:s23] =	ssyncadd.s32 $0xFFFFFCC0  }
0x492: {  	_ =	swait.ge [sflag:s23], $0x340  }
0x493: {  	[sflag:s23] =	ssyncset.done $0x0  }
0x494: {  	[sflag:s23] =	ssyncadd.s32 $0xFFFFFCC0  }
0x495: {  	_ =	swait.ge [sflag:s23], $0x340  }
0x496: {  	[sflag:s23] =	ssyncset.done $0x0  }
0x497: {  	[sflag:s23] =	ssyncadd.s32 $0xFFFFFCC0  }
0x498: {  	_ =	swait.ge [sflag:s23], $0x340  }
0x499: {  	[sflag:s23] =	ssyncset.done $0x0  }
0x49a: {  	[sflag:s23] =	ssyncadd.s32 $0xFFFFFCC0  }
0x49b: {  	_ =	swait.ge [sflag:s23], $0x340  }
0x49c: {  	[sflag:s23] =	ssyncset.done $0x0  }
0x49d: {  	[sflag:s23] =	ssyncadd.s32 $0xFFFFFCC0  }
0x49e: {  	_ =	swait.ge [sflag:s23], $0x340  }
0x49f: {  	[sflag:s23] =	ssyncset.done $0x0  }
0x4a0: {  	[sflag:s23] =	ssyncadd.s32 $0xFFFFFCC0  }
0x4a1: {  	_ =	swait.ge [sflag:s23], $0x340  }
0x4a2: {  	[sflag:s23] =	ssyncset.done $0x0  }
0x4a3: {  	[sflag:s23] =	ssyncadd.s32 $0xFFFFFCC0  }
0x4a4: {  	_ =	swait.ge [sflag:s23], $0x340  }
0x4a5: {  	[sflag:s23] =	ssyncset.done $0x0  }
0x4a6: {  	[sflag:s23] =	ssyncadd.s32 $0xFFFFFCC0  }
0x4a7: {  	_ =	swait.ge [sflag:s23], $0x340  }
0x4a8: {  	[sflag:s23] =	ssyncset.done $0x0  }
0x4a9: {  	[sflag:s23] =	ssyncadd.s32 $0xFFFFFCC0  }
0x4aa: {  	_ =	swait.ge [sflag:s23], $0x340  }
0x4ab: {  	[sflag:s23] =	ssyncset.done $0x0  }
0x4ac: {  	[sflag:s23] =	ssyncadd.s32 $0xFFFFFCC0  }
0x4ad: {  	_ =	swait.ge [sflag:s23], $0x340  }
0x4ae: {  	[sflag:s23] =	ssyncset.done $0x0  }
0x4af: {  	[sflag:s23] =	ssyncadd.s32 $0xFFFFFCC0  }
0x4b0: {  	_ =	swait.ge [sflag:s23], $0x340  }
0x4b1: {  	[sflag:s23] =	ssyncset.done $0x0  }
0x4b2: {  	[sflag:s23] =	ssyncadd.s32 $0xFFFFFCC0  }
0x4b3: {  	_ =	swait.ge [sflag:s23], $0x340  }
0x4b4: {  	[sflag:s23] =	ssyncset.done $0x0  }
0x4b5: {  	[sflag:s23] =	ssyncadd.s32 $0xFFFFFCC0  }
0x4b6: {  	_ =	swait.ge [sflag:s23], $0x340  }
0x4b7: {  	[sflag:s23] =	ssyncset.done $0x0  }
0x4b8: {  	[sflag:s23] =	ssyncadd.s32 $0xFFFFFCC0  }
0x4b9: {  	_ =	swait.ge [sflag:s23], $0x340  }
0x4ba: {  	[sflag:s23] =	ssyncset.done $0x0  }
0x4bb: {  	[sflag:s23] =	ssyncadd.s32 $0xFFFFFCC0  }
0x4bc: {  	_ =	swait.ge [sflag:s23], $0x340  }
0x4bd: {  	[sflag:s23] =	ssyncset.done $0x0  }
0x4be: {  	s3 =	simm.s32 $0x10400;
	s29 =	simm.s32 $0x2D80;
	[sflag:s23] =	ssyncadd.s32 $0xFFFFFCC0  }
0x4bf: {  	[tilespmem:s3], [sflag:$0x3] =	stream.indirect.gather [hbm4b:s4+s24], $0x20, s29, s24, $0xb8;
	[tilespmem:$0x1D400] =	vst v63  }
0x4c0: {  	s3 =	sadd.s32 $0x0, s22;
	_ =	swait.ge [sflag:s25], $0x6800  }
0x4c1: {  	s31 =	simm.s32 $0x200;
	s3 =	sand.u32 $0x1FFC3E00, s3;
	[sflag:s25] =	ssyncset.done $0x0  }
0x4c2: {  	s29 =	simm.s32 $0x16C00;
	s3 =	sadd.s32 s3, s16;
	[sflag:s25] =	ssyncadd.s32 $0xFFFF9800  }
0x4c3: {  	[hbm4b:s3+s0] =	stream.strided.scatter [tilespmem:s29], [sflag:$0x8], $0x340, s1, s0, $0x38;
	[tilespmem:$0x1D400] =	vst v63  }
.LBB2_24:
0x4c4: {  	p0 =	sne.s32 s31, $0x3E00  }
.Ltmp11:
0x4c5: {  	_ = 	snop;
	(pc) =	sbr.rel @p0 .LBB2_24-.Ltmp11, $4  }
0x4c6: {  	s3 =	sadd.s32 s31, s22  }
0x4c7: {  	s3 =	sand.u32 $0x1FFC3E00, s3  }
0x4c8: {  	s31 =	sadd.s32 $0x200, s31;
	s29 =	sadd.s32 $0x340, s29;
	s3 =	sadd.s32 s3, s16  }
0x4c9: {  	[hbm4b:s3+s0] =	stream.strided.scatter [tilespmem:s29], [sflag:$0x8], $0x340, s1, s0, $0x38;
	[tilespmem:$0x1D400] =	vst v63  }
0x4ca: {  	_ =	swait.ge [sflag:s28], $0x340  }
0x4cb: {  	[sflag:s28] =	ssyncset.done $0x0  }
0x4cc: {  	[sflag:s28] =	ssyncadd.s32 $0xFFFFFCC0  }
0x4cd: {  	_ =	swait.ge [sflag:s28], $0x340  }
0x4ce: {  	[sflag:s28] =	ssyncset.done $0x0  }
0x4cf: {  	[sflag:s28] =	ssyncadd.s32 $0xFFFFFCC0  }
0x4d0: {  	_ =	swait.ge [sflag:s28], $0x340  }
0x4d1: {  	[sflag:s28] =	ssyncset.done $0x0  }
0x4d2: {  	[sflag:s28] =	ssyncadd.s32 $0xFFFFFCC0  }
0x4d3: {  	_ =	swait.ge [sflag:s28], $0x340  }
0x4d4: {  	[sflag:s28] =	ssyncset.done $0x0  }
0x4d5: {  	[sflag:s28] =	ssyncadd.s32 $0xFFFFFCC0  }
0x4d6: {  	_ =	swait.ge [sflag:s28], $0x340  }
0x4d7: {  	[sflag:s28] =	ssyncset.done $0x0  }
0x4d8: {  	[sflag:s28] =	ssyncadd.s32 $0xFFFFFCC0  }
0x4d9: {  	_ =	swait.ge [sflag:s28], $0x340  }
0x4da: {  	[sflag:s28] =	ssyncset.done $0x0  }
0x4db: {  	[sflag:s28] =	ssyncadd.s32 $0xFFFFFCC0  }
0x4dc: {  	_ =	swait.ge [sflag:s28], $0x340  }
0x4dd: {  	[sflag:s28] =	ssyncset.done $0x0  }
0x4de: {  	[sflag:s28] =	ssyncadd.s32 $0xFFFFFCC0  }
0x4df: {  	_ =	swait.ge [sflag:s28], $0x340  }
0x4e0: {  	[sflag:s28] =	ssyncset.done $0x0  }
0x4e1: {  	[sflag:s28] =	ssyncadd.s32 $0xFFFFFCC0  }
0x4e2: {  	_ =	swait.ge [sflag:s28], $0x340  }
0x4e3: {  	[sflag:s28] =	ssyncset.done $0x0  }
0x4e4: {  	[sflag:s28] =	ssyncadd.s32 $0xFFFFFCC0  }
0x4e5: {  	_ =	swait.ge [sflag:s28], $0x340  }
0x4e6: {  	[sflag:s28] =	ssyncset.done $0x0  }
0x4e7: {  	[sflag:s28] =	ssyncadd.s32 $0xFFFFFCC0  }
0x4e8: {  	_ =	swait.ge [sflag:s28], $0x340  }
0x4e9: {  	[sflag:s28] =	ssyncset.done $0x0  }
0x4ea: {  	[sflag:s28] =	ssyncadd.s32 $0xFFFFFCC0  }
0x4eb: {  	_ =	swait.ge [sflag:s28], $0x340  }
0x4ec: {  	[sflag:s28] =	ssyncset.done $0x0  }
0x4ed: {  	[sflag:s28] =	ssyncadd.s32 $0xFFFFFCC0  }
0x4ee: {  	_ =	swait.ge [sflag:s28], $0x340  }
0x4ef: {  	[sflag:s28] =	ssyncset.done $0x0  }
0x4f0: {  	[sflag:s28] =	ssyncadd.s32 $0xFFFFFCC0  }
0x4f1: {  	_ =	swait.ge [sflag:s28], $0x340  }
0x4f2: {  	[sflag:s28] =	ssyncset.done $0x0  }
0x4f3: {  	[sflag:s28] =	ssyncadd.s32 $0xFFFFFCC0  }
0x4f4: {  	_ =	swait.ge [sflag:s28], $0x340  }
0x4f5: {  	[sflag:s28] =	ssyncset.done $0x0  }
0x4f6: {  	[sflag:s28] =	ssyncadd.s32 $0xFFFFFCC0  }
0x4f7: {  	_ =	swait.ge [sflag:s28], $0x340  }
0x4f8: {  	[sflag:s28] =	ssyncset.done $0x0  }
0x4f9: {  	[sflag:s28] =	ssyncadd.s32 $0xFFFFFCC0  }
0x4fa: {  	_ =	swait.ge [sflag:s28], $0x340  }
0x4fb: {  	[sflag:s28] =	ssyncset.done $0x0  }
0x4fc: {  	[sflag:s28] =	ssyncadd.s32 $0xFFFFFCC0  }
0x4fd: {  	_ =	swait.ge [sflag:s28], $0x340  }
0x4fe: {  	[sflag:s28] =	ssyncset.done $0x0  }
0x4ff: {  	[sflag:s28] =	ssyncadd.s32 $0xFFFFFCC0  }
0x500: {  	_ =	swait.ge [sflag:s28], $0x340  }
0x501: {  	[sflag:s28] =	ssyncset.done $0x0  }
0x502: {  	[sflag:s28] =	ssyncadd.s32 $0xFFFFFCC0  }
0x503: {  	_ =	swait.ge [sflag:s28], $0x340  }
0x504: {  	[sflag:s28] =	ssyncset.done $0x0  }
0x505: {  	[sflag:s28] =	ssyncadd.s32 $0xFFFFFCC0  }
0x506: {  	_ =	swait.ge [sflag:s28], $0x340  }
0x507: {  	[sflag:s28] =	ssyncset.done $0x0  }
0x508: {  	[sflag:s28] =	ssyncadd.s32 $0xFFFFFCC0  }
0x509: {  	_ =	swait.ge [sflag:s28], $0x340  }
0x50a: {  	[sflag:s28] =	ssyncset.done $0x0  }
0x50b: {  	[sflag:s28] =	ssyncadd.s32 $0xFFFFFCC0  }
0x50c: {  	_ =	swait.ge [sflag:s28], $0x340  }
0x50d: {  	[sflag:s28] =	ssyncset.done $0x0  }
0x50e: {  	[sflag:s28] =	ssyncadd.s32 $0xFFFFFCC0  }
0x50f: {  	_ =	swait.ge [sflag:s28], $0x340  }
0x510: {  	[sflag:s28] =	ssyncset.done $0x0  }
0x511: {  	[sflag:s28] =	ssyncadd.s32 $0xFFFFFCC0  }
0x512: {  	_ =	swait.ge [sflag:s28], $0x340  }
0x513: {  	[sflag:s28] =	ssyncset.done $0x0  }
0x514: {  	[sflag:s28] =	ssyncadd.s32 $0xFFFFFCC0  }
0x515: {  	_ =	swait.ge [sflag:s28], $0x340  }
0x516: {  	[sflag:s28] =	ssyncset.done $0x0  }
0x517: {  	[sflag:s28] =	ssyncadd.s32 $0xFFFFFCC0  }
0x518: {  	_ =	swait.ge [sflag:s28], $0x340  }
0x519: {  	[sflag:s28] =	ssyncset.done $0x0  }
0x51a: {  	[sflag:s28] =	ssyncadd.s32 $0xFFFFFCC0  }
0x51b: {  	_ =	swait.ge [sflag:s28], $0x340  }
0x51c: {  	[sflag:s28] =	ssyncset.done $0x0  }
0x51d: {  	[sflag:s28] =	ssyncadd.s32 $0xFFFFFCC0  }
0x51e: {  	_ =	swait.ge [sflag:s28], $0x340  }
0x51f: {  	[sflag:s28] =	ssyncset.done $0x0  }
0x520: {  	[sflag:s28] =	ssyncadd.s32 $0xFFFFFCC0  }
0x521: {  	_ =	swait.ge [sflag:s28], $0x340  }
0x522: {  	[sflag:s28] =	ssyncset.done $0x0  }
0x523: {  	[sflag:s28] =	ssyncadd.s32 $0xFFFFFCC0  }
0x524: {  	_ =	swait.ge [sflag:s28], $0x340  }
0x525: {  	[sflag:s28] =	ssyncset.done $0x0  }
0x526: {  	[sflag:s28] =	ssyncadd.s32 $0xFFFFFCC0  }
0x527: {  	_ =	swait.ge [sflag:s28], $0x340  }
0x528: {  	[sflag:s28] =	ssyncset.done $0x0  }
0x529: {  	s3 =	simm.s32 $0x16C00;
	s29 =	simm.s32 $0x30C0;
	[sflag:s28] =	ssyncadd.s32 $0xFFFFFCC0  }
0x52a: {  	[tilespmem:s3], [sflag:$0x4] =	stream.indirect.gather [hbm4b:s4+s24], $0x20, s29, s24, $0xb8;
	[tilespmem:$0x1D400] =	vst v63  }
0x52b: {  	s29 =	simm.s32 $0x1  }
0x52c: {  	s3 =	sadd.s32 $0x0, s22;
	_ =	swait.ge [sflag:s29], $0x6800  }
0x52d: {  	s31 =	simm.s32 $0x200;
	s3 =	sand.u32 $0x1FFC3E00, s3;
	[sflag:s29] =	ssyncset.done $0x0  }
0x52e: {  	s3 =	sadd.s32 s3, s17;
	[sflag:s29] =	ssyncadd.s32 $0xFFFF9800;
	s29 =	simm.s32 $0x3400  }
0x52f: {  	[hbm4b:s3+s0] =	stream.strided.scatter [tilespmem:s29], [sflag:$0x5], $0x340, s1, s0, $0x38;
	[tilespmem:$0x1D400] =	vst v63  }
.LBB2_26:
0x530: {  	p0 =	sne.s32 s31, $0x3E00  }
.Ltmp12:
0x531: {  	_ = 	snop;
	(pc) =	sbr.rel @p0 .LBB2_26-.Ltmp12, $4  }
0x532: {  	s3 =	sadd.s32 s31, s22  }
0x533: {  	s3 =	sand.u32 $0x1FFC3E00, s3  }
0x534: {  	s31 =	sadd.s32 $0x200, s31;
	s29 =	sadd.s32 $0x340, s29;
	s3 =	sadd.s32 s3, s17  }
0x535: {  	[hbm4b:s3+s0] =	stream.strided.scatter [tilespmem:s29], [sflag:$0x5], $0x340, s1, s0, $0x38;
	[tilespmem:$0x1D400] =	vst v63  }
0x536: {  	_ =	swait.ge [sflag:s26], $0x340  }
0x537: {  	[sflag:s26] =	ssyncset.done $0x0  }
0x538: {  	[sflag:s26] =	ssyncadd.s32 $0xFFFFFCC0  }
0x539: {  	_ =	swait.ge [sflag:s26], $0x340  }
0x53a: {  	[sflag:s26] =	ssyncset.done $0x0  }
0x53b: {  	[sflag:s26] =	ssyncadd.s32 $0xFFFFFCC0  }
0x53c: {  	_ =	swait.ge [sflag:s26], $0x340  }
0x53d: {  	[sflag:s26] =	ssyncset.done $0x0  }
0x53e: {  	[sflag:s26] =	ssyncadd.s32 $0xFFFFFCC0  }
0x53f: {  	_ =	swait.ge [sflag:s26], $0x340  }
0x540: {  	[sflag:s26] =	ssyncset.done $0x0  }
0x541: {  	[sflag:s26] =	ssyncadd.s32 $0xFFFFFCC0  }
0x542: {  	_ =	swait.ge [sflag:s26], $0x340  }
0x543: {  	[sflag:s26] =	ssyncset.done $0x0  }
0x544: {  	[sflag:s26] =	ssyncadd.s32 $0xFFFFFCC0  }
0x545: {  	_ =	swait.ge [sflag:s26], $0x340  }
0x546: {  	[sflag:s26] =	ssyncset.done $0x0  }
0x547: {  	[sflag:s26] =	ssyncadd.s32 $0xFFFFFCC0  }
0x548: {  	_ =	swait.ge [sflag:s26], $0x340  }
0x549: {  	[sflag:s26] =	ssyncset.done $0x0  }
0x54a: {  	[sflag:s26] =	ssyncadd.s32 $0xFFFFFCC0  }
0x54b: {  	_ =	swait.ge [sflag:s26], $0x340  }
0x54c: {  	[sflag:s26] =	ssyncset.done $0x0  }
0x54d: {  	[sflag:s26] =	ssyncadd.s32 $0xFFFFFCC0  }
0x54e: {  	_ =	swait.ge [sflag:s26], $0x340  }
0x54f: {  	[sflag:s26] =	ssyncset.done $0x0  }
0x550: {  	[sflag:s26] =	ssyncadd.s32 $0xFFFFFCC0  }
0x551: {  	_ =	swait.ge [sflag:s26], $0x340  }
0x552: {  	[sflag:s26] =	ssyncset.done $0x0  }
0x553: {  	[sflag:s26] =	ssyncadd.s32 $0xFFFFFCC0  }
0x554: {  	_ =	swait.ge [sflag:s26], $0x340  }
0x555: {  	[sflag:s26] =	ssyncset.done $0x0  }
0x556: {  	[sflag:s26] =	ssyncadd.s32 $0xFFFFFCC0  }
0x557: {  	_ =	swait.ge [sflag:s26], $0x340  }
0x558: {  	[sflag:s26] =	ssyncset.done $0x0  }
0x559: {  	[sflag:s26] =	ssyncadd.s32 $0xFFFFFCC0  }
0x55a: {  	_ =	swait.ge [sflag:s26], $0x340  }
0x55b: {  	[sflag:s26] =	ssyncset.done $0x0  }
0x55c: {  	[sflag:s26] =	ssyncadd.s32 $0xFFFFFCC0  }
0x55d: {  	_ =	swait.ge [sflag:s26], $0x340  }
0x55e: {  	[sflag:s26] =	ssyncset.done $0x0  }
0x55f: {  	[sflag:s26] =	ssyncadd.s32 $0xFFFFFCC0  }
0x560: {  	_ =	swait.ge [sflag:s26], $0x340  }
0x561: {  	[sflag:s26] =	ssyncset.done $0x0  }
0x562: {  	[sflag:s26] =	ssyncadd.s32 $0xFFFFFCC0  }
0x563: {  	_ =	swait.ge [sflag:s26], $0x340  }
0x564: {  	[sflag:s26] =	ssyncset.done $0x0  }
0x565: {  	[sflag:s26] =	ssyncadd.s32 $0xFFFFFCC0  }
0x566: {  	_ =	swait.ge [sflag:s26], $0x340  }
0x567: {  	[sflag:s26] =	ssyncset.done $0x0  }
0x568: {  	[sflag:s26] =	ssyncadd.s32 $0xFFFFFCC0  }
0x569: {  	_ =	swait.ge [sflag:s26], $0x340  }
0x56a: {  	[sflag:s26] =	ssyncset.done $0x0  }
0x56b: {  	[sflag:s26] =	ssyncadd.s32 $0xFFFFFCC0  }
0x56c: {  	_ =	swait.ge [sflag:s26], $0x340  }
0x56d: {  	[sflag:s26] =	ssyncset.done $0x0  }
0x56e: {  	[sflag:s26] =	ssyncadd.s32 $0xFFFFFCC0  }
0x56f: {  	_ =	swait.ge [sflag:s26], $0x340  }
0x570: {  	[sflag:s26] =	ssyncset.done $0x0  }
0x571: {  	[sflag:s26] =	ssyncadd.s32 $0xFFFFFCC0  }
0x572: {  	_ =	swait.ge [sflag:s26], $0x340  }
0x573: {  	[sflag:s26] =	ssyncset.done $0x0  }
0x574: {  	[sflag:s26] =	ssyncadd.s32 $0xFFFFFCC0  }
0x575: {  	_ =	swait.ge [sflag:s26], $0x340  }
0x576: {  	[sflag:s26] =	ssyncset.done $0x0  }
0x577: {  	[sflag:s26] =	ssyncadd.s32 $0xFFFFFCC0  }
0x578: {  	_ =	swait.ge [sflag:s26], $0x340  }
0x579: {  	[sflag:s26] =	ssyncset.done $0x0  }
0x57a: {  	[sflag:s26] =	ssyncadd.s32 $0xFFFFFCC0  }
0x57b: {  	_ =	swait.ge [sflag:s26], $0x340  }
0x57c: {  	[sflag:s26] =	ssyncset.done $0x0  }
0x57d: {  	[sflag:s26] =	ssyncadd.s32 $0xFFFFFCC0  }
0x57e: {  	_ =	swait.ge [sflag:s26], $0x340  }
0x57f: {  	[sflag:s26] =	ssyncset.done $0x0  }
0x580: {  	[sflag:s26] =	ssyncadd.s32 $0xFFFFFCC0  }
0x581: {  	_ =	swait.ge [sflag:s26], $0x340  }
0x582: {  	[sflag:s26] =	ssyncset.done $0x0  }
0x583: {  	[sflag:s26] =	ssyncadd.s32 $0xFFFFFCC0  }
0x584: {  	_ =	swait.ge [sflag:s26], $0x340  }
0x585: {  	[sflag:s26] =	ssyncset.done $0x0  }
0x586: {  	[sflag:s26] =	ssyncadd.s32 $0xFFFFFCC0  }
0x587: {  	_ =	swait.ge [sflag:s26], $0x340  }
0x588: {  	[sflag:s26] =	ssyncset.done $0x0  }
0x589: {  	[sflag:s26] =	ssyncadd.s32 $0xFFFFFCC0  }
0x58a: {  	_ =	swait.ge [sflag:s26], $0x340  }
0x58b: {  	[sflag:s26] =	ssyncset.done $0x0  }
0x58c: {  	[sflag:s26] =	ssyncadd.s32 $0xFFFFFCC0  }
0x58d: {  	_ =	swait.ge [sflag:s26], $0x340  }
0x58e: {  	[sflag:s26] =	ssyncset.done $0x0  }
0x58f: {  	[sflag:s26] =	ssyncadd.s32 $0xFFFFFCC0  }
0x590: {  	_ =	swait.ge [sflag:s26], $0x340  }
0x591: {  	[sflag:s26] =	ssyncset.done $0x0  }
0x592: {  	[sflag:s26] =	ssyncadd.s32 $0xFFFFFCC0  }
0x593: {  	_ =	swait.ge [sflag:s26], $0x340  }
0x594: {  	[sflag:s26] =	ssyncset.done $0x0  }
0x595: {  	s29 =	simm.s32 $0x2;
	[sflag:s26] =	ssyncadd.s32 $0xFFFFFCC0  }
0x596: {  	s3 =	sadd.s32 $0x0, s22;
	_ =	swait.ge [sflag:s29], $0x6800  }
0x597: {  	s31 =	simm.s32 $0x200;
	s3 =	sand.u32 $0x1FFC3E00, s3;
	[sflag:s29] =	ssyncset.done $0x0  }
0x598: {  	s3 =	sadd.s32 s3, s18;
	[sflag:s29] =	ssyncadd.s32 $0xFFFF9800;
	s29 =	simm.s32 $0x9C00  }
0x599: {  	[hbm4b:s3+s0] =	stream.strided.scatter [tilespmem:s29], [sflag:$0x6], $0x340, s1, s0, $0x38;
	[tilespmem:$0x1D400] =	vst v63  }
.LBB2_28:
0x59a: {  	p0 =	sne.s32 s31, $0x3E00  }
.Ltmp13:
0x59b: {  	_ = 	snop;
	(pc) =	sbr.rel @p0 .LBB2_28-.Ltmp13, $4  }
0x59c: {  	s3 =	sadd.s32 s31, s22  }
0x59d: {  	s3 =	sand.u32 $0x1FFC3E00, s3  }
0x59e: {  	s31 =	sadd.s32 $0x200, s31;
	s29 =	sadd.s32 $0x340, s29;
	s3 =	sadd.s32 s3, s18  }
0x59f: {  	[hbm4b:s3+s0] =	stream.strided.scatter [tilespmem:s29], [sflag:$0x6], $0x340, s1, s0, $0x38;
	[tilespmem:$0x1D400] =	vst v63  }
0x5a0: {  	_ =	swait.ge [sflag:s5], $0x340  }
0x5a1: {  	[sflag:s5] =	ssyncset.done $0x0  }
0x5a2: {  	[sflag:s5] =	ssyncadd.s32 $0xFFFFFCC0  }
0x5a3: {  	_ =	swait.ge [sflag:s5], $0x340  }
0x5a4: {  	[sflag:s5] =	ssyncset.done $0x0  }
0x5a5: {  	[sflag:s5] =	ssyncadd.s32 $0xFFFFFCC0  }
0x5a6: {  	_ =	swait.ge [sflag:s5], $0x340  }
0x5a7: {  	[sflag:s5] =	ssyncset.done $0x0  }
0x5a8: {  	[sflag:s5] =	ssyncadd.s32 $0xFFFFFCC0  }
0x5a9: {  	_ =	swait.ge [sflag:s5], $0x340  }
0x5aa: {  	[sflag:s5] =	ssyncset.done $0x0  }
0x5ab: {  	[sflag:s5] =	ssyncadd.s32 $0xFFFFFCC0  }
0x5ac: {  	_ =	swait.ge [sflag:s5], $0x340  }
0x5ad: {  	[sflag:s5] =	ssyncset.done $0x0  }
0x5ae: {  	[sflag:s5] =	ssyncadd.s32 $0xFFFFFCC0  }
0x5af: {  	_ =	swait.ge [sflag:s5], $0x340  }
0x5b0: {  	[sflag:s5] =	ssyncset.done $0x0  }
0x5b1: {  	[sflag:s5] =	ssyncadd.s32 $0xFFFFFCC0  }
0x5b2: {  	_ =	swait.ge [sflag:s5], $0x340  }
0x5b3: {  	[sflag:s5] =	ssyncset.done $0x0  }
0x5b4: {  	[sflag:s5] =	ssyncadd.s32 $0xFFFFFCC0  }
0x5b5: {  	_ =	swait.ge [sflag:s5], $0x340  }
0x5b6: {  	[sflag:s5] =	ssyncset.done $0x0  }
0x5b7: {  	[sflag:s5] =	ssyncadd.s32 $0xFFFFFCC0  }
0x5b8: {  	_ =	swait.ge [sflag:s5], $0x340  }
0x5b9: {  	[sflag:s5] =	ssyncset.done $0x0  }
0x5ba: {  	[sflag:s5] =	ssyncadd.s32 $0xFFFFFCC0  }
0x5bb: {  	_ =	swait.ge [sflag:s5], $0x340  }
0x5bc: {  	[sflag:s5] =	ssyncset.done $0x0  }
0x5bd: {  	[sflag:s5] =	ssyncadd.s32 $0xFFFFFCC0  }
0x5be: {  	_ =	swait.ge [sflag:s5], $0x340  }
0x5bf: {  	[sflag:s5] =	ssyncset.done $0x0  }
0x5c0: {  	[sflag:s5] =	ssyncadd.s32 $0xFFFFFCC0  }
0x5c1: {  	_ =	swait.ge [sflag:s5], $0x340  }
0x5c2: {  	[sflag:s5] =	ssyncset.done $0x0  }
0x5c3: {  	[sflag:s5] =	ssyncadd.s32 $0xFFFFFCC0  }
0x5c4: {  	_ =	swait.ge [sflag:s5], $0x340  }
0x5c5: {  	[sflag:s5] =	ssyncset.done $0x0  }
0x5c6: {  	[sflag:s5] =	ssyncadd.s32 $0xFFFFFCC0  }
0x5c7: {  	_ =	swait.ge [sflag:s5], $0x340  }
0x5c8: {  	[sflag:s5] =	ssyncset.done $0x0  }
0x5c9: {  	[sflag:s5] =	ssyncadd.s32 $0xFFFFFCC0  }
0x5ca: {  	_ =	swait.ge [sflag:s5], $0x340  }
0x5cb: {  	[sflag:s5] =	ssyncset.done $0x0  }
0x5cc: {  	[sflag:s5] =	ssyncadd.s32 $0xFFFFFCC0  }
0x5cd: {  	_ =	swait.ge [sflag:s5], $0x340  }
0x5ce: {  	[sflag:s5] =	ssyncset.done $0x0  }
0x5cf: {  	[sflag:s5] =	ssyncadd.s32 $0xFFFFFCC0  }
0x5d0: {  	_ =	swait.ge [sflag:s5], $0x340  }
0x5d1: {  	[sflag:s5] =	ssyncset.done $0x0  }
0x5d2: {  	[sflag:s5] =	ssyncadd.s32 $0xFFFFFCC0  }
0x5d3: {  	_ =	swait.ge [sflag:s5], $0x340  }
0x5d4: {  	[sflag:s5] =	ssyncset.done $0x0  }
0x5d5: {  	[sflag:s5] =	ssyncadd.s32 $0xFFFFFCC0  }
0x5d6: {  	_ =	swait.ge [sflag:s5], $0x340  }
0x5d7: {  	[sflag:s5] =	ssyncset.done $0x0  }
0x5d8: {  	[sflag:s5] =	ssyncadd.s32 $0xFFFFFCC0  }
0x5d9: {  	_ =	swait.ge [sflag:s5], $0x340  }
0x5da: {  	[sflag:s5] =	ssyncset.done $0x0  }
0x5db: {  	[sflag:s5] =	ssyncadd.s32 $0xFFFFFCC0  }
0x5dc: {  	_ =	swait.ge [sflag:s5], $0x340  }
0x5dd: {  	[sflag:s5] =	ssyncset.done $0x0  }
0x5de: {  	[sflag:s5] =	ssyncadd.s32 $0xFFFFFCC0  }
0x5df: {  	_ =	swait.ge [sflag:s5], $0x340  }
0x5e0: {  	[sflag:s5] =	ssyncset.done $0x0  }
0x5e1: {  	[sflag:s5] =	ssyncadd.s32 $0xFFFFFCC0  }
0x5e2: {  	_ =	swait.ge [sflag:s5], $0x340  }
0x5e3: {  	[sflag:s5] =	ssyncset.done $0x0  }
0x5e4: {  	[sflag:s5] =	ssyncadd.s32 $0xFFFFFCC0  }
0x5e5: {  	_ =	swait.ge [sflag:s5], $0x340  }
0x5e6: {  	[sflag:s5] =	ssyncset.done $0x0  }
0x5e7: {  	[sflag:s5] =	ssyncadd.s32 $0xFFFFFCC0  }
0x5e8: {  	_ =	swait.ge [sflag:s5], $0x340  }
0x5e9: {  	[sflag:s5] =	ssyncset.done $0x0  }
0x5ea: {  	[sflag:s5] =	ssyncadd.s32 $0xFFFFFCC0  }
0x5eb: {  	_ =	swait.ge [sflag:s5], $0x340  }
0x5ec: {  	[sflag:s5] =	ssyncset.done $0x0  }
0x5ed: {  	[sflag:s5] =	ssyncadd.s32 $0xFFFFFCC0  }
0x5ee: {  	_ =	swait.ge [sflag:s5], $0x340  }
0x5ef: {  	[sflag:s5] =	ssyncset.done $0x0  }
0x5f0: {  	[sflag:s5] =	ssyncadd.s32 $0xFFFFFCC0  }
0x5f1: {  	_ =	swait.ge [sflag:s5], $0x340  }
0x5f2: {  	[sflag:s5] =	ssyncset.done $0x0  }
0x5f3: {  	[sflag:s5] =	ssyncadd.s32 $0xFFFFFCC0  }
0x5f4: {  	_ =	swait.ge [sflag:s5], $0x340  }
0x5f5: {  	[sflag:s5] =	ssyncset.done $0x0  }
0x5f6: {  	[sflag:s5] =	ssyncadd.s32 $0xFFFFFCC0  }
0x5f7: {  	_ =	swait.ge [sflag:s5], $0x340  }
0x5f8: {  	[sflag:s5] =	ssyncset.done $0x0  }
0x5f9: {  	[sflag:s5] =	ssyncadd.s32 $0xFFFFFCC0  }
0x5fa: {  	_ =	swait.ge [sflag:s5], $0x340  }
0x5fb: {  	[sflag:s5] =	ssyncset.done $0x0  }
0x5fc: {  	[sflag:s5] =	ssyncadd.s32 $0xFFFFFCC0  }
0x5fd: {  	_ =	swait.ge [sflag:s5], $0x340  }
0x5fe: {  	[sflag:s5] =	ssyncset.done $0x0  }
0x5ff: {  	[sflag:s5] =	ssyncadd.s32 $0xFFFFFCC0  }
0x600: {  	s3 =	sadd.s32 $0x0, s22;
	_ =	swait.ge [sflag:s21], $0x6800  }
0x601: {  	s29 =	simm.s32 $0x10400;
	s3 =	sand.u32 $0x1FFC3E00, s3;
	[sflag:s21] =	ssyncset.done $0x0  }
0x602: {  	s31 =	simm.s32 $0x200;
	s3 =	sadd.s32 s3, s19;
	[sflag:s21] =	ssyncadd.s32 $0xFFFF9800  }
0x603: {  	[hbm4b:s3+s0] =	stream.strided.scatter [tilespmem:s29], [sflag:$0x7], $0x340, s1, s0, $0x38;
	[tilespmem:$0x1D400] =	vst v63  }
.LBB2_30:
0x604: {  	p0 =	sne.s32 s31, $0x3E00  }
.Ltmp14:
0x605: {  	_ = 	snop;
	(pc) =	sbr.rel @p0 .LBB2_30-.Ltmp14, $4  }
0x606: {  	s3 =	sadd.s32 s31, s22  }
0x607: {  	s3 =	sand.u32 $0x1FFC3E00, s3  }
0x608: {  	s31 =	sadd.s32 $0x200, s31;
	s29 =	sadd.s32 $0x340, s29;
	s3 =	sadd.s32 s3, s19  }
0x609: {  	[hbm4b:s3+s0] =	stream.strided.scatter [tilespmem:s29], [sflag:$0x7], $0x340, s1, s0, $0x38;
	[tilespmem:$0x1D400] =	vst v63  }
0x60a: {  	_ =	swait.ge [sflag:s23], $0x340  }
0x60b: {  	[sflag:s23] =	ssyncset.done $0x0  }
0x60c: {  	[sflag:s23] =	ssyncadd.s32 $0xFFFFFCC0  }
0x60d: {  	_ =	swait.ge [sflag:s23], $0x340  }
0x60e: {  	[sflag:s23] =	ssyncset.done $0x0  }
0x60f: {  	[sflag:s23] =	ssyncadd.s32 $0xFFFFFCC0  }
0x610: {  	_ =	swait.ge [sflag:s23], $0x340  }
0x611: {  	[sflag:s23] =	ssyncset.done $0x0  }
0x612: {  	[sflag:s23] =	ssyncadd.s32 $0xFFFFFCC0  }
0x613: {  	_ =	swait.ge [sflag:s23], $0x340  }
0x614: {  	[sflag:s23] =	ssyncset.done $0x0  }
0x615: {  	[sflag:s23] =	ssyncadd.s32 $0xFFFFFCC0  }
0x616: {  	_ =	swait.ge [sflag:s23], $0x340  }
0x617: {  	[sflag:s23] =	ssyncset.done $0x0  }
0x618: {  	[sflag:s23] =	ssyncadd.s32 $0xFFFFFCC0  }
0x619: {  	_ =	swait.ge [sflag:s23], $0x340  }
0x61a: {  	[sflag:s23] =	ssyncset.done $0x0  }
0x61b: {  	[sflag:s23] =	ssyncadd.s32 $0xFFFFFCC0  }
0x61c: {  	_ =	swait.ge [sflag:s23], $0x340  }
0x61d: {  	[sflag:s23] =	ssyncset.done $0x0  }
0x61e: {  	[sflag:s23] =	ssyncadd.s32 $0xFFFFFCC0  }
0x61f: {  	_ =	swait.ge [sflag:s23], $0x340  }
0x620: {  	[sflag:s23] =	ssyncset.done $0x0  }
0x621: {  	[sflag:s23] =	ssyncadd.s32 $0xFFFFFCC0  }
0x622: {  	_ =	swait.ge [sflag:s23], $0x340  }
0x623: {  	[sflag:s23] =	ssyncset.done $0x0  }
0x624: {  	[sflag:s23] =	ssyncadd.s32 $0xFFFFFCC0  }
0x625: {  	_ =	swait.ge [sflag:s23], $0x340  }
0x626: {  	[sflag:s23] =	ssyncset.done $0x0  }
0x627: {  	[sflag:s23] =	ssyncadd.s32 $0xFFFFFCC0  }
0x628: {  	_ =	swait.ge [sflag:s23], $0x340  }
0x629: {  	[sflag:s23] =	ssyncset.done $0x0  }
0x62a: {  	[sflag:s23] =	ssyncadd.s32 $0xFFFFFCC0  }
0x62b: {  	_ =	swait.ge [sflag:s23], $0x340  }
0x62c: {  	[sflag:s23] =	ssyncset.done $0x0  }
0x62d: {  	[sflag:s23] =	ssyncadd.s32 $0xFFFFFCC0  }
0x62e: {  	_ =	swait.ge [sflag:s23], $0x340  }
0x62f: {  	[sflag:s23] =	ssyncset.done $0x0  }
0x630: {  	[sflag:s23] =	ssyncadd.s32 $0xFFFFFCC0  }
0x631: {  	_ =	swait.ge [sflag:s23], $0x340  }
0x632: {  	[sflag:s23] =	ssyncset.done $0x0  }
0x633: {  	[sflag:s23] =	ssyncadd.s32 $0xFFFFFCC0  }
0x634: {  	_ =	swait.ge [sflag:s23], $0x340  }
0x635: {  	[sflag:s23] =	ssyncset.done $0x0  }
0x636: {  	[sflag:s23] =	ssyncadd.s32 $0xFFFFFCC0  }
0x637: {  	_ =	swait.ge [sflag:s23], $0x340  }
0x638: {  	[sflag:s23] =	ssyncset.done $0x0  }
0x639: {  	[sflag:s23] =	ssyncadd.s32 $0xFFFFFCC0  }
0x63a: {  	_ =	swait.ge [sflag:s23], $0x340  }
0x63b: {  	[sflag:s23] =	ssyncset.done $0x0  }
0x63c: {  	[sflag:s23] =	ssyncadd.s32 $0xFFFFFCC0  }
0x63d: {  	_ =	swait.ge [sflag:s23], $0x340  }
0x63e: {  	[sflag:s23] =	ssyncset.done $0x0  }
0x63f: {  	[sflag:s23] =	ssyncadd.s32 $0xFFFFFCC0  }
0x640: {  	_ =	swait.ge [sflag:s23], $0x340  }
0x641: {  	[sflag:s23] =	ssyncset.done $0x0  }
0x642: {  	[sflag:s23] =	ssyncadd.s32 $0xFFFFFCC0  }
0x643: {  	_ =	swait.ge [sflag:s23], $0x340  }
0x644: {  	[sflag:s23] =	ssyncset.done $0x0  }
0x645: {  	[sflag:s23] =	ssyncadd.s32 $0xFFFFFCC0  }
0x646: {  	_ =	swait.ge [sflag:s23], $0x340  }
0x647: {  	[sflag:s23] =	ssyncset.done $0x0  }
0x648: {  	[sflag:s23] =	ssyncadd.s32 $0xFFFFFCC0  }
0x649: {  	_ =	swait.ge [sflag:s23], $0x340  }
0x64a: {  	[sflag:s23] =	ssyncset.done $0x0  }
0x64b: {  	[sflag:s23] =	ssyncadd.s32 $0xFFFFFCC0  }
0x64c: {  	_ =	swait.ge [sflag:s23], $0x340  }
0x64d: {  	[sflag:s23] =	ssyncset.done $0x0  }
0x64e: {  	[sflag:s23] =	ssyncadd.s32 $0xFFFFFCC0  }
0x64f: {  	_ =	swait.ge [sflag:s23], $0x340  }
0x650: {  	[sflag:s23] =	ssyncset.done $0x0  }
0x651: {  	[sflag:s23] =	ssyncadd.s32 $0xFFFFFCC0  }
0x652: {  	_ =	swait.ge [sflag:s23], $0x340  }
0x653: {  	[sflag:s23] =	ssyncset.done $0x0  }
0x654: {  	[sflag:s23] =	ssyncadd.s32 $0xFFFFFCC0  }
0x655: {  	_ =	swait.ge [sflag:s23], $0x340  }
0x656: {  	[sflag:s23] =	ssyncset.done $0x0  }
0x657: {  	[sflag:s23] =	ssyncadd.s32 $0xFFFFFCC0  }
0x658: {  	_ =	swait.ge [sflag:s23], $0x340  }
0x659: {  	[sflag:s23] =	ssyncset.done $0x0  }
0x65a: {  	[sflag:s23] =	ssyncadd.s32 $0xFFFFFCC0  }
0x65b: {  	_ =	swait.ge [sflag:s23], $0x340  }
0x65c: {  	[sflag:s23] =	ssyncset.done $0x0  }
0x65d: {  	[sflag:s23] =	ssyncadd.s32 $0xFFFFFCC0  }
0x65e: {  	_ =	swait.ge [sflag:s23], $0x340  }
0x65f: {  	[sflag:s23] =	ssyncset.done $0x0  }
0x660: {  	[sflag:s23] =	ssyncadd.s32 $0xFFFFFCC0  }
0x661: {  	_ =	swait.ge [sflag:s23], $0x340  }
0x662: {  	[sflag:s23] =	ssyncset.done $0x0  }
0x663: {  	[sflag:s23] =	ssyncadd.s32 $0xFFFFFCC0  }
0x664: {  	_ =	swait.ge [sflag:s23], $0x340  }
0x665: {  	[sflag:s23] =	ssyncset.done $0x0  }
0x666: {  	[sflag:s23] =	ssyncadd.s32 $0xFFFFFCC0  }
0x667: {  	_ =	swait.ge [sflag:s23], $0x340  }
0x668: {  	[sflag:s23] =	ssyncset.done $0x0  }
0x669: {  	[sflag:s23] =	ssyncadd.s32 $0xFFFFFCC0  }
0x66a: {  	s3 =	sadd.s32 $0x0, s22;
	_ =	swait.ge [sflag:s25], $0x6800  }
0x66b: {  	s29 =	simm.s32 $0x16C00;
	s3 =	sand.u32 $0x1FFC3E00, s3;
	[sflag:s25] =	ssyncset.done $0x0  }
0x66c: {  	s31 =	simm.s32 $0x200;
	s3 =	sadd.s32 s3, s20;
	[sflag:s25] =	ssyncadd.s32 $0xFFFF9800  }
0x66d: {  	[hbm4b:s3+s0] =	stream.strided.scatter [tilespmem:s29], [sflag:$0x8], $0x340, s1, s0, $0x38;
	[tilespmem:$0x1D400] =	vst v63  }
.LBB2_32:
0x66e: {  	p0 =	sne.s32 s31, $0x3E00  }
.Ltmp15:
0x66f: {  	_ = 	snop;
	(pc) =	sbr.rel @p0 .LBB2_32-.Ltmp15, $4  }
0x670: {  	s3 =	sadd.s32 s31, s22  }
0x671: {  	s3 =	sand.u32 $0x1FFC3E00, s3  }
0x672: {  	s31 =	sadd.s32 $0x200, s31;
	s29 =	sadd.s32 $0x340, s29;
	s3 =	sadd.s32 s3, s20  }
0x673: {  	[hbm4b:s3+s0] =	stream.strided.scatter [tilespmem:s29], [sflag:$0x8], $0x340, s1, s0, $0x38;
	[tilespmem:$0x1D400] =	vst v63  }
0x674: {  	_ =	swait.ge [sflag:s28], $0x340  }
0x675: {  	[sflag:s28] =	ssyncset.done $0x0  }
0x676: {  	[sflag:s28] =	ssyncadd.s32 $0xFFFFFCC0  }
0x677: {  	_ =	swait.ge [sflag:s28], $0x340  }
0x678: {  	[sflag:s28] =	ssyncset.done $0x0  }
0x679: {  	[sflag:s28] =	ssyncadd.s32 $0xFFFFFCC0  }
0x67a: {  	_ =	swait.ge [sflag:s28], $0x340  }
0x67b: {  	[sflag:s28] =	ssyncset.done $0x0  }
0x67c: {  	[sflag:s28] =	ssyncadd.s32 $0xFFFFFCC0  }
0x67d: {  	_ =	swait.ge [sflag:s28], $0x340  }
0x67e: {  	[sflag:s28] =	ssyncset.done $0x0  }
0x67f: {  	[sflag:s28] =	ssyncadd.s32 $0xFFFFFCC0  }
0x680: {  	_ =	swait.ge [sflag:s28], $0x340  }
0x681: {  	[sflag:s28] =	ssyncset.done $0x0  }
0x682: {  	[sflag:s28] =	ssyncadd.s32 $0xFFFFFCC0  }
0x683: {  	_ =	swait.ge [sflag:s28], $0x340  }
0x684: {  	[sflag:s28] =	ssyncset.done $0x0  }
0x685: {  	[sflag:s28] =	ssyncadd.s32 $0xFFFFFCC0  }
0x686: {  	_ =	swait.ge [sflag:s28], $0x340  }
0x687: {  	[sflag:s28] =	ssyncset.done $0x0  }
0x688: {  	[sflag:s28] =	ssyncadd.s32 $0xFFFFFCC0  }
0x689: {  	_ =	swait.ge [sflag:s28], $0x340  }
0x68a: {  	[sflag:s28] =	ssyncset.done $0x0  }
0x68b: {  	[sflag:s28] =	ssyncadd.s32 $0xFFFFFCC0  }
0x68c: {  	_ =	swait.ge [sflag:s28], $0x340  }
0x68d: {  	[sflag:s28] =	ssyncset.done $0x0  }
0x68e: {  	[sflag:s28] =	ssyncadd.s32 $0xFFFFFCC0  }
0x68f: {  	_ =	swait.ge [sflag:s28], $0x340  }
0x690: {  	[sflag:s28] =	ssyncset.done $0x0  }
0x691: {  	[sflag:s28] =	ssyncadd.s32 $0xFFFFFCC0  }
0x692: {  	_ =	swait.ge [sflag:s28], $0x340  }
0x693: {  	[sflag:s28] =	ssyncset.done $0x0  }
0x694: {  	[sflag:s28] =	ssyncadd.s32 $0xFFFFFCC0  }
0x695: {  	_ =	swait.ge [sflag:s28], $0x340  }
0x696: {  	[sflag:s28] =	ssyncset.done $0x0  }
0x697: {  	[sflag:s28] =	ssyncadd.s32 $0xFFFFFCC0  }
0x698: {  	_ =	swait.ge [sflag:s28], $0x340  }
0x699: {  	[sflag:s28] =	ssyncset.done $0x0  }
0x69a: {  	[sflag:s28] =	ssyncadd.s32 $0xFFFFFCC0  }
0x69b: {  	_ =	swait.ge [sflag:s28], $0x340  }
0x69c: {  	[sflag:s28] =	ssyncset.done $0x0  }
0x69d: {  	[sflag:s28] =	ssyncadd.s32 $0xFFFFFCC0  }
0x69e: {  	_ =	swait.ge [sflag:s28], $0x340  }
0x69f: {  	[sflag:s28] =	ssyncset.done $0x0  }
0x6a0: {  	[sflag:s28] =	ssyncadd.s32 $0xFFFFFCC0  }
0x6a1: {  	_ =	swait.ge [sflag:s28], $0x340  }
0x6a2: {  	[sflag:s28] =	ssyncset.done $0x0  }
0x6a3: {  	[sflag:s28] =	ssyncadd.s32 $0xFFFFFCC0  }
0x6a4: {  	_ =	swait.ge [sflag:s28], $0x340  }
0x6a5: {  	[sflag:s28] =	ssyncset.done $0x0  }
0x6a6: {  	[sflag:s28] =	ssyncadd.s32 $0xFFFFFCC0  }
0x6a7: {  	_ =	swait.ge [sflag:s28], $0x340  }
0x6a8: {  	[sflag:s28] =	ssyncset.done $0x0  }
0x6a9: {  	[sflag:s28] =	ssyncadd.s32 $0xFFFFFCC0  }
0x6aa: {  	_ =	swait.ge [sflag:s28], $0x340  }
0x6ab: {  	[sflag:s28] =	ssyncset.done $0x0  }
0x6ac: {  	[sflag:s28] =	ssyncadd.s32 $0xFFFFFCC0  }
0x6ad: {  	_ =	swait.ge [sflag:s28], $0x340  }
0x6ae: {  	[sflag:s28] =	ssyncset.done $0x0  }
0x6af: {  	[sflag:s28] =	ssyncadd.s32 $0xFFFFFCC0  }
0x6b0: {  	_ =	swait.ge [sflag:s28], $0x340  }
0x6b1: {  	[sflag:s28] =	ssyncset.done $0x0  }
0x6b2: {  	[sflag:s28] =	ssyncadd.s32 $0xFFFFFCC0  }
0x6b3: {  	_ =	swait.ge [sflag:s28], $0x340  }
0x6b4: {  	[sflag:s28] =	ssyncset.done $0x0  }
0x6b5: {  	[sflag:s28] =	ssyncadd.s32 $0xFFFFFCC0  }
0x6b6: {  	_ =	swait.ge [sflag:s28], $0x340  }
0x6b7: {  	[sflag:s28] =	ssyncset.done $0x0  }
0x6b8: {  	[sflag:s28] =	ssyncadd.s32 $0xFFFFFCC0  }
0x6b9: {  	_ =	swait.ge [sflag:s28], $0x340  }
0x6ba: {  	[sflag:s28] =	ssyncset.done $0x0  }
0x6bb: {  	[sflag:s28] =	ssyncadd.s32 $0xFFFFFCC0  }
0x6bc: {  	_ =	swait.ge [sflag:s28], $0x340  }
0x6bd: {  	[sflag:s28] =	ssyncset.done $0x0  }
0x6be: {  	[sflag:s28] =	ssyncadd.s32 $0xFFFFFCC0  }
0x6bf: {  	_ =	swait.ge [sflag:s28], $0x340  }
0x6c0: {  	[sflag:s28] =	ssyncset.done $0x0  }
0x6c1: {  	[sflag:s28] =	ssyncadd.s32 $0xFFFFFCC0  }
0x6c2: {  	_ =	swait.ge [sflag:s28], $0x340  }
0x6c3: {  	[sflag:s28] =	ssyncset.done $0x0  }
0x6c4: {  	[sflag:s28] =	ssyncadd.s32 $0xFFFFFCC0  }
0x6c5: {  	_ =	swait.ge [sflag:s28], $0x340  }
0x6c6: {  	[sflag:s28] =	ssyncset.done $0x0  }
0x6c7: {  	[sflag:s28] =	ssyncadd.s32 $0xFFFFFCC0  }
0x6c8: {  	_ =	swait.ge [sflag:s28], $0x340  }
0x6c9: {  	[sflag:s28] =	ssyncset.done $0x0  }
0x6ca: {  	[sflag:s28] =	ssyncadd.s32 $0xFFFFFCC0  }
0x6cb: {  	_ =	swait.ge [sflag:s28], $0x340  }
0x6cc: {  	[sflag:s28] =	ssyncset.done $0x0  }
0x6cd: {  	[sflag:s28] =	ssyncadd.s32 $0xFFFFFCC0  }
0x6ce: {  	_ =	swait.ge [sflag:s28], $0x340  }
0x6cf: {  	[sflag:s28] =	ssyncset.done $0x0  }
0x6d0: {  	[sflag:s28] =	ssyncadd.s32 $0xFFFFFCC0  }
0x6d1: {  	_ =	swait.ge [sflag:s28], $0x340  }
0x6d2: {  	s30 =	sadd.s32 $0x1, s30;
	s3 =	rddreg [dreg:$0x5]  }
0x6d3: {  	p0 =	sne.s32 s30, s3  }
.Ltmp16:
0x6d4: {  	_ = 	snop;
	(pc) =	sbr.rel @p0 .LBB2_1-.Ltmp16, $3  }
0x6d5: {  	_ =	sdelay $0x1  }
0x6d6: {  	[sflag:s28] =	ssyncset.done $0x0  }
0x6d7: {  	[sflag:s28] =	ssyncadd.s32 $0xFFFFFCC0  }
0x6d8: {  	_ =	sfence.sel $0x180000  }
0x6d9: {  	[bflag:$0x0] =	sbarrier.arrive $0xFFFF  }
0x6da: {  	_ =	strace $0x90000047  }
0x6db: {  	s0 =	stileid.u32;
	[bflag:$0x2] =	sbarrier.arrive $0xFFFF  }
0x6dc: {  	p0 =	sne.s32 s0, $0x0;
	s0 =	rddreg [dreg:$0x3]  }
0x6dd: {  	s0 =	sadd.s32 @!p0 $0x100000, s0  }
0x6de: {  	[sflag:s0] =	ssyncadd.tile.s32 @!p0 $0x1;
	_ =	shalt  }
.Lfunc_end2:
_tile_overlayer_lowered:
.L_overlay_start_2:
0x6df: {  	(tag) =	ssettag $0x2  }
0x6e0: {  	s0 =	rddreg [dreg:$0x0];
	s2 =	stileid.u32  }
0x6e1: {  	s1 =	rddreg [dreg:$0x1];
	p0 =	sne.s32 s2, $0x0  }
0x6e2: {  	s3 =	rddreg [dreg:$0x2];
	[bflag:$0x3] =	sbarrier.arrive $0xFFFF;
	s2 =	simm.s32 @!p0 $0x1C09  }
0x6e3: {  	[timem:s3], [sflag:s2] =	dma.local @!p0 [hbm:s0], s1  }
0x6e4: {  	s0 =	simm.s32 @!p0 $0x9  }
0x6e5: {  	_ =	swait.ge @!p0 [sflag:s0], s1  }
0x6e6: {  	s1 =	ssub.s32 @!p0 $0x0, s1;
	[sflag:s0] =	ssyncset.done @!p0 $0x0  }
0x6e7: {  	[sflag:s0] =	ssyncadd.s32 @!p0 s1  }
0x6e8: {  	[bflag:$0x3] =	sbarrier.arrive $0xFFFF  }
0x6e9: {  	_ =	shalt  }

</sc_bundles>
